<compile_context>
chip_gen: v7x
topology: tpu7x:2x2x1
jax: 0.10.2.dev20260603
libtpu: 0.0.44.dev20260713+nightly
codegen_flags: <defaults>
</compile_context>

<pallas_src>
import jax
import jax.numpy as jnp
from jax import lax
from jax.experimental import pallas as pl
from jax.experimental.pallas import tpu as pltpu
from jax.experimental.pallas import tpu_sc as plsc

_N = 6_400_000
_NUM_SEG = 10_000
_SEG_PAD = 10_240
_NC, _NS = 2, 16
_NW = _NC * _NS
_NODES_W = _N // _NW
_P = 4_000
_NPIECES = _NODES_W // _P
_GROUPS = _P // 16
_SEG_W = _SEG_PAD // _NS


def _body(xs_hbm, ys_hbm, zs_hbm, ids_hbm, min_hbm,
          eng_out, gx_out, gy_out, gz_out,
          xb0, xb1, yb0, yb1, zb0, zb1, ib0, ib1,
          gxb0, gxb1, gyb0, gyb1, gzb0, gzb1,
          eng_buf, red_buf, min_buf, shared,
          in_sem0, in_sem1, out_sem0, out_sem1):
  cid = lax.axis_index("c")
  sid = lax.axis_index("s")
  wid = sid * _NC + cid
  node0 = wid * _NODES_W

  pltpu.sync_copy(min_hbm, min_buf)
  minx = min_buf[pl.ds(0, 16)]
  miny = min_buf[pl.ds(16, 16)]
  minz = min_buf[pl.ds(32, 16)]

  zeros16 = jnp.zeros((16,), jnp.float32)

  def zero_body(j, _):
    eng_buf[pl.ds(j * 16, 16)] = zeros16
    return 0
  lax.fori_loop(0, _SEG_PAD // 16, zero_body, 0)

  iota = lax.iota(jnp.int32, 16)
  up = jnp.minimum(iota + 1, 15)
  dn = jnp.maximum(iota - 1, 0)
  is0 = iota == 0
  is15 = iota == 15

  in_bufs = (((xb0, xs_hbm), (yb0, ys_hbm), (zb0, zs_hbm), (ib0, ids_hbm)),
             ((xb1, xs_hbm), (yb1, ys_hbm), (zb1, zs_hbm), (ib1, ids_hbm)))
  out_bufs = (((gxb0, gx_out), (gyb0, gy_out), (gzb0, gz_out)),
              ((gxb1, gx_out), (gyb1, gy_out), (gzb1, gz_out)))
  in_sems = (in_sem0, in_sem1)
  out_sems = (out_sem0, out_sem1)

  def start_in(p, b):
    src = pl.ds(node0 + p * _P, _P)
    for buf, hbm in in_bufs[b]:
      pltpu.async_copy(hbm.at[src], buf, in_sems[b])

  def wait_in(p, b):
    src = pl.ds(node0 + p * _P, _P)
    for buf, hbm in in_bufs[b]:
      pltpu.make_async_copy(hbm.at[src], buf, in_sems[b]).wait()

  def start_out(p, b):
    dst = pl.ds(node0 + p * _P, _P)
    for buf, hbm in out_bufs[b]:
      pltpu.async_copy(buf, hbm.at[dst], out_sems[b])

  def wait_out(p, b):
    dst = pl.ds(node0 + p * _P, _P)
    for buf, hbm in out_bufs[b]:
      pltpu.make_async_copy(buf, hbm.at[dst], out_sems[b]).wait()

  def compute_piece(b):
    (xb, _), (yb, _), (zb, _), (ib, _) = in_bufs[b]
    (gxb, _), (gyb, _), (gzb, _) = out_bufs[b]

    def group_body(g):
      o = pl.ds(g * 16, 16)
      ids16 = ib[o]
      dx = xb[o] - minx
      dy = yb[o] - miny
      dz = zb[o] - minz
      sq = dx * dx + dy * dy + dz * dz
      c = plsc.cumsum(sq)
      ids_up = jnp.take_along_axis(ids16, up, axis=0, mode="promise_in_bounds")
      ids_dn = jnp.take_along_axis(ids16, dn, axis=0, mode="promise_in_bounds")
      c_dn = jnp.take_along_axis(c, dn, axis=0, mode="promise_in_bounds")
      m_end = (ids_up != ids16) | is15
      m_start = (ids16 != ids_dn) | is0
      neg_prev = jnp.where(is0, 0.0, -c_dn)
      plsc.addupdate_scatter(eng_buf, [ids16], c, mask=m_end)
      plsc.addupdate_scatter(eng_buf, [ids16], neg_prev, mask=m_start)
      gxb[o] = -2.0 * dx
      gyb[o] = -2.0 * dy
      gzb[o] = -2.0 * dz

    plsc.parallel_loop(0, _GROUPS, 1, unroll=4)(group_body)

  start_in(0, 0)
  start_in(1, 1)

  def pair_body(k2, _):
    for b in range(2):
      p = k2 * 2 + b

      @pl.when(p >= 2)
      def _():
        wait_out(p - 2, b)
      wait_in(p, b)
      compute_piece(b)
      start_out(p, b)

      @pl.when(p + 2 < _NPIECES)
      def _():
        start_in(p + 2, b)
    return 0

  lax.fori_loop(0, _NPIECES // 2, pair_body, 0)
  wait_out(_NPIECES - 2, 0)
  wait_out(_NPIECES - 1, 1)

  pltpu.sync_copy(eng_buf, shared.at[sid])
  plsc.subcore_barrier()
  seg0 = sid * _SEG_W
  for r in range(_NS):
    pltpu.sync_copy(shared.at[r, pl.ds(seg0, _SEG_W)], red_buf.at[r])

  def red_body(j, _):
    acc = red_buf[0, pl.ds(j * 16, 16)]
    for r in range(1, _NS):
      acc = acc + red_buf[r, pl.ds(j * 16, 16)]
    red_buf[0, pl.ds(j * 16, 16)] = acc
    return 0
  lax.fori_loop(0, _SEG_W // 16, red_body, 0)
  pltpu.sync_copy(red_buf.at[0], eng_out.at[cid, pl.ds(seg0, _SEG_W)])


_sc_call_cache = []


def _sc_call(*args):
  if not _sc_call_cache:
    _sc_call_cache.append(_make_sc_call())
  return _sc_call_cache[0](*args)


def _make_sc_call():
  return pl.kernel(
    _body,
    out_type=(
        jax.ShapeDtypeStruct((_NC, _SEG_PAD), jnp.float32),
        jax.ShapeDtypeStruct((_N,), jnp.float32),
        jax.ShapeDtypeStruct((_N,), jnp.float32),
        jax.ShapeDtypeStruct((_N,), jnp.float32),
    ),
    mesh=plsc.VectorSubcoreMesh(core_axis_name="c", subcore_axis_name="s",
                                num_cores=_NC, num_subcores=_NS),
    scratch_types=[
        pltpu.VMEM((_P,), jnp.float32),
        pltpu.VMEM((_P,), jnp.float32),
        pltpu.VMEM((_P,), jnp.float32),
        pltpu.VMEM((_P,), jnp.float32),
        pltpu.VMEM((_P,), jnp.float32),
        pltpu.VMEM((_P,), jnp.float32),
        pltpu.VMEM((_P,), jnp.int32),
        pltpu.VMEM((_P,), jnp.int32),
        pltpu.VMEM((_P,), jnp.float32),
        pltpu.VMEM((_P,), jnp.float32),
        pltpu.VMEM((_P,), jnp.float32),
        pltpu.VMEM((_P,), jnp.float32),
        pltpu.VMEM((_P,), jnp.float32),
        pltpu.VMEM((_P,), jnp.float32),
        pltpu.VMEM((_SEG_PAD,), jnp.float32),
        pltpu.VMEM((_NS, _SEG_W), jnp.float32),
        pltpu.VMEM((48,), jnp.float32),
        pltpu.VMEM_SHARED((_NS, _SEG_PAD), jnp.float32),
        pltpu.SemaphoreType.DMA,
        pltpu.SemaphoreType.DMA,
        pltpu.SemaphoreType.DMA,
        pltpu.SemaphoreType.DMA,
    ],
    compiler_params=pltpu.CompilerParams(needs_layout_passes=False),
  )


def kernel(positions, segment_ids, minimum):
  xs = positions[:, 0]
  ys = positions[:, 1]
  zs = positions[:, 2]
  min_bcast = jnp.repeat(minimum.astype(jnp.float32), 16)
  eng2, gx, gy, gz = _sc_call(xs, ys, zs, segment_ids, min_bcast)
  energies = (eng2[0] + eng2[1])[:_NUM_SEG]
  neg_grad = jnp.stack([gx, gy, gz], axis=1)
  stress = jnp.zeros((_NUM_SEG, 6), positions.dtype)
  return (energies, neg_grad, stress)

# --- scband reference (transcript-rebuilt; emitter-appended) ---
"""Pipeline reference for scband-euclidean-norm-model-26405458936081 (READ-ONLY COPY).

The authoritative reference and input builder live on the scoring server;
editing this copy changes nothing except your own understanding.
"""

import jax, jax.numpy as jnp
import numpy as np

N = 6_400_000
NUM_SEG = 10_000

def setup_inputs(seed: int = 0) -> dict:
    key = jax.random.key(seed)
    k1, k2 = jax.random.split(key)
    positions = jax.random.normal(k1, (N, 3), dtype=jnp.float32)
    segment_ids = jnp.sort(jax.random.randint(k2, (N,), 0, NUM_SEG)).astype(jnp.int32)
    minimum = jnp.array([-0.5, -2.0, -1.0], dtype=jnp.float32)
    return {"positions": positions, "segment_ids": segment_ids, "minimum": minimum}

def reference(positions, segment_ids, minimum):
    # sqnorm = ||positions - minimum||^2 per node (torch.norm(...)**2 == sum of squares)
    diff = positions - minimum
    sqnorm = jnp.sum(diff * diff, axis=1)
    # energies = segment-sum of per-node sqnorm over graphs (aggregate_nodes with n_node counts)
    energies = jax.ops.segment_sum(sqnorm, segment_ids, num_segments=NUM_SEG)
    # analytic negative gradient of sqnorm w.r.t. positions
    neg_grad = 2.0 * (minimum - positions)
    stress = jnp.zeros((NUM_SEG, 6), dtype=positions.dtype)
    return (energies, neg_grad, stress)

if __name__ == "__main__":
    import jax
    _d = setup_inputs()
    print(jax.jit(kernel)(*tuple(_d.values())))

</pallas_src>

<mosaic_0001>
#map = affine_map<(d0, d1) -> (0)>
#map1 = affine_map<(d0, d1) -> (0, 0)>
module attributes {stable_mosaic.version = 14 : i64} {
  func.func @_body(%arg0: i32, %arg1: i32, %arg2: memref<6400000xf32, #tpu.memory_space<hbm>>, %arg3: memref<6400000xf32, #tpu.memory_space<hbm>>, %arg4: memref<6400000xf32, #tpu.memory_space<hbm>>, %arg5: memref<6400000xi32, #tpu.memory_space<hbm>>, %arg6: memref<48xf32, #tpu.memory_space<hbm>>, %arg7: memref<2x10240xf32, #tpu.memory_space<hbm>>, %arg8: memref<6400000xf32, #tpu.memory_space<hbm>>, %arg9: memref<6400000xf32, #tpu.memory_space<hbm>>, %arg10: memref<6400000xf32, #tpu.memory_space<hbm>>, %arg11: memref<4000xf32, #tpu.memory_space<vmem>>, %arg12: memref<4000xf32, #tpu.memory_space<vmem>>, %arg13: memref<4000xf32, #tpu.memory_space<vmem>>, %arg14: memref<4000xf32, #tpu.memory_space<vmem>>, %arg15: memref<4000xf32, #tpu.memory_space<vmem>>, %arg16: memref<4000xf32, #tpu.memory_space<vmem>>, %arg17: memref<4000xi32, #tpu.memory_space<vmem>>, %arg18: memref<4000xi32, #tpu.memory_space<vmem>>, %arg19: memref<4000xf32, #tpu.memory_space<vmem>>, %arg20: memref<4000xf32, #tpu.memory_space<vmem>>, %arg21: memref<4000xf32, #tpu.memory_space<vmem>>, %arg22: memref<4000xf32, #tpu.memory_space<vmem>>, %arg23: memref<4000xf32, #tpu.memory_space<vmem>>, %arg24: memref<4000xf32, #tpu.memory_space<vmem>>, %arg25: memref<10240xf32, #tpu.memory_space<vmem>>, %arg26: memref<16x640xf32, #tpu.memory_space<vmem>>, %arg27: memref<48xf32, #tpu.memory_space<vmem>>, %arg28: memref<16x10240xf32, #tpu.memory_space<vmem_shared>>, %arg29: memref<!tpu.dma_semaphore, #tpu.memory_space<semaphore_mem>>, %arg30: memref<!tpu.dma_semaphore, #tpu.memory_space<semaphore_mem>>, %arg31: memref<!tpu.dma_semaphore, #tpu.memory_space<semaphore_mem>>, %arg32: memref<!tpu.dma_semaphore, #tpu.memory_space<semaphore_mem>>) attributes {dimension_semantics = [#tpu.dimension_semantics<core_parallel>, #tpu.dimension_semantics<subcore_parallel>], iteration_bounds = array<i64: 2, 16>, scalar_prefetch = 0 : i64, scratch_operands = 22 : i64, tpu.core_type = #tpu.core_type<sc_vector_subcore>, window_params = [{transform_indices = #map}, {transform_indices = #map}, {transform_indices = #map}, {transform_indices = #map}, {transform_indices = #map}, {transform_indices = #map1}, {transform_indices = #map}, {transform_indices = #map}, {transform_indices = #map}]} {
    %mul3A = arith.constant 2 : i32
    %mul3A_0 = arith.muli %arg1, %mul3A : i32
    %add3A = arith.addi %mul3A_0, %arg0 : i32
    %mul3A_1 = arith.constant 200000 : i32
    %mul3A_2 = arith.muli %add3A, %mul3A_1 : i32
    "tpu.region"() ({
      %run_scoped3A_111 = tpu.sem_alloc : memref<!tpu.dma_semaphore, #tpu.memory_space<semaphore_mem>>
      tpu.enqueue_dma source(%arg6 : memref<48xf32, #tpu.memory_space<hbm>>) target(%arg27 : memref<48xf32, #tpu.memory_space<vmem>>) target_semaphore(%run_scoped3A_111 : memref<!tpu.dma_semaphore, #tpu.memory_space<semaphore_mem>>)
      tpu.wait_dma2 semaphore(%run_scoped3A_111 : memref<!tpu.dma_semaphore, #tpu.memory_space<semaphore_mem>>) src(%arg6 : memref<48xf32, #tpu.memory_space<hbm>>) dst(%arg27 : memref<48xf32, #tpu.memory_space<vmem>>)
      tpu.yield
    }) : () -> ()
    %get3A = arith.constant 0 : index
    %get3A_3 = tpu.vector_load %arg27[%get3A] {strides = array<i32>} : memref<48xf32, #tpu.memory_space<vmem>>, vector<16xf32>,
    %get3A_4 = arith.constant 16 : index
    %get3A_5 = tpu.vector_load %arg27[%get3A_4] {strides = array<i32>} : memref<48xf32, #tpu.memory_space<vmem>>, vector<16xf32>,
    %get3A_6 = arith.constant 32 : index
    %get3A_7 = tpu.vector_load %arg27[%get3A_6] {strides = array<i32>} : memref<48xf32, #tpu.memory_space<vmem>>, vector<16xf32>,
    %broadcast_in_dim3A = arith.constant 0.000000e+00 : f32
    %broadcast_in_dim3A_8 = vector.broadcast %broadcast_in_dim3A : f32 to vector<16xf32>
    %scan3A = arith.constant 0 : i32
    %scan3A_9 = arith.constant 0 : i32
    %scan3A_10 = arith.constant 640 : i32
    %scan3A_11 = arith.addi %scan3A_9, %scan3A_10 : i32
    %scan3A_12 = arith.constant 1 : i32
    %scan3A_13 = scf.for %scan3A_111 = %scan3A_9 to %scan3A_11 step %scan3A_12 iter_args(%scan3A_112 = %scan3A) -> (i32)  : i32 {
      %mul3A_113 = arith.constant 16 : i32
      %mul3A_114 = arith.muli %scan3A_111, %mul3A_113 : i32
      %swap3A = arith.index_cast %mul3A_114 : i32 to index
      %swap3A_115 = tpu.vector_load %arg25[%swap3A] {strides = array<i32>} : memref<10240xf32, #tpu.memory_space<vmem>>, vector<16xf32>,
      tpu.vector_store %arg25[%swap3A], %broadcast_in_dim3A_8 {strides = array<i32>} : memref<10240xf32, #tpu.memory_space<vmem>>, vector<16xf32>,
      %scan3A_116 = arith.constant 0 : i32
      scf.yield %scan3A_116 : i32
    }
    %scan3A_14 = arith.constant 640 : i32
    %iota3A = tpu.iota {dimensions = array<i32: 0>} : vector<16xi32>
    %add3A_15 = arith.constant 1 : i32
    %add3A_16 = vector.broadcast %add3A_15 : i32 to vector<16xi32>
    %add3A_17 = arith.addi %iota3A, %add3A_16 : vector<16xi32>
    %min3A = arith.constant 15 : i32
    %min3A_18 = vector.broadcast %min3A : i32 to vector<16xi32>
    %min3A_19 = arith.minsi %add3A_17, %min3A_18 : vector<16xi32>
    %sub3A = arith.constant 1 : i32
    %sub3A_20 = vector.broadcast %sub3A : i32 to vector<16xi32>
    %sub3A_21 = arith.subi %iota3A, %sub3A_20 : vector<16xi32>
    %max3A = arith.constant 0 : i32
    %max3A_22 = vector.broadcast %max3A : i32 to vector<16xi32>
    %max3A_23 = arith.maxsi %sub3A_21, %max3A_22 : vector<16xi32>
    %eq3A = arith.constant 0 : i32
    %eq3A_24 = vector.broadcast %eq3A : i32 to vector<16xi32>
    %eq3A_25 = arith.cmpi eq, %iota3A, %eq3A_24 : vector<16xi32>
    %eq3A_26 = arith.constant 15 : i32
    %eq3A_27 = vector.broadcast %eq3A_26 : i32 to vector<16xi32>
    %eq3A_28 = arith.cmpi eq, %iota3A, %eq3A_27 : vector<16xi32>
    %add3A_29 = arith.constant 0 : i32
    %add3A_30 = arith.addi %mul3A_2, %add3A_29 : i32
    %dma_start3A = tpu.memref_slice %arg2[%add3A_30] : memref<6400000xf32, #tpu.memory_space<hbm>> -> memref<4000xf32, #tpu.memory_space<hbm>>
    %dma_start3A_31 = tpu.memref_slice %arg2[%add3A_30] : memref<6400000xf32, #tpu.memory_space<hbm>> -> memref<4000xf32, #tpu.memory_space<hbm>>
    tpu.enqueue_dma source(%dma_start3A_31 : memref<4000xf32, #tpu.memory_space<hbm>>) target(%arg11 : memref<4000xf32, #tpu.memory_space<vmem>>) target_semaphore(%arg29 : memref<!tpu.dma_semaphore, #tpu.memory_space<semaphore_mem>>)
    %dma_start3A_32 = tpu.memref_slice %arg3[%add3A_30] : memref<6400000xf32, #tpu.memory_space<hbm>> -> memref<4000xf32, #tpu.memory_space<hbm>>
    %dma_start3A_33 = tpu.memref_slice %arg3[%add3A_30] : memref<6400000xf32, #tpu.memory_space<hbm>> -> memref<4000xf32, #tpu.memory_space<hbm>>
    tpu.enqueue_dma source(%dma_start3A_33 : memref<4000xf32, #tpu.memory_space<hbm>>) target(%arg13 : memref<4000xf32, #tpu.memory_space<vmem>>) target_semaphore(%arg29 : memref<!tpu.dma_semaphore, #tpu.memory_space<semaphore_mem>>)
    %dma_start3A_34 = tpu.memref_slice %arg4[%add3A_30] : memref<6400000xf32, #tpu.memory_space<hbm>> -> memref<4000xf32, #tpu.memory_space<hbm>>
    %dma_start3A_35 = tpu.memref_slice %arg4[%add3A_30] : memref<6400000xf32, #tpu.memory_space<hbm>> -> memref<4000xf32, #tpu.memory_space<hbm>>
    tpu.enqueue_dma source(%dma_start3A_35 : memref<4000xf32, #tpu.memory_space<hbm>>) target(%arg15 : memref<4000xf32, #tpu.memory_space<vmem>>) target_semaphore(%arg29 : memref<!tpu.dma_semaphore, #tpu.memory_space<semaphore_mem>>)
    %dma_start3A_36 = tpu.memref_slice %arg5[%add3A_30] : memref<6400000xi32, #tpu.memory_space<hbm>> -> memref<4000xi32, #tpu.memory_space<hbm>>
    %dma_start3A_37 = tpu.memref_slice %arg5[%add3A_30] : memref<6400000xi32, #tpu.memory_space<hbm>> -> memref<4000xi32, #tpu.memory_space<hbm>>
    tpu.enqueue_dma source(%dma_start3A_37 : memref<4000xi32, #tpu.memory_space<hbm>>) target(%arg17 : memref<4000xi32, #tpu.memory_space<vmem>>) target_semaphore(%arg29 : memref<!tpu.dma_semaphore, #tpu.memory_space<semaphore_mem>>)
    %add3A_38 = arith.constant 4000 : i32
    %add3A_39 = arith.addi %mul3A_2, %add3A_38 : i32
    %dma_start3A_40 = tpu.memref_slice %arg2[%add3A_39] : memref<6400000xf32, #tpu.memory_space<hbm>> -> memref<4000xf32, #tpu.memory_space<hbm>>
    %dma_start3A_41 = tpu.memref_slice %arg2[%add3A_39] : memref<6400000xf32, #tpu.memory_space<hbm>> -> memref<4000xf32, #tpu.memory_space<hbm>>
    tpu.enqueue_dma source(%dma_start3A_41 : memref<4000xf32, #tpu.memory_space<hbm>>) target(%arg12 : memref<4000xf32, #tpu.memory_space<vmem>>) target_semaphore(%arg30 : memref<!tpu.dma_semaphore, #tpu.memory_space<semaphore_mem>>)
    %dma_start3A_42 = tpu.memref_slice %arg3[%add3A_39] : memref<6400000xf32, #tpu.memory_space<hbm>> -> memref<4000xf32, #tpu.memory_space<hbm>>
    %dma_start3A_43 = tpu.memref_slice %arg3[%add3A_39] : memref<6400000xf32, #tpu.memory_space<hbm>> -> memref<4000xf32, #tpu.memory_space<hbm>>
    tpu.enqueue_dma source(%dma_start3A_43 : memref<4000xf32, #tpu.memory_space<hbm>>) target(%arg14 : memref<4000xf32, #tpu.memory_space<vmem>>) target_semaphore(%arg30 : memref<!tpu.dma_semaphore, #tpu.memory_space<semaphore_mem>>)
    %dma_start3A_44 = tpu.memref_slice %arg4[%add3A_39] : memref<6400000xf32, #tpu.memory_space<hbm>> -> memref<4000xf32, #tpu.memory_space<hbm>>
    %dma_start3A_45 = tpu.memref_slice %arg4[%add3A_39] : memref<6400000xf32, #tpu.memory_space<hbm>> -> memref<4000xf32, #tpu.memory_space<hbm>>
    tpu.enqueue_dma source(%dma_start3A_45 : memref<4000xf32, #tpu.memory_space<hbm>>) target(%arg16 : memref<4000xf32, #tpu.memory_space<vmem>>) target_semaphore(%arg30 : memref<!tpu.dma_semaphore, #tpu.memory_space<semaphore_mem>>)
    %dma_start3A_46 = tpu.memref_slice %arg5[%add3A_39] : memref<6400000xi32, #tpu.memory_space<hbm>> -> memref<4000xi32, #tpu.memory_space<hbm>>
    %dma_start3A_47 = tpu.memref_slice %arg5[%add3A_39] : memref<6400000xi32, #tpu.memory_space<hbm>> -> memref<4000xi32, #tpu.memory_space<hbm>>
    tpu.enqueue_dma source(%dma_start3A_47 : memref<4000xi32, #tpu.memory_space<hbm>>) target(%arg18 : memref<4000xi32, #tpu.memory_space<vmem>>) target_semaphore(%arg30 : memref<!tpu.dma_semaphore, #tpu.memory_space<semaphore_mem>>)
    %scan3A_48 = arith.constant 0 : i32
    %scan3A_49 = arith.constant 0 : i32
    %scan3A_50 = arith.constant 25 : i32
    %scan3A_51 = arith.addi %scan3A_49, %scan3A_50 : i32
    %scan3A_52 = arith.constant 1 : i32
    %scan3A_53 = scf.for %scan3A_111 = %scan3A_49 to %scan3A_51 step %scan3A_52 iter_args(%scan3A_112 = %scan3A_48) -> (i32)  : i32 {
      %mul3A_113 = arith.constant 2 : i32
      %mul3A_114 = arith.muli %scan3A_111, %mul3A_113 : i32
      %add3A_115 = arith.constant 0 : i32
      %add3A_116 = arith.addi %mul3A_114, %add3A_115 : i32
      %ge3A = arith.constant 2 : i32
      %ge3A_117 = arith.cmpi sge, %add3A_116, %ge3A : i32
      %convert_element_type3A = arith.extui %ge3A_117 : i1 to i32
      %cond3A = arith.constant 0 : i32
      %cond3A_118 = arith.cmpi ne, %convert_element_type3A, %cond3A : i32
      scf.if %cond3A_118 {
        %sub3A_187 = arith.constant 2 : i32
        %sub3A_188 = arith.subi %add3A_116, %sub3A_187 : i32
        %mul3A_189 = arith.constant 4000 : i32
        %mul3A_190 = arith.muli %sub3A_188, %mul3A_189 : i32
        %add3A_191 = arith.addi %mul3A_2, %mul3A_190 : i32
        %dma_wait3A_192 = tpu.memref_slice %arg8[%add3A_191] : memref<6400000xf32, #tpu.memory_space<hbm>> -> memref<4000xf32, #tpu.memory_space<hbm>>
        %dma_wait3A_193 = tpu.memref_slice %arg8[%add3A_191] : memref<6400000xf32, #tpu.memory_space<hbm>> -> memref<4000xf32, #tpu.memory_space<hbm>>
        tpu.wait_dma2 semaphore(%arg31 : memref<!tpu.dma_semaphore, #tpu.memory_space<semaphore_mem>>) src(%arg19 : memref<4000xf32, #tpu.memory_space<vmem>>) dst(%dma_wait3A_193 : memref<4000xf32, #tpu.memory_space<hbm>>)
        %dma_wait3A_194 = tpu.memref_slice %arg9[%add3A_191] : memref<6400000xf32, #tpu.memory_space<hbm>> -> memref<4000xf32, #tpu.memory_space<hbm>>
        %dma_wait3A_195 = tpu.memref_slice %arg9[%add3A_191] : memref<6400000xf32, #tpu.memory_space<hbm>> -> memref<4000xf32, #tpu.memory_space<hbm>>
        tpu.wait_dma2 semaphore(%arg31 : memref<!tpu.dma_semaphore, #tpu.memory_space<semaphore_mem>>) src(%arg21 : memref<4000xf32, #tpu.memory_space<vmem>>) dst(%dma_wait3A_195 : memref<4000xf32, #tpu.memory_space<hbm>>)
        %dma_wait3A_196 = tpu.memref_slice %arg10[%add3A_191] : memref<6400000xf32, #tpu.memory_space<hbm>> -> memref<4000xf32, #tpu.memory_space<hbm>>
        %dma_wait3A_197 = tpu.memref_slice %arg10[%add3A_191] : memref<6400000xf32, #tpu.memory_space<hbm>> -> memref<4000xf32, #tpu.memory_space<hbm>>
        tpu.wait_dma2 semaphore(%arg31 : memref<!tpu.dma_semaphore, #tpu.memory_space<semaphore_mem>>) src(%arg23 : memref<4000xf32, #tpu.memory_space<vmem>>) dst(%dma_wait3A_197 : memref<4000xf32, #tpu.memory_space<hbm>>)
      } else {
      }
      %mul3A_119 = arith.constant 4000 : i32
      %mul3A_120 = arith.muli %add3A_116, %mul3A_119 : i32
      %add3A_121 = arith.addi %mul3A_2, %mul3A_120 : i32
      %dma_wait3A_122 = tpu.memref_slice %arg2[%add3A_121] : memref<6400000xf32, #tpu.memory_space<hbm>> -> memref<4000xf32, #tpu.memory_space<hbm>>
      %dma_wait3A_123 = tpu.memref_slice %arg2[%add3A_121] : memref<6400000xf32, #tpu.memory_space<hbm>> -> memref<4000xf32, #tpu.memory_space<hbm>>
      tpu.wait_dma2 semaphore(%arg29 : memref<!tpu.dma_semaphore, #tpu.memory_space<semaphore_mem>>) src(%dma_wait3A_123 : memref<4000xf32, #tpu.memory_space<hbm>>) dst(%arg11 : memref<4000xf32, #tpu.memory_space<vmem>>)
      %dma_wait3A_124 = tpu.memref_slice %arg3[%add3A_121] : memref<6400000xf32, #tpu.memory_space<hbm>> -> memref<4000xf32, #tpu.memory_space<hbm>>
      %dma_wait3A_125 = tpu.memref_slice %arg3[%add3A_121] : memref<6400000xf32, #tpu.memory_space<hbm>> -> memref<4000xf32, #tpu.memory_space<hbm>>
      tpu.wait_dma2 semaphore(%arg29 : memref<!tpu.dma_semaphore, #tpu.memory_space<semaphore_mem>>) src(%dma_wait3A_125 : memref<4000xf32, #tpu.memory_space<hbm>>) dst(%arg13 : memref<4000xf32, #tpu.memory_space<vmem>>)
      %dma_wait3A_126 = tpu.memref_slice %arg4[%add3A_121] : memref<6400000xf32, #tpu.memory_space<hbm>> -> memref<4000xf32, #tpu.memory_space<hbm>>
      %dma_wait3A_127 = tpu.memref_slice %arg4[%add3A_121] : memref<6400000xf32, #tpu.memory_space<hbm>> -> memref<4000xf32, #tpu.memory_space<hbm>>
      tpu.wait_dma2 semaphore(%arg29 : memref<!tpu.dma_semaphore, #tpu.memory_space<semaphore_mem>>) src(%dma_wait3A_127 : memref<4000xf32, #tpu.memory_space<hbm>>) dst(%arg15 : memref<4000xf32, #tpu.memory_space<vmem>>)
      %dma_wait3A_128 = tpu.memref_slice %arg5[%add3A_121] : memref<6400000xi32, #tpu.memory_space<hbm>> -> memref<4000xi32, #tpu.memory_space<hbm>>
      %dma_wait3A_129 = tpu.memref_slice %arg5[%add3A_121] : memref<6400000xi32, #tpu.memory_space<hbm>> -> memref<4000xi32, #tpu.memory_space<hbm>>
      tpu.wait_dma2 semaphore(%arg29 : memref<!tpu.dma_semaphore, #tpu.memory_space<semaphore_mem>>) src(%dma_wait3A_129 : memref<4000xi32, #tpu.memory_space<hbm>>) dst(%arg17 : memref<4000xi32, #tpu.memory_space<vmem>>)
      %parallel_loop3A = arith.constant 0 : i32
      %parallel_loop3A_130 = arith.constant 250 : i32
      %parallel_loop3A_131 = arith.constant 1 : i32
      scf.for %parallel_loop3A_187 = %parallel_loop3A to %parallel_loop3A_130 step %parallel_loop3A_131  : i32 {
        %parallel_loop3A_188 = arith.constant 16 : i32
        %parallel_loop3A_189 = arith.muli %parallel_loop3A_187, %parallel_loop3A_188 : i32
        %parallel_loop3A_190 = arith.index_cast %parallel_loop3A_189 : i32 to index
        %parallel_loop3A_191 = tpu.vector_load %arg17[%parallel_loop3A_190] {strides = array<i32>} : memref<4000xi32, #tpu.memory_space<vmem>>, vector<16xi32>,
        %parallel_loop3A_192 = arith.index_cast %parallel_loop3A_189 : i32 to index
        %parallel_loop3A_193 = tpu.vector_load %arg11[%parallel_loop3A_192] {strides = array<i32>} : memref<4000xf32, #tpu.memory_space<vmem>>, vector<16xf32>,
        %parallel_loop3A_194 = arith.subf %parallel_loop3A_193, %get3A_3 : vector<16xf32>
        %parallel_loop3A_195 = arith.index_cast %parallel_loop3A_189 : i32 to index
        %parallel_loop3A_196 = tpu.vector_load %arg13[%parallel_loop3A_195] {strides = array<i32>} : memref<4000xf32, #tpu.memory_space<vmem>>, vector<16xf32>,
        %parallel_loop3A_197 = arith.subf %parallel_loop3A_196, %get3A_5 : vector<16xf32>
        %parallel_loop3A_198 = arith.index_cast %parallel_loop3A_189 : i32 to index
        %parallel_loop3A_199 = tpu.vector_load %arg15[%parallel_loop3A_198] {strides = array<i32>} : memref<4000xf32, #tpu.memory_space<vmem>>, vector<16xf32>,
        %parallel_loop3A_200 = arith.subf %parallel_loop3A_199, %get3A_7 : vector<16xf32>
        %parallel_loop3A_201 = arith.mulf %parallel_loop3A_194, %parallel_loop3A_194 : vector<16xf32>
        %parallel_loop3A_202 = arith.mulf %parallel_loop3A_197, %parallel_loop3A_197 : vector<16xf32>
        %parallel_loop3A_203 = arith.addf %parallel_loop3A_201, %parallel_loop3A_202 : vector<16xf32>
        %parallel_loop3A_204 = arith.mulf %parallel_loop3A_200, %parallel_loop3A_200 : vector<16xf32>
        %parallel_loop3A_205 = arith.addf %parallel_loop3A_203, %parallel_loop3A_204 : vector<16xf32>
        %parallel_loop3A_206 = arith.constant true
        %parallel_loop3A_207 = vector.broadcast %parallel_loop3A_206 : i1 to vector<16xi1>
        %parallel_loop3A_208 = tpu.scan <sum>, %parallel_loop3A_205 masked %parallel_loop3A_207 : vector<16xf32>, vector<16xi1> -> vector<16xf32>
        %parallel_loop3A_209 = vector.shape_cast %min3A_19 : vector<16xi32> to vector<16x1xi32>
        %parallel_loop3A_210 = vector.shape_cast %parallel_loop3A_209 : vector<16x1xi32> to vector<16xi32>
        %parallel_loop3A_211 = tpu.dynamic_gather %parallel_loop3A_191[%parallel_loop3A_210] in [0] : vector<16xi32>, vector<16xi32> -> vector<16xi32>
        %parallel_loop3A_212 = vector.shape_cast %max3A_23 : vector<16xi32> to vector<16x1xi32>
        %parallel_loop3A_213 = vector.shape_cast %parallel_loop3A_212 : vector<16x1xi32> to vector<16xi32>
        %parallel_loop3A_214 = tpu.dynamic_gather %parallel_loop3A_191[%parallel_loop3A_213] in [0] : vector<16xi32>, vector<16xi32> -> vector<16xi32>
        %parallel_loop3A_215 = vector.shape_cast %max3A_23 : vector<16xi32> to vector<16x1xi32>
        %parallel_loop3A_216 = vector.shape_cast %parallel_loop3A_215 : vector<16x1xi32> to vector<16xi32>
        %parallel_loop3A_217 = tpu.dynamic_gather %parallel_loop3A_208[%parallel_loop3A_216] in [0] : vector<16xf32>, vector<16xi32> -> vector<16xf32>
        %parallel_loop3A_218 = arith.cmpi ne, %parallel_loop3A_211, %parallel_loop3A_191 : vector<16xi32>
        %parallel_loop3A_219 = arith.ori %parallel_loop3A_218, %eq3A_28 : vector<16xi1>
        %parallel_loop3A_220 = arith.cmpi ne, %parallel_loop3A_191, %parallel_loop3A_214 : vector<16xi32>
        %parallel_loop3A_221 = arith.ori %parallel_loop3A_220, %eq3A_25 : vector<16xi1>
        %parallel_loop3A_222 = arith.constant 0.000000e+00 : f32
        %parallel_loop3A_223 = vector.broadcast %parallel_loop3A_222 : f32 to vector<16xf32>
        %parallel_loop3A_224 = arith.subf %parallel_loop3A_223, %parallel_loop3A_217 : vector<16xf32>
        %parallel_loop3A_225 = arith.constant 0.000000e+00 : f32
        %parallel_loop3A_226 = vector.broadcast %parallel_loop3A_225 : f32 to vector<16xf32>
        %parallel_loop3A_227 = arith.select %eq3A_25, %parallel_loop3A_226, %parallel_loop3A_224 : vector<16xi1>, vector<16xf32>
        tpu.vector_store_idx %arg25[%parallel_loop3A_191], %parallel_loop3A_208 masked %parallel_loop3A_219 {add = true} : memref<10240xf32, #tpu.memory_space<vmem>>[vector<16xi32>], vector<16xf32>, vector<16xi1>
        tpu.vector_store_idx %arg25[%parallel_loop3A_191], %parallel_loop3A_227 masked %parallel_loop3A_221 {add = true} : memref<10240xf32, #tpu.memory_space<vmem>>[vector<16xi32>], vector<16xf32>, vector<16xi1>
        %parallel_loop3A_228 = arith.constant -2.000000e+00 : f32
        %parallel_loop3A_229 = vector.broadcast %parallel_loop3A_228 : f32 to vector<16xf32>
        %parallel_loop3A_230 = arith.mulf %parallel_loop3A_229, %parallel_loop3A_194 : vector<16xf32>
        %parallel_loop3A_231 = arith.index_cast %parallel_loop3A_189 : i32 to index
        %parallel_loop3A_232 = tpu.vector_load %arg19[%parallel_loop3A_231] {strides = array<i32>} : memref<4000xf32, #tpu.memory_space<vmem>>, vector<16xf32>,
        tpu.vector_store %arg19[%parallel_loop3A_231], %parallel_loop3A_230 {strides = array<i32>} : memref<4000xf32, #tpu.memory_space<vmem>>, vector<16xf32>,
        %parallel_loop3A_233 = arith.constant -2.000000e+00 : f32
        %parallel_loop3A_234 = vector.broadcast %parallel_loop3A_233 : f32 to vector<16xf32>
        %parallel_loop3A_235 = arith.mulf %parallel_loop3A_234, %parallel_loop3A_197 : vector<16xf32>
        %parallel_loop3A_236 = arith.index_cast %parallel_loop3A_189 : i32 to index
        %parallel_loop3A_237 = tpu.vector_load %arg21[%parallel_loop3A_236] {strides = array<i32>} : memref<4000xf32, #tpu.memory_space<vmem>>, vector<16xf32>,
        tpu.vector_store %arg21[%parallel_loop3A_236], %parallel_loop3A_235 {strides = array<i32>} : memref<4000xf32, #tpu.memory_space<vmem>>, vector<16xf32>,
        %parallel_loop3A_238 = arith.constant -2.000000e+00 : f32
        %parallel_loop3A_239 = vector.broadcast %parallel_loop3A_238 : f32 to vector<16xf32>
        %parallel_loop3A_240 = arith.mulf %parallel_loop3A_239, %parallel_loop3A_200 : vector<16xf32>
        %parallel_loop3A_241 = arith.index_cast %parallel_loop3A_189 : i32 to index
        %parallel_loop3A_242 = tpu.vector_load %arg23[%parallel_loop3A_241] {strides = array<i32>} : memref<4000xf32, #tpu.memory_space<vmem>>, vector<16xf32>,
        tpu.vector_store %arg23[%parallel_loop3A_241], %parallel_loop3A_240 {strides = array<i32>} : memref<4000xf32, #tpu.memory_space<vmem>>, vector<16xf32>,
      } {sc.loop_unroll_factor = 4 : i64, sc.parallel_access}
      %mul3A_132 = arith.constant 4000 : i32
      %mul3A_133 = arith.muli %add3A_116, %mul3A_132 : i32
      %add3A_134 = arith.addi %mul3A_2, %mul3A_133 : i32
      %dma_start3A_135 = tpu.memref_slice %arg8[%add3A_134] : memref<6400000xf32, #tpu.memory_space<hbm>> -> memref<4000xf32, #tpu.memory_space<hbm>>
      %dma_start3A_136 = tpu.memref_slice %arg8[%add3A_134] : memref<6400000xf32, #tpu.memory_space<hbm>> -> memref<4000xf32, #tpu.memory_space<hbm>>
      tpu.enqueue_dma source(%arg19 : memref<4000xf32, #tpu.memory_space<vmem>>) target(%dma_start3A_136 : memref<4000xf32, #tpu.memory_space<hbm>>) target_semaphore(%arg31 : memref<!tpu.dma_semaphore, #tpu.memory_space<semaphore_mem>>)
      %dma_start3A_137 = tpu.memref_slice %arg9[%add3A_134] : memref<6400000xf32, #tpu.memory_space<hbm>> -> memref<4000xf32, #tpu.memory_space<hbm>>
      %dma_start3A_138 = tpu.memref_slice %arg9[%add3A_134] : memref<6400000xf32, #tpu.memory_space<hbm>> -> memref<4000xf32, #tpu.memory_space<hbm>>
      tpu.enqueue_dma source(%arg21 : memref<4000xf32, #tpu.memory_space<vmem>>) target(%dma_start3A_138 : memref<4000xf32, #tpu.memory_space<hbm>>) target_semaphore(%arg31 : memref<!tpu.dma_semaphore, #tpu.memory_space<semaphore_mem>>)
      %dma_start3A_139 = tpu.memref_slice %arg10[%add3A_134] : memref<6400000xf32, #tpu.memory_space<hbm>> -> memref<4000xf32, #tpu.memory_space<hbm>>
      %dma_start3A_140 = tpu.memref_slice %arg10[%add3A_134] : memref<6400000xf32, #tpu.memory_space<hbm>> -> memref<4000xf32, #tpu.memory_space<hbm>>
      tpu.enqueue_dma source(%arg23 : memref<4000xf32, #tpu.memory_space<vmem>>) target(%dma_start3A_140 : memref<4000xf32, #tpu.memory_space<hbm>>) target_semaphore(%arg31 : memref<!tpu.dma_semaphore, #tpu.memory_space<semaphore_mem>>)
      %add3A_141 = arith.constant 2 : i32
      %add3A_142 = arith.addi %add3A_116, %add3A_141 : i32
      %lt3A = arith.constant 50 : i32
      %lt3A_143 = arith.cmpi slt, %add3A_142, %lt3A : i32
      %convert_element_type3A_144 = arith.extui %lt3A_143 : i1 to i32
      %cond3A_145 = arith.constant 0 : i32
      %cond3A_146 = arith.cmpi ne, %convert_element_type3A_144, %cond3A_145 : i32
      scf.if %cond3A_146 {
        %add3A_187 = arith.constant 2 : i32
        %add3A_188 = arith.addi %add3A_116, %add3A_187 : i32
        %mul3A_189 = arith.constant 4000 : i32
        %mul3A_190 = arith.muli %add3A_188, %mul3A_189 : i32
        %add3A_191 = arith.addi %mul3A_2, %mul3A_190 : i32
        %dma_start3A_192 = tpu.memref_slice %arg2[%add3A_191] : memref<6400000xf32, #tpu.memory_space<hbm>> -> memref<4000xf32, #tpu.memory_space<hbm>>
        %dma_start3A_193 = tpu.memref_slice %arg2[%add3A_191] : memref<6400000xf32, #tpu.memory_space<hbm>> -> memref<4000xf32, #tpu.memory_space<hbm>>
        tpu.enqueue_dma source(%dma_start3A_193 : memref<4000xf32, #tpu.memory_space<hbm>>) target(%arg11 : memref<4000xf32, #tpu.memory_space<vmem>>) target_semaphore(%arg29 : memref<!tpu.dma_semaphore, #tpu.memory_space<semaphore_mem>>)
        %dma_start3A_194 = tpu.memref_slice %arg3[%add3A_191] : memref<6400000xf32, #tpu.memory_space<hbm>> -> memref<4000xf32, #tpu.memory_space<hbm>>
        %dma_start3A_195 = tpu.memref_slice %arg3[%add3A_191] : memref<6400000xf32, #tpu.memory_space<hbm>> -> memref<4000xf32, #tpu.memory_space<hbm>>
        tpu.enqueue_dma source(%dma_start3A_195 : memref<4000xf32, #tpu.memory_space<hbm>>) target(%arg13 : memref<4000xf32, #tpu.memory_space<vmem>>) target_semaphore(%arg29 : memref<!tpu.dma_semaphore, #tpu.memory_space<semaphore_mem>>)
        %dma_start3A_196 = tpu.memref_slice %arg4[%add3A_191] : memref<6400000xf32, #tpu.memory_space<hbm>> -> memref<4000xf32, #tpu.memory_space<hbm>>
        %dma_start3A_197 = tpu.memref_slice %arg4[%add3A_191] : memref<6400000xf32, #tpu.memory_space<hbm>> -> memref<4000xf32, #tpu.memory_space<hbm>>
        tpu.enqueue_dma source(%dma_start3A_197 : memref<4000xf32, #tpu.memory_space<hbm>>) target(%arg15 : memref<4000xf32, #tpu.memory_space<vmem>>) target_semaphore(%arg29 : memref<!tpu.dma_semaphore, #tpu.memory_space<semaphore_mem>>)
        %dma_start3A_198 = tpu.memref_slice %arg5[%add3A_191] : memref<6400000xi32, #tpu.memory_space<hbm>> -> memref<4000xi32, #tpu.memory_space<hbm>>
        %dma_start3A_199 = tpu.memref_slice %arg5[%add3A_191] : memref<6400000xi32, #tpu.memory_space<hbm>> -> memref<4000xi32, #tpu.memory_space<hbm>>
        tpu.enqueue_dma source(%dma_start3A_199 : memref<4000xi32, #tpu.memory_space<hbm>>) target(%arg17 : memref<4000xi32, #tpu.memory_space<vmem>>) target_semaphore(%arg29 : memref<!tpu.dma_semaphore, #tpu.memory_space<semaphore_mem>>)
      } else {
      }
      %mul3A_147 = arith.constant 2 : i32
      %mul3A_148 = arith.muli %scan3A_111, %mul3A_147 : i32
      %add3A_149 = arith.constant 1 : i32
      %add3A_150 = arith.addi %mul3A_148, %add3A_149 : i32
      %ge3A_151 = arith.constant 2 : i32
      %ge3A_152 = arith.cmpi sge, %add3A_150, %ge3A_151 : i32
      %convert_element_type3A_153 = arith.extui %ge3A_152 : i1 to i32
      %cond3A_154 = arith.constant 0 : i32
      %cond3A_155 = arith.cmpi ne, %convert_element_type3A_153, %cond3A_154 : i32
      scf.if %cond3A_155 {
        %sub3A_187 = arith.constant 2 : i32
        %sub3A_188 = arith.subi %add3A_150, %sub3A_187 : i32
        %mul3A_189 = arith.constant 4000 : i32
        %mul3A_190 = arith.muli %sub3A_188, %mul3A_189 : i32
        %add3A_191 = arith.addi %mul3A_2, %mul3A_190 : i32
        %dma_wait3A_192 = tpu.memref_slice %arg8[%add3A_191] : memref<6400000xf32, #tpu.memory_space<hbm>> -> memref<4000xf32, #tpu.memory_space<hbm>>
        %dma_wait3A_193 = tpu.memref_slice %arg8[%add3A_191] : memref<6400000xf32, #tpu.memory_space<hbm>> -> memref<4000xf32, #tpu.memory_space<hbm>>
        tpu.wait_dma2 semaphore(%arg32 : memref<!tpu.dma_semaphore, #tpu.memory_space<semaphore_mem>>) src(%arg20 : memref<4000xf32, #tpu.memory_space<vmem>>) dst(%dma_wait3A_193 : memref<4000xf32, #tpu.memory_space<hbm>>)
        %dma_wait3A_194 = tpu.memref_slice %arg9[%add3A_191] : memref<6400000xf32, #tpu.memory_space<hbm>> -> memref<4000xf32, #tpu.memory_space<hbm>>
        %dma_wait3A_195 = tpu.memref_slice %arg9[%add3A_191] : memref<6400000xf32, #tpu.memory_space<hbm>> -> memref<4000xf32, #tpu.memory_space<hbm>>
        tpu.wait_dma2 semaphore(%arg32 : memref<!tpu.dma_semaphore, #tpu.memory_space<semaphore_mem>>) src(%arg22 : memref<4000xf32, #tpu.memory_space<vmem>>) dst(%dma_wait3A_195 : memref<4000xf32, #tpu.memory_space<hbm>>)
        %dma_wait3A_196 = tpu.memref_slice %arg10[%add3A_191] : memref<6400000xf32, #tpu.memory_space<hbm>> -> memref<4000xf32, #tpu.memory_space<hbm>>
        %dma_wait3A_197 = tpu.memref_slice %arg10[%add3A_191] : memref<6400000xf32, #tpu.memory_space<hbm>> -> memref<4000xf32, #tpu.memory_space<hbm>>
        tpu.wait_dma2 semaphore(%arg32 : memref<!tpu.dma_semaphore, #tpu.memory_space<semaphore_mem>>) src(%arg24 : memref<4000xf32, #tpu.memory_space<vmem>>) dst(%dma_wait3A_197 : memref<4000xf32, #tpu.memory_space<hbm>>)
      } else {
      }
      %mul3A_156 = arith.constant 4000 : i32
      %mul3A_157 = arith.muli %add3A_150, %mul3A_156 : i32
      %add3A_158 = arith.addi %mul3A_2, %mul3A_157 : i32
      %dma_wait3A_159 = tpu.memref_slice %arg2[%add3A_158] : memref<6400000xf32, #tpu.memory_space<hbm>> -> memref<4000xf32, #tpu.memory_space<hbm>>
      %dma_wait3A_160 = tpu.memref_slice %arg2[%add3A_158] : memref<6400000xf32, #tpu.memory_space<hbm>> -> memref<4000xf32, #tpu.memory_space<hbm>>
      tpu.wait_dma2 semaphore(%arg30 : memref<!tpu.dma_semaphore, #tpu.memory_space<semaphore_mem>>) src(%dma_wait3A_160 : memref<4000xf32, #tpu.memory_space<hbm>>) dst(%arg12 : memref<4000xf32, #tpu.memory_space<vmem>>)
      %dma_wait3A_161 = tpu.memref_slice %arg3[%add3A_158] : memref<6400000xf32, #tpu.memory_space<hbm>> -> memref<4000xf32, #tpu.memory_space<hbm>>
      %dma_wait3A_162 = tpu.memref_slice %arg3[%add3A_158] : memref<6400000xf32, #tpu.memory_space<hbm>> -> memref<4000xf32, #tpu.memory_space<hbm>>
      tpu.wait_dma2 semaphore(%arg30 : memref<!tpu.dma_semaphore, #tpu.memory_space<semaphore_mem>>) src(%dma_wait3A_162 : memref<4000xf32, #tpu.memory_space<hbm>>) dst(%arg14 : memref<4000xf32, #tpu.memory_space<vmem>>)
      %dma_wait3A_163 = tpu.memref_slice %arg4[%add3A_158] : memref<6400000xf32, #tpu.memory_space<hbm>> -> memref<4000xf32, #tpu.memory_space<hbm>>
      %dma_wait3A_164 = tpu.memref_slice %arg4[%add3A_158] : memref<6400000xf32, #tpu.memory_space<hbm>> -> memref<4000xf32, #tpu.memory_space<hbm>>
      tpu.wait_dma2 semaphore(%arg30 : memref<!tpu.dma_semaphore, #tpu.memory_space<semaphore_mem>>) src(%dma_wait3A_164 : memref<4000xf32, #tpu.memory_space<hbm>>) dst(%arg16 : memref<4000xf32, #tpu.memory_space<vmem>>)
      %dma_wait3A_165 = tpu.memref_slice %arg5[%add3A_158] : memref<6400000xi32, #tpu.memory_space<hbm>> -> memref<4000xi32, #tpu.memory_space<hbm>>
      %dma_wait3A_166 = tpu.memref_slice %arg5[%add3A_158] : memref<6400000xi32, #tpu.memory_space<hbm>> -> memref<4000xi32, #tpu.memory_space<hbm>>
      tpu.wait_dma2 semaphore(%arg30 : memref<!tpu.dma_semaphore, #tpu.memory_space<semaphore_mem>>) src(%dma_wait3A_166 : memref<4000xi32, #tpu.memory_space<hbm>>) dst(%arg18 : memref<4000xi32, #tpu.memory_space<vmem>>)
      %parallel_loop3A_167 = arith.constant 0 : i32
      %parallel_loop3A_168 = arith.constant 250 : i32
      %parallel_loop3A_169 = arith.constant 1 : i32
      scf.for %parallel_loop3A_187 = %parallel_loop3A_167 to %parallel_loop3A_168 step %parallel_loop3A_169  : i32 {
        %parallel_loop3A_188 = arith.constant 16 : i32
        %parallel_loop3A_189 = arith.muli %parallel_loop3A_187, %parallel_loop3A_188 : i32
        %parallel_loop3A_190 = arith.index_cast %parallel_loop3A_189 : i32 to index
        %parallel_loop3A_191 = tpu.vector_load %arg18[%parallel_loop3A_190] {strides = array<i32>} : memref<4000xi32, #tpu.memory_space<vmem>>, vector<16xi32>,
        %parallel_loop3A_192 = arith.index_cast %parallel_loop3A_189 : i32 to index
        %parallel_loop3A_193 = tpu.vector_load %arg12[%parallel_loop3A_192] {strides = array<i32>} : memref<4000xf32, #tpu.memory_space<vmem>>, vector<16xf32>,
        %parallel_loop3A_194 = arith.subf %parallel_loop3A_193, %get3A_3 : vector<16xf32>
        %parallel_loop3A_195 = arith.index_cast %parallel_loop3A_189 : i32 to index
        %parallel_loop3A_196 = tpu.vector_load %arg14[%parallel_loop3A_195] {strides = array<i32>} : memref<4000xf32, #tpu.memory_space<vmem>>, vector<16xf32>,
        %parallel_loop3A_197 = arith.subf %parallel_loop3A_196, %get3A_5 : vector<16xf32>
        %parallel_loop3A_198 = arith.index_cast %parallel_loop3A_189 : i32 to index
        %parallel_loop3A_199 = tpu.vector_load %arg16[%parallel_loop3A_198] {strides = array<i32>} : memref<4000xf32, #tpu.memory_space<vmem>>, vector<16xf32>,
        %parallel_loop3A_200 = arith.subf %parallel_loop3A_199, %get3A_7 : vector<16xf32>
        %parallel_loop3A_201 = arith.mulf %parallel_loop3A_194, %parallel_loop3A_194 : vector<16xf32>
        %parallel_loop3A_202 = arith.mulf %parallel_loop3A_197, %parallel_loop3A_197 : vector<16xf32>
        %parallel_loop3A_203 = arith.addf %parallel_loop3A_201, %parallel_loop3A_202 : vector<16xf32>
        %parallel_loop3A_204 = arith.mulf %parallel_loop3A_200, %parallel_loop3A_200 : vector<16xf32>
        %parallel_loop3A_205 = arith.addf %parallel_loop3A_203, %parallel_loop3A_204 : vector<16xf32>
        %parallel_loop3A_206 = arith.constant true
        %parallel_loop3A_207 = vector.broadcast %parallel_loop3A_206 : i1 to vector<16xi1>
        %parallel_loop3A_208 = tpu.scan <sum>, %parallel_loop3A_205 masked %parallel_loop3A_207 : vector<16xf32>, vector<16xi1> -> vector<16xf32>
        %parallel_loop3A_209 = vector.shape_cast %min3A_19 : vector<16xi32> to vector<16x1xi32>
        %parallel_loop3A_210 = vector.shape_cast %parallel_loop3A_209 : vector<16x1xi32> to vector<16xi32>
        %parallel_loop3A_211 = tpu.dynamic_gather %parallel_loop3A_191[%parallel_loop3A_210] in [0] : vector<16xi32>, vector<16xi32> -> vector<16xi32>
        %parallel_loop3A_212 = vector.shape_cast %max3A_23 : vector<16xi32> to vector<16x1xi32>
        %parallel_loop3A_213 = vector.shape_cast %parallel_loop3A_212 : vector<16x1xi32> to vector<16xi32>
        %parallel_loop3A_214 = tpu.dynamic_gather %parallel_loop3A_191[%parallel_loop3A_213] in [0] : vector<16xi32>, vector<16xi32> -> vector<16xi32>
        %parallel_loop3A_215 = vector.shape_cast %max3A_23 : vector<16xi32> to vector<16x1xi32>
        %parallel_loop3A_216 = vector.shape_cast %parallel_loop3A_215 : vector<16x1xi32> to vector<16xi32>
        %parallel_loop3A_217 = tpu.dynamic_gather %parallel_loop3A_208[%parallel_loop3A_216] in [0] : vector<16xf32>, vector<16xi32> -> vector<16xf32>
        %parallel_loop3A_218 = arith.cmpi ne, %parallel_loop3A_211, %parallel_loop3A_191 : vector<16xi32>
        %parallel_loop3A_219 = arith.ori %parallel_loop3A_218, %eq3A_28 : vector<16xi1>
        %parallel_loop3A_220 = arith.cmpi ne, %parallel_loop3A_191, %parallel_loop3A_214 : vector<16xi32>
        %parallel_loop3A_221 = arith.ori %parallel_loop3A_220, %eq3A_25 : vector<16xi1>
        %parallel_loop3A_222 = arith.constant 0.000000e+00 : f32
        %parallel_loop3A_223 = vector.broadcast %parallel_loop3A_222 : f32 to vector<16xf32>
        %parallel_loop3A_224 = arith.subf %parallel_loop3A_223, %parallel_loop3A_217 : vector<16xf32>
        %parallel_loop3A_225 = arith.constant 0.000000e+00 : f32
        %parallel_loop3A_226 = vector.broadcast %parallel_loop3A_225 : f32 to vector<16xf32>
        %parallel_loop3A_227 = arith.select %eq3A_25, %parallel_loop3A_226, %parallel_loop3A_224 : vector<16xi1>, vector<16xf32>
        tpu.vector_store_idx %arg25[%parallel_loop3A_191], %parallel_loop3A_208 masked %parallel_loop3A_219 {add = true} : memref<10240xf32, #tpu.memory_space<vmem>>[vector<16xi32>], vector<16xf32>, vector<16xi1>
        tpu.vector_store_idx %arg25[%parallel_loop3A_191], %parallel_loop3A_227 masked %parallel_loop3A_221 {add = true} : memref<10240xf32, #tpu.memory_space<vmem>>[vector<16xi32>], vector<16xf32>, vector<16xi1>
        %parallel_loop3A_228 = arith.constant -2.000000e+00 : f32
        %parallel_loop3A_229 = vector.broadcast %parallel_loop3A_228 : f32 to vector<16xf32>
        %parallel_loop3A_230 = arith.mulf %parallel_loop3A_229, %parallel_loop3A_194 : vector<16xf32>
        %parallel_loop3A_231 = arith.index_cast %parallel_loop3A_189 : i32 to index
        %parallel_loop3A_232 = tpu.vector_load %arg20[%parallel_loop3A_231] {strides = array<i32>} : memref<4000xf32, #tpu.memory_space<vmem>>, vector<16xf32>,
        tpu.vector_store %arg20[%parallel_loop3A_231], %parallel_loop3A_230 {strides = array<i32>} : memref<4000xf32, #tpu.memory_space<vmem>>, vector<16xf32>,
        %parallel_loop3A_233 = arith.constant -2.000000e+00 : f32
        %parallel_loop3A_234 = vector.broadcast %parallel_loop3A_233 : f32 to vector<16xf32>
        %parallel_loop3A_235 = arith.mulf %parallel_loop3A_234, %parallel_loop3A_197 : vector<16xf32>
        %parallel_loop3A_236 = arith.index_cast %parallel_loop3A_189 : i32 to index
        %parallel_loop3A_237 = tpu.vector_load %arg22[%parallel_loop3A_236] {strides = array<i32>} : memref<4000xf32, #tpu.memory_space<vmem>>, vector<16xf32>,
        tpu.vector_store %arg22[%parallel_loop3A_236], %parallel_loop3A_235 {strides = array<i32>} : memref<4000xf32, #tpu.memory_space<vmem>>, vector<16xf32>,
        %parallel_loop3A_238 = arith.constant -2.000000e+00 : f32
        %parallel_loop3A_239 = vector.broadcast %parallel_loop3A_238 : f32 to vector<16xf32>
        %parallel_loop3A_240 = arith.mulf %parallel_loop3A_239, %parallel_loop3A_200 : vector<16xf32>
        %parallel_loop3A_241 = arith.index_cast %parallel_loop3A_189 : i32 to index
        %parallel_loop3A_242 = tpu.vector_load %arg24[%parallel_loop3A_241] {strides = array<i32>} : memref<4000xf32, #tpu.memory_space<vmem>>, vector<16xf32>,
        tpu.vector_store %arg24[%parallel_loop3A_241], %parallel_loop3A_240 {strides = array<i32>} : memref<4000xf32, #tpu.memory_space<vmem>>, vector<16xf32>,
      } {sc.loop_unroll_factor = 4 : i64, sc.parallel_access}
      %mul3A_170 = arith.constant 4000 : i32
      %mul3A_171 = arith.muli %add3A_150, %mul3A_170 : i32
      %add3A_172 = arith.addi %mul3A_2, %mul3A_171 : i32
      %dma_start3A_173 = tpu.memref_slice %arg8[%add3A_172] : memref<6400000xf32, #tpu.memory_space<hbm>> -> memref<4000xf32, #tpu.memory_space<hbm>>
      %dma_start3A_174 = tpu.memref_slice %arg8[%add3A_172] : memref<6400000xf32, #tpu.memory_space<hbm>> -> memref<4000xf32, #tpu.memory_space<hbm>>
      tpu.enqueue_dma source(%arg20 : memref<4000xf32, #tpu.memory_space<vmem>>) target(%dma_start3A_174 : memref<4000xf32, #tpu.memory_space<hbm>>) target_semaphore(%arg32 : memref<!tpu.dma_semaphore, #tpu.memory_space<semaphore_mem>>)
      %dma_start3A_175 = tpu.memref_slice %arg9[%add3A_172] : memref<6400000xf32, #tpu.memory_space<hbm>> -> memref<4000xf32, #tpu.memory_space<hbm>>
      %dma_start3A_176 = tpu.memref_slice %arg9[%add3A_172] : memref<6400000xf32, #tpu.memory_space<hbm>> -> memref<4000xf32, #tpu.memory_space<hbm>>
      tpu.enqueue_dma source(%arg22 : memref<4000xf32, #tpu.memory_space<vmem>>) target(%dma_start3A_176 : memref<4000xf32, #tpu.memory_space<hbm>>) target_semaphore(%arg32 : memref<!tpu.dma_semaphore, #tpu.memory_space<semaphore_mem>>)
      %dma_start3A_177 = tpu.memref_slice %arg10[%add3A_172] : memref<6400000xf32, #tpu.memory_space<hbm>> -> memref<4000xf32, #tpu.memory_space<hbm>>
      %dma_start3A_178 = tpu.memref_slice %arg10[%add3A_172] : memref<6400000xf32, #tpu.memory_space<hbm>> -> memref<4000xf32, #tpu.memory_space<hbm>>
      tpu.enqueue_dma source(%arg24 : memref<4000xf32, #tpu.memory_space<vmem>>) target(%dma_start3A_178 : memref<4000xf32, #tpu.memory_space<hbm>>) target_semaphore(%arg32 : memref<!tpu.dma_semaphore, #tpu.memory_space<semaphore_mem>>)
      %add3A_179 = arith.constant 2 : i32
      %add3A_180 = arith.addi %add3A_150, %add3A_179 : i32
      %lt3A_181 = arith.constant 50 : i32
      %lt3A_182 = arith.cmpi slt, %add3A_180, %lt3A_181 : i32
      %convert_element_type3A_183 = arith.extui %lt3A_182 : i1 to i32
      %cond3A_184 = arith.constant 0 : i32
      %cond3A_185 = arith.cmpi ne, %convert_element_type3A_183, %cond3A_184 : i32
      scf.if %cond3A_185 {
        %add3A_187 = arith.constant 2 : i32
        %add3A_188 = arith.addi %add3A_150, %add3A_187 : i32
        %mul3A_189 = arith.constant 4000 : i32
        %mul3A_190 = arith.muli %add3A_188, %mul3A_189 : i32
        %add3A_191 = arith.addi %mul3A_2, %mul3A_190 : i32
        %dma_start3A_192 = tpu.memref_slice %arg2[%add3A_191] : memref<6400000xf32, #tpu.memory_space<hbm>> -> memref<4000xf32, #tpu.memory_space<hbm>>
        %dma_start3A_193 = tpu.memref_slice %arg2[%add3A_191] : memref<6400000xf32, #tpu.memory_space<hbm>> -> memref<4000xf32, #tpu.memory_space<hbm>>
        tpu.enqueue_dma source(%dma_start3A_193 : memref<4000xf32, #tpu.memory_space<hbm>>) target(%arg12 : memref<4000xf32, #tpu.memory_space<vmem>>) target_semaphore(%arg30 : memref<!tpu.dma_semaphore, #tpu.memory_space<semaphore_mem>>)
        %dma_start3A_194 = tpu.memref_slice %arg3[%add3A_191] : memref<6400000xf32, #tpu.memory_space<hbm>> -> memref<4000xf32, #tpu.memory_space<hbm>>
        %dma_start3A_195 = tpu.memref_slice %arg3[%add3A_191] : memref<6400000xf32, #tpu.memory_space<hbm>> -> memref<4000xf32, #tpu.memory_space<hbm>>
        tpu.enqueue_dma source(%dma_start3A_195 : memref<4000xf32, #tpu.memory_space<hbm>>) target(%arg14 : memref<4000xf32, #tpu.memory_space<vmem>>) target_semaphore(%arg30 : memref<!tpu.dma_semaphore, #tpu.memory_space<semaphore_mem>>)
        %dma_start3A_196 = tpu.memref_slice %arg4[%add3A_191] : memref<6400000xf32, #tpu.memory_space<hbm>> -> memref<4000xf32, #tpu.memory_space<hbm>>
        %dma_start3A_197 = tpu.memref_slice %arg4[%add3A_191] : memref<6400000xf32, #tpu.memory_space<hbm>> -> memref<4000xf32, #tpu.memory_space<hbm>>
        tpu.enqueue_dma source(%dma_start3A_197 : memref<4000xf32, #tpu.memory_space<hbm>>) target(%arg16 : memref<4000xf32, #tpu.memory_space<vmem>>) target_semaphore(%arg30 : memref<!tpu.dma_semaphore, #tpu.memory_space<semaphore_mem>>)
        %dma_start3A_198 = tpu.memref_slice %arg5[%add3A_191] : memref<6400000xi32, #tpu.memory_space<hbm>> -> memref<4000xi32, #tpu.memory_space<hbm>>
        %dma_start3A_199 = tpu.memref_slice %arg5[%add3A_191] : memref<6400000xi32, #tpu.memory_space<hbm>> -> memref<4000xi32, #tpu.memory_space<hbm>>
        tpu.enqueue_dma source(%dma_start3A_199 : memref<4000xi32, #tpu.memory_space<hbm>>) target(%arg18 : memref<4000xi32, #tpu.memory_space<vmem>>) target_semaphore(%arg30 : memref<!tpu.dma_semaphore, #tpu.memory_space<semaphore_mem>>)
      } else {
      }
      %scan3A_186 = arith.constant 0 : i32
      scf.yield %scan3A_186 : i32
    }
    %scan3A_54 = arith.constant 25 : i32
    %add3A_55 = arith.constant 192000 : i32
    %add3A_56 = arith.addi %mul3A_2, %add3A_55 : i32
    %dma_wait3A = tpu.memref_slice %arg8[%add3A_56] : memref<6400000xf32, #tpu.memory_space<hbm>> -> memref<4000xf32, #tpu.memory_space<hbm>>
    %dma_wait3A_57 = tpu.memref_slice %arg8[%add3A_56] : memref<6400000xf32, #tpu.memory_space<hbm>> -> memref<4000xf32, #tpu.memory_space<hbm>>
    tpu.wait_dma2 semaphore(%arg31 : memref<!tpu.dma_semaphore, #tpu.memory_space<semaphore_mem>>) src(%arg19 : memref<4000xf32, #tpu.memory_space<vmem>>) dst(%dma_wait3A_57 : memref<4000xf32, #tpu.memory_space<hbm>>)
    %dma_wait3A_58 = tpu.memref_slice %arg9[%add3A_56] : memref<6400000xf32, #tpu.memory_space<hbm>> -> memref<4000xf32, #tpu.memory_space<hbm>>
    %dma_wait3A_59 = tpu.memref_slice %arg9[%add3A_56] : memref<6400000xf32, #tpu.memory_space<hbm>> -> memref<4000xf32, #tpu.memory_space<hbm>>
    tpu.wait_dma2 semaphore(%arg31 : memref<!tpu.dma_semaphore, #tpu.memory_space<semaphore_mem>>) src(%arg21 : memref<4000xf32, #tpu.memory_space<vmem>>) dst(%dma_wait3A_59 : memref<4000xf32, #tpu.memory_space<hbm>>)
    %dma_wait3A_60 = tpu.memref_slice %arg10[%add3A_56] : memref<6400000xf32, #tpu.memory_space<hbm>> -> memref<4000xf32, #tpu.memory_space<hbm>>
    %dma_wait3A_61 = tpu.memref_slice %arg10[%add3A_56] : memref<6400000xf32, #tpu.memory_space<hbm>> -> memref<4000xf32, #tpu.memory_space<hbm>>
    tpu.wait_dma2 semaphore(%arg31 : memref<!tpu.dma_semaphore, #tpu.memory_space<semaphore_mem>>) src(%arg23 : memref<4000xf32, #tpu.memory_space<vmem>>) dst(%dma_wait3A_61 : memref<4000xf32, #tpu.memory_space<hbm>>)
    %add3A_62 = arith.constant 196000 : i32
    %add3A_63 = arith.addi %mul3A_2, %add3A_62 : i32
    %dma_wait3A_64 = tpu.memref_slice %arg8[%add3A_63] : memref<6400000xf32, #tpu.memory_space<hbm>> -> memref<4000xf32, #tpu.memory_space<hbm>>
    %dma_wait3A_65 = tpu.memref_slice %arg8[%add3A_63] : memref<6400000xf32, #tpu.memory_space<hbm>> -> memref<4000xf32, #tpu.memory_space<hbm>>
    tpu.wait_dma2 semaphore(%arg32 : memref<!tpu.dma_semaphore, #tpu.memory_space<semaphore_mem>>) src(%arg20 : memref<4000xf32, #tpu.memory_space<vmem>>) dst(%dma_wait3A_65 : memref<4000xf32, #tpu.memory_space<hbm>>)
    %dma_wait3A_66 = tpu.memref_slice %arg9[%add3A_63] : memref<6400000xf32, #tpu.memory_space<hbm>> -> memref<4000xf32, #tpu.memory_space<hbm>>
    %dma_wait3A_67 = tpu.memref_slice %arg9[%add3A_63] : memref<6400000xf32, #tpu.memory_space<hbm>> -> memref<4000xf32, #tpu.memory_space<hbm>>
    tpu.wait_dma2 semaphore(%arg32 : memref<!tpu.dma_semaphore, #tpu.memory_space<semaphore_mem>>) src(%arg22 : memref<4000xf32, #tpu.memory_space<vmem>>) dst(%dma_wait3A_67 : memref<4000xf32, #tpu.memory_space<hbm>>)
    %dma_wait3A_68 = tpu.memref_slice %arg10[%add3A_63] : memref<6400000xf32, #tpu.memory_space<hbm>> -> memref<4000xf32, #tpu.memory_space<hbm>>
    %dma_wait3A_69 = tpu.memref_slice %arg10[%add3A_63] : memref<6400000xf32, #tpu.memory_space<hbm>> -> memref<4000xf32, #tpu.memory_space<hbm>>
    tpu.wait_dma2 semaphore(%arg32 : memref<!tpu.dma_semaphore, #tpu.memory_space<semaphore_mem>>) src(%arg24 : memref<4000xf32, #tpu.memory_space<vmem>>) dst(%dma_wait3A_69 : memref<4000xf32, #tpu.memory_space<hbm>>)
    "tpu.region"() ({
      %run_scoped3A_111 = tpu.sem_alloc : memref<!tpu.dma_semaphore, #tpu.memory_space<semaphore_mem>>
      %dma_start3A_112 = arith.constant 0 : i32
      %dma_start3A_113 = tpu.memref_slice %arg28[%arg1, %dma_start3A_112] : memref<16x10240xf32, #tpu.memory_space<vmem_shared>> -> memref<1x10240xf32, #tpu.memory_space<vmem_shared>>
      %dma_start3A_114 = tpu.memref_squeeze %dma_start3A_113 : memref<1x10240xf32, #tpu.memory_space<vmem_shared>> -> memref<10240xf32, #tpu.memory_space<vmem_shared>>
      %dma_start3A_115 = arith.constant 0 : i32
      %dma_start3A_116 = tpu.memref_slice %arg28[%arg1, %dma_start3A_115] : memref<16x10240xf32, #tpu.memory_space<vmem_shared>> -> memref<1x10240xf32, #tpu.memory_space<vmem_shared>>
      %dma_start3A_117 = tpu.memref_squeeze %dma_start3A_116 : memref<1x10240xf32, #tpu.memory_space<vmem_shared>> -> memref<10240xf32, #tpu.memory_space<vmem_shared>>
      tpu.enqueue_dma source(%arg25 : memref<10240xf32, #tpu.memory_space<vmem>>) target(%dma_start3A_117 : memref<10240xf32, #tpu.memory_space<vmem_shared>>) target_semaphore(%run_scoped3A_111 : memref<!tpu.dma_semaphore, #tpu.memory_space<semaphore_mem>>)
      %dma_wait3A_118 = arith.constant 0 : i32
      %dma_wait3A_119 = tpu.memref_slice %arg28[%arg1, %dma_wait3A_118] : memref<16x10240xf32, #tpu.memory_space<vmem_shared>> -> memref<1x10240xf32, #tpu.memory_space<vmem_shared>>
      %dma_wait3A_120 = tpu.memref_squeeze %dma_wait3A_119 : memref<1x10240xf32, #tpu.memory_space<vmem_shared>> -> memref<10240xf32, #tpu.memory_space<vmem_shared>>
      %dma_wait3A_121 = arith.constant 0 : i32
      %dma_wait3A_122 = tpu.memref_slice %arg28[%arg1, %dma_wait3A_121] : memref<16x10240xf32, #tpu.memory_space<vmem_shared>> -> memref<1x10240xf32, #tpu.memory_space<vmem_shared>>
      %dma_wait3A_123 = tpu.memref_squeeze %dma_wait3A_122 : memref<1x10240xf32, #tpu.memory_space<vmem_shared>> -> memref<10240xf32, #tpu.memory_space<vmem_shared>>
      tpu.wait_dma2 semaphore(%run_scoped3A_111 : memref<!tpu.dma_semaphore, #tpu.memory_space<semaphore_mem>>) src(%arg25 : memref<10240xf32, #tpu.memory_space<vmem>>) dst(%dma_wait3A_123 : memref<10240xf32, #tpu.memory_space<vmem_shared>>)
      tpu.yield
    }) : () -> ()
    %barrier3A = arith.constant 0 : index
    tpu.barrier barrier_id(%barrier3A)
    %mul3A_70 = arith.constant 640 : i32
    %mul3A_71 = arith.muli %arg1, %mul3A_70 : i32
    %run_scoped3A = arith.constant 0 : i32
    %run_scoped3A_72 = arith.constant 0 : i32
    "tpu.region"() ({
      %run_scoped3A_111 = tpu.sem_alloc : memref<!tpu.dma_semaphore, #tpu.memory_space<semaphore_mem>>
      %dma_start3A_112 = arith.constant 0 : i32
      %dma_start3A_113 = tpu.memref_slice %arg26[%run_scoped3A_72, %dma_start3A_112] : memref<16x640xf32, #tpu.memory_space<vmem>> -> memref<1x640xf32, #tpu.memory_space<vmem>>
      %dma_start3A_114 = tpu.memref_squeeze %dma_start3A_113 : memref<1x640xf32, #tpu.memory_space<vmem>> -> memref<640xf32, #tpu.memory_space<vmem>>
      %dma_start3A_115 = tpu.memref_slice %arg28[%run_scoped3A, %mul3A_71] : memref<16x10240xf32, #tpu.memory_space<vmem_shared>> -> memref<1x640xf32, #tpu.memory_space<vmem_shared>>
      %dma_start3A_116 = tpu.memref_squeeze %dma_start3A_115 : memref<1x640xf32, #tpu.memory_space<vmem_shared>> -> memref<640xf32, #tpu.memory_space<vmem_shared>>
      %dma_start3A_117 = arith.constant 0 : i32
      %dma_start3A_118 = tpu.memref_slice %arg26[%run_scoped3A_72, %dma_start3A_117] : memref<16x640xf32, #tpu.memory_space<vmem>> -> memref<1x640xf32, #tpu.memory_space<vmem>>
      %dma_start3A_119 = tpu.memref_squeeze %dma_start3A_118 : memref<1x640xf32, #tpu.memory_space<vmem>> -> memref<640xf32, #tpu.memory_space<vmem>>
      %dma_start3A_120 = tpu.memref_slice %arg28[%run_scoped3A, %mul3A_71] : memref<16x10240xf32, #tpu.memory_space<vmem_shared>> -> memref<1x640xf32, #tpu.memory_space<vmem_shared>>
      %dma_start3A_121 = tpu.memref_squeeze %dma_start3A_120 : memref<1x640xf32, #tpu.memory_space<vmem_shared>> -> memref<640xf32, #tpu.memory_space<vmem_shared>>
      tpu.enqueue_dma source(%dma_start3A_121 : memref<640xf32, #tpu.memory_space<vmem_shared>>) target(%dma_start3A_119 : memref<640xf32, #tpu.memory_space<vmem>>) target_semaphore(%run_scoped3A_111 : memref<!tpu.dma_semaphore, #tpu.memory_space<semaphore_mem>>)
      %dma_wait3A_122 = arith.constant 0 : i32
      %dma_wait3A_123 = tpu.memref_slice %arg26[%run_scoped3A_72, %dma_wait3A_122] : memref<16x640xf32, #tpu.memory_space<vmem>> -> memref<1x640xf32, #tpu.memory_space<vmem>>
      %dma_wait3A_124 = tpu.memref_squeeze %dma_wait3A_123 : memref<1x640xf32, #tpu.memory_space<vmem>> -> memref<640xf32, #tpu.memory_space<vmem>>
      %dma_wait3A_125 = tpu.memref_slice %arg28[%run_scoped3A, %mul3A_71] : memref<16x10240xf32, #tpu.memory_space<vmem_shared>> -> memref<1x640xf32, #tpu.memory_space<vmem_shared>>
      %dma_wait3A_126 = tpu.memref_squeeze %dma_wait3A_125 : memref<1x640xf32, #tpu.memory_space<vmem_shared>> -> memref<640xf32, #tpu.memory_space<vmem_shared>>
      %dma_wait3A_127 = arith.constant 0 : i32
      %dma_wait3A_128 = tpu.memref_slice %arg26[%run_scoped3A_72, %dma_wait3A_127] : memref<16x640xf32, #tpu.memory_space<vmem>> -> memref<1x640xf32, #tpu.memory_space<vmem>>
      %dma_wait3A_129 = tpu.memref_squeeze %dma_wait3A_128 : memref<1x640xf32, #tpu.memory_space<vmem>> -> memref<640xf32, #tpu.memory_space<vmem>>
      %dma_wait3A_130 = tpu.memref_slice %arg28[%run_scoped3A, %mul3A_71] : memref<16x10240xf32, #tpu.memory_space<vmem_shared>> -> memref<1x640xf32, #tpu.memory_space<vmem_shared>>
      %dma_wait3A_131 = tpu.memref_squeeze %dma_wait3A_130 : memref<1x640xf32, #tpu.memory_space<vmem_shared>> -> memref<640xf32, #tpu.memory_space<vmem_shared>>
      tpu.wait_dma2 semaphore(%run_scoped3A_111 : memref<!tpu.dma_semaphore, #tpu.memory_space<semaphore_mem>>) src(%dma_wait3A_131 : memref<640xf32, #tpu.memory_space<vmem_shared>>) dst(%dma_wait3A_129 : memref<640xf32, #tpu.memory_space<vmem>>)
      tpu.yield
    }) : () -> ()
    %run_scoped3A_73 = arith.constant 1 : i32
    %run_scoped3A_74 = arith.constant 1 : i32
    "tpu.region"() ({
      %run_scoped3A_111 = tpu.sem_alloc : memref<!tpu.dma_semaphore, #tpu.memory_space<semaphore_mem>>
      %dma_start3A_112 = arith.constant 0 : i32
      %dma_start3A_113 = tpu.memref_slice %arg26[%run_scoped3A_74, %dma_start3A_112] : memref<16x640xf32, #tpu.memory_space<vmem>> -> memref<1x640xf32, #tpu.memory_space<vmem>>
      %dma_start3A_114 = tpu.memref_squeeze %dma_start3A_113 : memref<1x640xf32, #tpu.memory_space<vmem>> -> memref<640xf32, #tpu.memory_space<vmem>>
      %dma_start3A_115 = tpu.memref_slice %arg28[%run_scoped3A_73, %mul3A_71] : memref<16x10240xf32, #tpu.memory_space<vmem_shared>> -> memref<1x640xf32, #tpu.memory_space<vmem_shared>>
      %dma_start3A_116 = tpu.memref_squeeze %dma_start3A_115 : memref<1x640xf32, #tpu.memory_space<vmem_shared>> -> memref<640xf32, #tpu.memory_space<vmem_shared>>
      %dma_start3A_117 = arith.constant 0 : i32
      %dma_start3A_118 = tpu.memref_slice %arg26[%run_scoped3A_74, %dma_start3A_117] : memref<16x640xf32, #tpu.memory_space<vmem>> -> memref<1x640xf32, #tpu.memory_space<vmem>>
      %dma_start3A_119 = tpu.memref_squeeze %dma_start3A_118 : memref<1x640xf32, #tpu.memory_space<vmem>> -> memref<640xf32, #tpu.memory_space<vmem>>
      %dma_start3A_120 = tpu.memref_slice %arg28[%run_scoped3A_73, %mul3A_71] : memref<16x10240xf32, #tpu.memory_space<vmem_shared>> -> memref<1x640xf32, #tpu.memory_space<vmem_shared>>
      %dma_start3A_121 = tpu.memref_squeeze %dma_start3A_120 : memref<1x640xf32, #tpu.memory_space<vmem_shared>> -> memref<640xf32, #tpu.memory_space<vmem_shared>>
      tpu.enqueue_dma source(%dma_start3A_121 : memref<640xf32, #tpu.memory_space<vmem_shared>>) target(%dma_start3A_119 : memref<640xf32, #tpu.memory_space<vmem>>) target_semaphore(%run_scoped3A_111 : memref<!tpu.dma_semaphore, #tpu.memory_space<semaphore_mem>>)
      %dma_wait3A_122 = arith.constant 0 : i32
      %dma_wait3A_123 = tpu.memref_slice %arg26[%run_scoped3A_74, %dma_wait3A_122] : memref<16x640xf32, #tpu.memory_space<vmem>> -> memref<1x640xf32, #tpu.memory_space<vmem>>
      %dma_wait3A_124 = tpu.memref_squeeze %dma_wait3A_123 : memref<1x640xf32, #tpu.memory_space<vmem>> -> memref<640xf32, #tpu.memory_space<vmem>>
      %dma_wait3A_125 = tpu.memref_slice %arg28[%run_scoped3A_73, %mul3A_71] : memref<16x10240xf32, #tpu.memory_space<vmem_shared>> -> memref<1x640xf32, #tpu.memory_space<vmem_shared>>
      %dma_wait3A_126 = tpu.memref_squeeze %dma_wait3A_125 : memref<1x640xf32, #tpu.memory_space<vmem_shared>> -> memref<640xf32, #tpu.memory_space<vmem_shared>>
      %dma_wait3A_127 = arith.constant 0 : i32
      %dma_wait3A_128 = tpu.memref_slice %arg26[%run_scoped3A_74, %dma_wait3A_127] : memref<16x640xf32, #tpu.memory_space<vmem>> -> memref<1x640xf32, #tpu.memory_space<vmem>>
      %dma_wait3A_129 = tpu.memref_squeeze %dma_wait3A_128 : memref<1x640xf32, #tpu.memory_space<vmem>> -> memref<640xf32, #tpu.memory_space<vmem>>
      %dma_wait3A_130 = tpu.memref_slice %arg28[%run_scoped3A_73, %mul3A_71] : memref<16x10240xf32, #tpu.memory_space<vmem_shared>> -> memref<1x640xf32, #tpu.memory_space<vmem_shared>>
      %dma_wait3A_131 = tpu.memref_squeeze %dma_wait3A_130 : memref<1x640xf32, #tpu.memory_space<vmem_shared>> -> memref<640xf32, #tpu.memory_space<vmem_shared>>
      tpu.wait_dma2 semaphore(%run_scoped3A_111 : memref<!tpu.dma_semaphore, #tpu.memory_space<semaphore_mem>>) src(%dma_wait3A_131 : memref<640xf32, #tpu.memory_space<vmem_shared>>) dst(%dma_wait3A_129 : memref<640xf32, #tpu.memory_space<vmem>>)
      tpu.yield
    }) : () -> ()
    %run_scoped3A_75 = arith.constant 2 : i32
    %run_scoped3A_76 = arith.constant 2 : i32
    "tpu.region"() ({
      %run_scoped3A_111 = tpu.sem_alloc : memref<!tpu.dma_semaphore, #tpu.memory_space<semaphore_mem>>
      %dma_start3A_112 = arith.constant 0 : i32
      %dma_start3A_113 = tpu.memref_slice %arg26[%run_scoped3A_76, %dma_start3A_112] : memref<16x640xf32, #tpu.memory_space<vmem>> -> memref<1x640xf32, #tpu.memory_space<vmem>>
      %dma_start3A_114 = tpu.memref_squeeze %dma_start3A_113 : memref<1x640xf32, #tpu.memory_space<vmem>> -> memref<640xf32, #tpu.memory_space<vmem>>
      %dma_start3A_115 = tpu.memref_slice %arg28[%run_scoped3A_75, %mul3A_71] : memref<16x10240xf32, #tpu.memory_space<vmem_shared>> -> memref<1x640xf32, #tpu.memory_space<vmem_shared>>
      %dma_start3A_116 = tpu.memref_squeeze %dma_start3A_115 : memref<1x640xf32, #tpu.memory_space<vmem_shared>> -> memref<640xf32, #tpu.memory_space<vmem_shared>>
      %dma_start3A_117 = arith.constant 0 : i32
      %dma_start3A_118 = tpu.memref_slice %arg26[%run_scoped3A_76, %dma_start3A_117] : memref<16x640xf32, #tpu.memory_space<vmem>> -> memref<1x640xf32, #tpu.memory_space<vmem>>
      %dma_start3A_119 = tpu.memref_squeeze %dma_start3A_118 : memref<1x640xf32, #tpu.memory_space<vmem>> -> memref<640xf32, #tpu.memory_space<vmem>>
      %dma_start3A_120 = tpu.memref_slice %arg28[%run_scoped3A_75, %mul3A_71] : memref<16x10240xf32, #tpu.memory_space<vmem_shared>> -> memref<1x640xf32, #tpu.memory_space<vmem_shared>>
      %dma_start3A_121 = tpu.memref_squeeze %dma_start3A_120 : memref<1x640xf32, #tpu.memory_space<vmem_shared>> -> memref<640xf32, #tpu.memory_space<vmem_shared>>
      tpu.enqueue_dma source(%dma_start3A_121 : memref<640xf32, #tpu.memory_space<vmem_shared>>) target(%dma_start3A_119 : memref<640xf32, #tpu.memory_space<vmem>>) target_semaphore(%run_scoped3A_111 : memref<!tpu.dma_semaphore, #tpu.memory_space<semaphore_mem>>)
      %dma_wait3A_122 = arith.constant 0 : i32
      %dma_wait3A_123 = tpu.memref_slice %arg26[%run_scoped3A_76, %dma_wait3A_122] : memref<16x640xf32, #tpu.memory_space<vmem>> -> memref<1x640xf32, #tpu.memory_space<vmem>>
      %dma_wait3A_124 = tpu.memref_squeeze %dma_wait3A_123 : memref<1x640xf32, #tpu.memory_space<vmem>> -> memref<640xf32, #tpu.memory_space<vmem>>
      %dma_wait3A_125 = tpu.memref_slice %arg28[%run_scoped3A_75, %mul3A_71] : memref<16x10240xf32, #tpu.memory_space<vmem_shared>> -> memref<1x640xf32, #tpu.memory_space<vmem_shared>>
      %dma_wait3A_126 = tpu.memref_squeeze %dma_wait3A_125 : memref<1x640xf32, #tpu.memory_space<vmem_shared>> -> memref<640xf32, #tpu.memory_space<vmem_shared>>
      %dma_wait3A_127 = arith.constant 0 : i32
      %dma_wait3A_128 = tpu.memref_slice %arg26[%run_scoped3A_76, %dma_wait3A_127] : memref<16x640xf32, #tpu.memory_space<vmem>> -> memref<1x640xf32, #tpu.memory_space<vmem>>
      %dma_wait3A_129 = tpu.memref_squeeze %dma_wait3A_128 : memref<1x640xf32, #tpu.memory_space<vmem>> -> memref<640xf32, #tpu.memory_space<vmem>>
      %dma_wait3A_130 = tpu.memref_slice %arg28[%run_scoped3A_75, %mul3A_71] : memref<16x10240xf32, #tpu.memory_space<vmem_shared>> -> memref<1x640xf32, #tpu.memory_space<vmem_shared>>
      %dma_wait3A_131 = tpu.memref_squeeze %dma_wait3A_130 : memref<1x640xf32, #tpu.memory_space<vmem_shared>> -> memref<640xf32, #tpu.memory_space<vmem_shared>>
      tpu.wait_dma2 semaphore(%run_scoped3A_111 : memref<!tpu.dma_semaphore, #tpu.memory_space<semaphore_mem>>) src(%dma_wait3A_131 : memref<640xf32, #tpu.memory_space<vmem_shared>>) dst(%dma_wait3A_129 : memref<640xf32, #tpu.memory_space<vmem>>)
      tpu.yield
    }) : () -> ()
    %run_scoped3A_77 = arith.constant 3 : i32
    %run_scoped3A_78 = arith.constant 3 : i32
    "tpu.region"() ({
      %run_scoped3A_111 = tpu.sem_alloc : memref<!tpu.dma_semaphore, #tpu.memory_space<semaphore_mem>>
      %dma_start3A_112 = arith.constant 0 : i32
      %dma_start3A_113 = tpu.memref_slice %arg26[%run_scoped3A_78, %dma_start3A_112] : memref<16x640xf32, #tpu.memory_space<vmem>> -> memref<1x640xf32, #tpu.memory_space<vmem>>
      %dma_start3A_114 = tpu.memref_squeeze %dma_start3A_113 : memref<1x640xf32, #tpu.memory_space<vmem>> -> memref<640xf32, #tpu.memory_space<vmem>>
      %dma_start3A_115 = tpu.memref_slice %arg28[%run_scoped3A_77, %mul3A_71] : memref<16x10240xf32, #tpu.memory_space<vmem_shared>> -> memref<1x640xf32, #tpu.memory_space<vmem_shared>>
      %dma_start3A_116 = tpu.memref_squeeze %dma_start3A_115 : memref<1x640xf32, #tpu.memory_space<vmem_shared>> -> memref<640xf32, #tpu.memory_space<vmem_shared>>
      %dma_start3A_117 = arith.constant 0 : i32
      %dma_start3A_118 = tpu.memref_slice %arg26[%run_scoped3A_78, %dma_start3A_117] : memref<16x640xf32, #tpu.memory_space<vmem>> -> memref<1x640xf32, #tpu.memory_space<vmem>>
      %dma_start3A_119 = tpu.memref_squeeze %dma_start3A_118 : memref<1x640xf32, #tpu.memory_space<vmem>> -> memref<640xf32, #tpu.memory_space<vmem>>
      %dma_start3A_120 = tpu.memref_slice %arg28[%run_scoped3A_77, %mul3A_71] : memref<16x10240xf32, #tpu.memory_space<vmem_shared>> -> memref<1x640xf32, #tpu.memory_space<vmem_shared>>
      %dma_start3A_121 = tpu.memref_squeeze %dma_start3A_120 : memref<1x640xf32, #tpu.memory_space<vmem_shared>> -> memref<640xf32, #tpu.memory_space<vmem_shared>>
      tpu.enqueue_dma source(%dma_start3A_121 : memref<640xf32, #tpu.memory_space<vmem_shared>>) target(%dma_start3A_119 : memref<640xf32, #tpu.memory_space<vmem>>) target_semaphore(%run_scoped3A_111 : memref<!tpu.dma_semaphore, #tpu.memory_space<semaphore_mem>>)
      %dma_wait3A_122 = arith.constant 0 : i32
      %dma_wait3A_123 = tpu.memref_slice %arg26[%run_scoped3A_78, %dma_wait3A_122] : memref<16x640xf32, #tpu.memory_space<vmem>> -> memref<1x640xf32, #tpu.memory_space<vmem>>
      %dma_wait3A_124 = tpu.memref_squeeze %dma_wait3A_123 : memref<1x640xf32, #tpu.memory_space<vmem>> -> memref<640xf32, #tpu.memory_space<vmem>>
      %dma_wait3A_125 = tpu.memref_slice %arg28[%run_scoped3A_77, %mul3A_71] : memref<16x10240xf32, #tpu.memory_space<vmem_shared>> -> memref<1x640xf32, #tpu.memory_space<vmem_shared>>
      %dma_wait3A_126 = tpu.memref_squeeze %dma_wait3A_125 : memref<1x640xf32, #tpu.memory_space<vmem_shared>> -> memref<640xf32, #tpu.memory_space<vmem_shared>>
      %dma_wait3A_127 = arith.constant 0 : i32
      %dma_wait3A_128 = tpu.memref_slice %arg26[%run_scoped3A_78, %dma_wait3A_127] : memref<16x640xf32, #tpu.memory_space<vmem>> -> memref<1x640xf32, #tpu.memory_space<vmem>>
      %dma_wait3A_129 = tpu.memref_squeeze %dma_wait3A_128 : memref<1x640xf32, #tpu.memory_space<vmem>> -> memref<640xf32, #tpu.memory_space<vmem>>
      %dma_wait3A_130 = tpu.memref_slice %arg28[%run_scoped3A_77, %mul3A_71] : memref<16x10240xf32, #tpu.memory_space<vmem_shared>> -> memref<1x640xf32, #tpu.memory_space<vmem_shared>>
      %dma_wait3A_131 = tpu.memref_squeeze %dma_wait3A_130 : memref<1x640xf32, #tpu.memory_space<vmem_shared>> -> memref<640xf32, #tpu.memory_space<vmem_shared>>
      tpu.wait_dma2 semaphore(%run_scoped3A_111 : memref<!tpu.dma_semaphore, #tpu.memory_space<semaphore_mem>>) src(%dma_wait3A_131 : memref<640xf32, #tpu.memory_space<vmem_shared>>) dst(%dma_wait3A_129 : memref<640xf32, #tpu.memory_space<vmem>>)
      tpu.yield
    }) : () -> ()
    %run_scoped3A_79 = arith.constant 4 : i32
    %run_scoped3A_80 = arith.constant 4 : i32
    "tpu.region"() ({
      %run_scoped3A_111 = tpu.sem_alloc : memref<!tpu.dma_semaphore, #tpu.memory_space<semaphore_mem>>
      %dma_start3A_112 = arith.constant 0 : i32
      %dma_start3A_113 = tpu.memref_slice %arg26[%run_scoped3A_80, %dma_start3A_112] : memref<16x640xf32, #tpu.memory_space<vmem>> -> memref<1x640xf32, #tpu.memory_space<vmem>>
      %dma_start3A_114 = tpu.memref_squeeze %dma_start3A_113 : memref<1x640xf32, #tpu.memory_space<vmem>> -> memref<640xf32, #tpu.memory_space<vmem>>
      %dma_start3A_115 = tpu.memref_slice %arg28[%run_scoped3A_79, %mul3A_71] : memref<16x10240xf32, #tpu.memory_space<vmem_shared>> -> memref<1x640xf32, #tpu.memory_space<vmem_shared>>
      %dma_start3A_116 = tpu.memref_squeeze %dma_start3A_115 : memref<1x640xf32, #tpu.memory_space<vmem_shared>> -> memref<640xf32, #tpu.memory_space<vmem_shared>>
      %dma_start3A_117 = arith.constant 0 : i32
      %dma_start3A_118 = tpu.memref_slice %arg26[%run_scoped3A_80, %dma_start3A_117] : memref<16x640xf32, #tpu.memory_space<vmem>> -> memref<1x640xf32, #tpu.memory_space<vmem>>
      %dma_start3A_119 = tpu.memref_squeeze %dma_start3A_118 : memref<1x640xf32, #tpu.memory_space<vmem>> -> memref<640xf32, #tpu.memory_space<vmem>>
      %dma_start3A_120 = tpu.memref_slice %arg28[%run_scoped3A_79, %mul3A_71] : memref<16x10240xf32, #tpu.memory_space<vmem_shared>> -> memref<1x640xf32, #tpu.memory_space<vmem_shared>>
      %dma_start3A_121 = tpu.memref_squeeze %dma_start3A_120 : memref<1x640xf32, #tpu.memory_space<vmem_shared>> -> memref<640xf32, #tpu.memory_space<vmem_shared>>
      tpu.enqueue_dma source(%dma_start3A_121 : memref<640xf32, #tpu.memory_space<vmem_shared>>) target(%dma_start3A_119 : memref<640xf32, #tpu.memory_space<vmem>>) target_semaphore(%run_scoped3A_111 : memref<!tpu.dma_semaphore, #tpu.memory_space<semaphore_mem>>)
      %dma_wait3A_122 = arith.constant 0 : i32
      %dma_wait3A_123 = tpu.memref_slice %arg26[%run_scoped3A_80, %dma_wait3A_122] : memref<16x640xf32, #tpu.memory_space<vmem>> -> memref<1x640xf32, #tpu.memory_space<vmem>>
      %dma_wait3A_124 = tpu.memref_squeeze %dma_wait3A_123 : memref<1x640xf32, #tpu.memory_space<vmem>> -> memref<640xf32, #tpu.memory_space<vmem>>
      %dma_wait3A_125 = tpu.memref_slice %arg28[%run_scoped3A_79, %mul3A_71] : memref<16x10240xf32, #tpu.memory_space<vmem_shared>> -> memref<1x640xf32, #tpu.memory_space<vmem_shared>>
      %dma_wait3A_126 = tpu.memref_squeeze %dma_wait3A_125 : memref<1x640xf32, #tpu.memory_space<vmem_shared>> -> memref<640xf32, #tpu.memory_space<vmem_shared>>
      %dma_wait3A_127 = arith.constant 0 : i32
      %dma_wait3A_128 = tpu.memref_slice %arg26[%run_scoped3A_80, %dma_wait3A_127] : memref<16x640xf32, #tpu.memory_space<vmem>> -> memref<1x640xf32, #tpu.memory_space<vmem>>
      %dma_wait3A_129 = tpu.memref_squeeze %dma_wait3A_128 : memref<1x640xf32, #tpu.memory_space<vmem>> -> memref<640xf32, #tpu.memory_space<vmem>>
      %dma_wait3A_130 = tpu.memref_slice %arg28[%run_scoped3A_79, %mul3A_71] : memref<16x10240xf32, #tpu.memory_space<vmem_shared>> -> memref<1x640xf32, #tpu.memory_space<vmem_shared>>
      %dma_wait3A_131 = tpu.memref_squeeze %dma_wait3A_130 : memref<1x640xf32, #tpu.memory_space<vmem_shared>> -> memref<640xf32, #tpu.memory_space<vmem_shared>>
      tpu.wait_dma2 semaphore(%run_scoped3A_111 : memref<!tpu.dma_semaphore, #tpu.memory_space<semaphore_mem>>) src(%dma_wait3A_131 : memref<640xf32, #tpu.memory_space<vmem_shared>>) dst(%dma_wait3A_129 : memref<640xf32, #tpu.memory_space<vmem>>)
      tpu.yield
    }) : () -> ()
    %run_scoped3A_81 = arith.constant 5 : i32
    %run_scoped3A_82 = arith.constant 5 : i32
    "tpu.region"() ({
      %run_scoped3A_111 = tpu.sem_alloc : memref<!tpu.dma_semaphore, #tpu.memory_space<semaphore_mem>>
      %dma_start3A_112 = arith.constant 0 : i32
      %dma_start3A_113 = tpu.memref_slice %arg26[%run_scoped3A_82, %dma_start3A_112] : memref<16x640xf32, #tpu.memory_space<vmem>> -> memref<1x640xf32, #tpu.memory_space<vmem>>
      %dma_start3A_114 = tpu.memref_squeeze %dma_start3A_113 : memref<1x640xf32, #tpu.memory_space<vmem>> -> memref<640xf32, #tpu.memory_space<vmem>>
      %dma_start3A_115 = tpu.memref_slice %arg28[%run_scoped3A_81, %mul3A_71] : memref<16x10240xf32, #tpu.memory_space<vmem_shared>> -> memref<1x640xf32, #tpu.memory_space<vmem_shared>>
      %dma_start3A_116 = tpu.memref_squeeze %dma_start3A_115 : memref<1x640xf32, #tpu.memory_space<vmem_shared>> -> memref<640xf32, #tpu.memory_space<vmem_shared>>
      %dma_start3A_117 = arith.constant 0 : i32
      %dma_start3A_118 = tpu.memref_slice %arg26[%run_scoped3A_82, %dma_start3A_117] : memref<16x640xf32, #tpu.memory_space<vmem>> -> memref<1x640xf32, #tpu.memory_space<vmem>>
      %dma_start3A_119 = tpu.memref_squeeze %dma_start3A_118 : memref<1x640xf32, #tpu.memory_space<vmem>> -> memref<640xf32, #tpu.memory_space<vmem>>
      %dma_start3A_120 = tpu.memref_slice %arg28[%run_scoped3A_81, %mul3A_71] : memref<16x10240xf32, #tpu.memory_space<vmem_shared>> -> memref<1x640xf32, #tpu.memory_space<vmem_shared>>
      %dma_start3A_121 = tpu.memref_squeeze %dma_start3A_120 : memref<1x640xf32, #tpu.memory_space<vmem_shared>> -> memref<640xf32, #tpu.memory_space<vmem_shared>>
      tpu.enqueue_dma source(%dma_start3A_121 : memref<640xf32, #tpu.memory_space<vmem_shared>>) target(%dma_start3A_119 : memref<640xf32, #tpu.memory_space<vmem>>) target_semaphore(%run_scoped3A_111 : memref<!tpu.dma_semaphore, #tpu.memory_space<semaphore_mem>>)
      %dma_wait3A_122 = arith.constant 0 : i32
      %dma_wait3A_123 = tpu.memref_slice %arg26[%run_scoped3A_82, %dma_wait3A_122] : memref<16x640xf32, #tpu.memory_space<vmem>> -> memref<1x640xf32, #tpu.memory_space<vmem>>
      %dma_wait3A_124 = tpu.memref_squeeze %dma_wait3A_123 : memref<1x640xf32, #tpu.memory_space<vmem>> -> memref<640xf32, #tpu.memory_space<vmem>>
      %dma_wait3A_125 = tpu.memref_slice %arg28[%run_scoped3A_81, %mul3A_71] : memref<16x10240xf32, #tpu.memory_space<vmem_shared>> -> memref<1x640xf32, #tpu.memory_space<vmem_shared>>
      %dma_wait3A_126 = tpu.memref_squeeze %dma_wait3A_125 : memref<1x640xf32, #tpu.memory_space<vmem_shared>> -> memref<640xf32, #tpu.memory_space<vmem_shared>>
      %dma_wait3A_127 = arith.constant 0 : i32
      %dma_wait3A_128 = tpu.memref_slice %arg26[%run_scoped3A_82, %dma_wait3A_127] : memref<16x640xf32, #tpu.memory_space<vmem>> -> memref<1x640xf32, #tpu.memory_space<vmem>>
      %dma_wait3A_129 = tpu.memref_squeeze %dma_wait3A_128 : memref<1x640xf32, #tpu.memory_space<vmem>> -> memref<640xf32, #tpu.memory_space<vmem>>
      %dma_wait3A_130 = tpu.memref_slice %arg28[%run_scoped3A_81, %mul3A_71] : memref<16x10240xf32, #tpu.memory_space<vmem_shared>> -> memref<1x640xf32, #tpu.memory_space<vmem_shared>>
      %dma_wait3A_131 = tpu.memref_squeeze %dma_wait3A_130 : memref<1x640xf32, #tpu.memory_space<vmem_shared>> -> memref<640xf32, #tpu.memory_space<vmem_shared>>
      tpu.wait_dma2 semaphore(%run_scoped3A_111 : memref<!tpu.dma_semaphore, #tpu.memory_space<semaphore_mem>>) src(%dma_wait3A_131 : memref<640xf32, #tpu.memory_space<vmem_shared>>) dst(%dma_wait3A_129 : memref<640xf32, #tpu.memory_space<vmem>>)
      tpu.yield
    }) : () -> ()
    %run_scoped3A_83 = arith.constant 6 : i32
    %run_scoped3A_84 = arith.constant 6 : i32
    "tpu.region"() ({
      %run_scoped3A_111 = tpu.sem_alloc : memref<!tpu.dma_semaphore, #tpu.memory_space<semaphore_mem>>
      %dma_start3A_112 = arith.constant 0 : i32
      %dma_start3A_113 = tpu.memref_slice %arg26[%run_scoped3A_84, %dma_start3A_112] : memref<16x640xf32, #tpu.memory_space<vmem>> -> memref<1x640xf32, #tpu.memory_space<vmem>>
      %dma_start3A_114 = tpu.memref_squeeze %dma_start3A_113 : memref<1x640xf32, #tpu.memory_space<vmem>> -> memref<640xf32, #tpu.memory_space<vmem>>
      %dma_start3A_115 = tpu.memref_slice %arg28[%run_scoped3A_83, %mul3A_71] : memref<16x10240xf32, #tpu.memory_space<vmem_shared>> -> memref<1x640xf32, #tpu.memory_space<vmem_shared>>
      %dma_start3A_116 = tpu.memref_squeeze %dma_start3A_115 : memref<1x640xf32, #tpu.memory_space<vmem_shared>> -> memref<640xf32, #tpu.memory_space<vmem_shared>>
      %dma_start3A_117 = arith.constant 0 : i32
      %dma_start3A_118 = tpu.memref_slice %arg26[%run_scoped3A_84, %dma_start3A_117] : memref<16x640xf32, #tpu.memory_space<vmem>> -> memref<1x640xf32, #tpu.memory_space<vmem>>
      %dma_start3A_119 = tpu.memref_squeeze %dma_start3A_118 : memref<1x640xf32, #tpu.memory_space<vmem>> -> memref<640xf32, #tpu.memory_space<vmem>>
      %dma_start3A_120 = tpu.memref_slice %arg28[%run_scoped3A_83, %mul3A_71] : memref<16x10240xf32, #tpu.memory_space<vmem_shared>> -> memref<1x640xf32, #tpu.memory_space<vmem_shared>>
      %dma_start3A_121 = tpu.memref_squeeze %dma_start3A_120 : memref<1x640xf32, #tpu.memory_space<vmem_shared>> -> memref<640xf32, #tpu.memory_space<vmem_shared>>
      tpu.enqueue_dma source(%dma_start3A_121 : memref<640xf32, #tpu.memory_space<vmem_shared>>) target(%dma_start3A_119 : memref<640xf32, #tpu.memory_space<vmem>>) target_semaphore(%run_scoped3A_111 : memref<!tpu.dma_semaphore, #tpu.memory_space<semaphore_mem>>)
      %dma_wait3A_122 = arith.constant 0 : i32
      %dma_wait3A_123 = tpu.memref_slice %arg26[%run_scoped3A_84, %dma_wait3A_122] : memref<16x640xf32, #tpu.memory_space<vmem>> -> memref<1x640xf32, #tpu.memory_space<vmem>>
      %dma_wait3A_124 = tpu.memref_squeeze %dma_wait3A_123 : memref<1x640xf32, #tpu.memory_space<vmem>> -> memref<640xf32, #tpu.memory_space<vmem>>
      %dma_wait3A_125 = tpu.memref_slice %arg28[%run_scoped3A_83, %mul3A_71] : memref<16x10240xf32, #tpu.memory_space<vmem_shared>> -> memref<1x640xf32, #tpu.memory_space<vmem_shared>>
      %dma_wait3A_126 = tpu.memref_squeeze %dma_wait3A_125 : memref<1x640xf32, #tpu.memory_space<vmem_shared>> -> memref<640xf32, #tpu.memory_space<vmem_shared>>
      %dma_wait3A_127 = arith.constant 0 : i32
      %dma_wait3A_128 = tpu.memref_slice %arg26[%run_scoped3A_84, %dma_wait3A_127] : memref<16x640xf32, #tpu.memory_space<vmem>> -> memref<1x640xf32, #tpu.memory_space<vmem>>
      %dma_wait3A_129 = tpu.memref_squeeze %dma_wait3A_128 : memref<1x640xf32, #tpu.memory_space<vmem>> -> memref<640xf32, #tpu.memory_space<vmem>>
      %dma_wait3A_130 = tpu.memref_slice %arg28[%run_scoped3A_83, %mul3A_71] : memref<16x10240xf32, #tpu.memory_space<vmem_shared>> -> memref<1x640xf32, #tpu.memory_space<vmem_shared>>
      %dma_wait3A_131 = tpu.memref_squeeze %dma_wait3A_130 : memref<1x640xf32, #tpu.memory_space<vmem_shared>> -> memref<640xf32, #tpu.memory_space<vmem_shared>>
      tpu.wait_dma2 semaphore(%run_scoped3A_111 : memref<!tpu.dma_semaphore, #tpu.memory_space<semaphore_mem>>) src(%dma_wait3A_131 : memref<640xf32, #tpu.memory_space<vmem_shared>>) dst(%dma_wait3A_129 : memref<640xf32, #tpu.memory_space<vmem>>)
      tpu.yield
    }) : () -> ()
    %run_scoped3A_85 = arith.constant 7 : i32
    %run_scoped3A_86 = arith.constant 7 : i32
    "tpu.region"() ({
      %run_scoped3A_111 = tpu.sem_alloc : memref<!tpu.dma_semaphore, #tpu.memory_space<semaphore_mem>>
      %dma_start3A_112 = arith.constant 0 : i32
      %dma_start3A_113 = tpu.memref_slice %arg26[%run_scoped3A_86, %dma_start3A_112] : memref<16x640xf32, #tpu.memory_space<vmem>> -> memref<1x640xf32, #tpu.memory_space<vmem>>
      %dma_start3A_114 = tpu.memref_squeeze %dma_start3A_113 : memref<1x640xf32, #tpu.memory_space<vmem>> -> memref<640xf32, #tpu.memory_space<vmem>>
      %dma_start3A_115 = tpu.memref_slice %arg28[%run_scoped3A_85, %mul3A_71] : memref<16x10240xf32, #tpu.memory_space<vmem_shared>> -> memref<1x640xf32, #tpu.memory_space<vmem_shared>>
      %dma_start3A_116 = tpu.memref_squeeze %dma_start3A_115 : memref<1x640xf32, #tpu.memory_space<vmem_shared>> -> memref<640xf32, #tpu.memory_space<vmem_shared>>
      %dma_start3A_117 = arith.constant 0 : i32
      %dma_start3A_118 = tpu.memref_slice %arg26[%run_scoped3A_86, %dma_start3A_117] : memref<16x640xf32, #tpu.memory_space<vmem>> -> memref<1x640xf32, #tpu.memory_space<vmem>>
      %dma_start3A_119 = tpu.memref_squeeze %dma_start3A_118 : memref<1x640xf32, #tpu.memory_space<vmem>> -> memref<640xf32, #tpu.memory_space<vmem>>
      %dma_start3A_120 = tpu.memref_slice %arg28[%run_scoped3A_85, %mul3A_71] : memref<16x10240xf32, #tpu.memory_space<vmem_shared>> -> memref<1x640xf32, #tpu.memory_space<vmem_shared>>
      %dma_start3A_121 = tpu.memref_squeeze %dma_start3A_120 : memref<1x640xf32, #tpu.memory_space<vmem_shared>> -> memref<640xf32, #tpu.memory_space<vmem_shared>>
      tpu.enqueue_dma source(%dma_start3A_121 : memref<640xf32, #tpu.memory_space<vmem_shared>>) target(%dma_start3A_119 : memref<640xf32, #tpu.memory_space<vmem>>) target_semaphore(%run_scoped3A_111 : memref<!tpu.dma_semaphore, #tpu.memory_space<semaphore_mem>>)
      %dma_wait3A_122 = arith.constant 0 : i32
      %dma_wait3A_123 = tpu.memref_slice %arg26[%run_scoped3A_86, %dma_wait3A_122] : memref<16x640xf32, #tpu.memory_space<vmem>> -> memref<1x640xf32, #tpu.memory_space<vmem>>
      %dma_wait3A_124 = tpu.memref_squeeze %dma_wait3A_123 : memref<1x640xf32, #tpu.memory_space<vmem>> -> memref<640xf32, #tpu.memory_space<vmem>>
      %dma_wait3A_125 = tpu.memref_slice %arg28[%run_scoped3A_85, %mul3A_71] : memref<16x10240xf32, #tpu.memory_space<vmem_shared>> -> memref<1x640xf32, #tpu.memory_space<vmem_shared>>
      %dma_wait3A_126 = tpu.memref_squeeze %dma_wait3A_125 : memref<1x640xf32, #tpu.memory_space<vmem_shared>> -> memref<640xf32, #tpu.memory_space<vmem_shared>>
      %dma_wait3A_127 = arith.constant 0 : i32
      %dma_wait3A_128 = tpu.memref_slice %arg26[%run_scoped3A_86, %dma_wait3A_127] : memref<16x640xf32, #tpu.memory_space<vmem>> -> memref<1x640xf32, #tpu.memory_space<vmem>>
      %dma_wait3A_129 = tpu.memref_squeeze %dma_wait3A_128 : memref<1x640xf32, #tpu.memory_space<vmem>> -> memref<640xf32, #tpu.memory_space<vmem>>
      %dma_wait3A_130 = tpu.memref_slice %arg28[%run_scoped3A_85, %mul3A_71] : memref<16x10240xf32, #tpu.memory_space<vmem_shared>> -> memref<1x640xf32, #tpu.memory_space<vmem_shared>>
      %dma_wait3A_131 = tpu.memref_squeeze %dma_wait3A_130 : memref<1x640xf32, #tpu.memory_space<vmem_shared>> -> memref<640xf32, #tpu.memory_space<vmem_shared>>
      tpu.wait_dma2 semaphore(%run_scoped3A_111 : memref<!tpu.dma_semaphore, #tpu.memory_space<semaphore_mem>>) src(%dma_wait3A_131 : memref<640xf32, #tpu.memory_space<vmem_shared>>) dst(%dma_wait3A_129 : memref<640xf32, #tpu.memory_space<vmem>>)
      tpu.yield
    }) : () -> ()
    %run_scoped3A_87 = arith.constant 8 : i32
    %run_scoped3A_88 = arith.constant 8 : i32
    "tpu.region"() ({
      %run_scoped3A_111 = tpu.sem_alloc : memref<!tpu.dma_semaphore, #tpu.memory_space<semaphore_mem>>
      %dma_start3A_112 = arith.constant 0 : i32
      %dma_start3A_113 = tpu.memref_slice %arg26[%run_scoped3A_88, %dma_start3A_112] : memref<16x640xf32, #tpu.memory_space<vmem>> -> memref<1x640xf32, #tpu.memory_space<vmem>>
      %dma_start3A_114 = tpu.memref_squeeze %dma_start3A_113 : memref<1x640xf32, #tpu.memory_space<vmem>> -> memref<640xf32, #tpu.memory_space<vmem>>
      %dma_start3A_115 = tpu.memref_slice %arg28[%run_scoped3A_87, %mul3A_71] : memref<16x10240xf32, #tpu.memory_space<vmem_shared>> -> memref<1x640xf32, #tpu.memory_space<vmem_shared>>
      %dma_start3A_116 = tpu.memref_squeeze %dma_start3A_115 : memref<1x640xf32, #tpu.memory_space<vmem_shared>> -> memref<640xf32, #tpu.memory_space<vmem_shared>>
      %dma_start3A_117 = arith.constant 0 : i32
      %dma_start3A_118 = tpu.memref_slice %arg26[%run_scoped3A_88, %dma_start3A_117] : memref<16x640xf32, #tpu.memory_space<vmem>> -> memref<1x640xf32, #tpu.memory_space<vmem>>
      %dma_start3A_119 = tpu.memref_squeeze %dma_start3A_118 : memref<1x640xf32, #tpu.memory_space<vmem>> -> memref<640xf32, #tpu.memory_space<vmem>>
      %dma_start3A_120 = tpu.memref_slice %arg28[%run_scoped3A_87, %mul3A_71] : memref<16x10240xf32, #tpu.memory_space<vmem_shared>> -> memref<1x640xf32, #tpu.memory_space<vmem_shared>>
      %dma_start3A_121 = tpu.memref_squeeze %dma_start3A_120 : memref<1x640xf32, #tpu.memory_space<vmem_shared>> -> memref<640xf32, #tpu.memory_space<vmem_shared>>
      tpu.enqueue_dma source(%dma_start3A_121 : memref<640xf32, #tpu.memory_space<vmem_shared>>) target(%dma_start3A_119 : memref<640xf32, #tpu.memory_space<vmem>>) target_semaphore(%run_scoped3A_111 : memref<!tpu.dma_semaphore, #tpu.memory_space<semaphore_mem>>)
      %dma_wait3A_122 = arith.constant 0 : i32
      %dma_wait3A_123 = tpu.memref_slice %arg26[%run_scoped3A_88, %dma_wait3A_122] : memref<16x640xf32, #tpu.memory_space<vmem>> -> memref<1x640xf32, #tpu.memory_space<vmem>>
      %dma_wait3A_124 = tpu.memref_squeeze %dma_wait3A_123 : memref<1x640xf32, #tpu.memory_space<vmem>> -> memref<640xf32, #tpu.memory_space<vmem>>
      %dma_wait3A_125 = tpu.memref_slice %arg28[%run_scoped3A_87, %mul3A_71] : memref<16x10240xf32, #tpu.memory_space<vmem_shared>> -> memref<1x640xf32, #tpu.memory_space<vmem_shared>>
      %dma_wait3A_126 = tpu.memref_squeeze %dma_wait3A_125 : memref<1x640xf32, #tpu.memory_space<vmem_shared>> -> memref<640xf32, #tpu.memory_space<vmem_shared>>
      %dma_wait3A_127 = arith.constant 0 : i32
      %dma_wait3A_128 = tpu.memref_slice %arg26[%run_scoped3A_88, %dma_wait3A_127] : memref<16x640xf32, #tpu.memory_space<vmem>> -> memref<1x640xf32, #tpu.memory_space<vmem>>
      %dma_wait3A_129 = tpu.memref_squeeze %dma_wait3A_128 : memref<1x640xf32, #tpu.memory_space<vmem>> -> memref<640xf32, #tpu.memory_space<vmem>>
      %dma_wait3A_130 = tpu.memref_slice %arg28[%run_scoped3A_87, %mul3A_71] : memref<16x10240xf32, #tpu.memory_space<vmem_shared>> -> memref<1x640xf32, #tpu.memory_space<vmem_shared>>
      %dma_wait3A_131 = tpu.memref_squeeze %dma_wait3A_130 : memref<1x640xf32, #tpu.memory_space<vmem_shared>> -> memref<640xf32, #tpu.memory_space<vmem_shared>>
      tpu.wait_dma2 semaphore(%run_scoped3A_111 : memref<!tpu.dma_semaphore, #tpu.memory_space<semaphore_mem>>) src(%dma_wait3A_131 : memref<640xf32, #tpu.memory_space<vmem_shared>>) dst(%dma_wait3A_129 : memref<640xf32, #tpu.memory_space<vmem>>)
      tpu.yield
    }) : () -> ()
    %run_scoped3A_89 = arith.constant 9 : i32
    %run_scoped3A_90 = arith.constant 9 : i32
    "tpu.region"() ({
      %run_scoped3A_111 = tpu.sem_alloc : memref<!tpu.dma_semaphore, #tpu.memory_space<semaphore_mem>>
      %dma_start3A_112 = arith.constant 0 : i32
      %dma_start3A_113 = tpu.memref_slice %arg26[%run_scoped3A_90, %dma_start3A_112] : memref<16x640xf32, #tpu.memory_space<vmem>> -> memref<1x640xf32, #tpu.memory_space<vmem>>
      %dma_start3A_114 = tpu.memref_squeeze %dma_start3A_113 : memref<1x640xf32, #tpu.memory_space<vmem>> -> memref<640xf32, #tpu.memory_space<vmem>>
      %dma_start3A_115 = tpu.memref_slice %arg28[%run_scoped3A_89, %mul3A_71] : memref<16x10240xf32, #tpu.memory_space<vmem_shared>> -> memref<1x640xf32, #tpu.memory_space<vmem_shared>>
      %dma_start3A_116 = tpu.memref_squeeze %dma_start3A_115 : memref<1x640xf32, #tpu.memory_space<vmem_shared>> -> memref<640xf32, #tpu.memory_space<vmem_shared>>
      %dma_start3A_117 = arith.constant 0 : i32
      %dma_start3A_118 = tpu.memref_slice %arg26[%run_scoped3A_90, %dma_start3A_117] : memref<16x640xf32, #tpu.memory_space<vmem>> -> memref<1x640xf32, #tpu.memory_space<vmem>>
      %dma_start3A_119 = tpu.memref_squeeze %dma_start3A_118 : memref<1x640xf32, #tpu.memory_space<vmem>> -> memref<640xf32, #tpu.memory_space<vmem>>
      %dma_start3A_120 = tpu.memref_slice %arg28[%run_scoped3A_89, %mul3A_71] : memref<16x10240xf32, #tpu.memory_space<vmem_shared>> -> memref<1x640xf32, #tpu.memory_space<vmem_shared>>
      %dma_start3A_121 = tpu.memref_squeeze %dma_start3A_120 : memref<1x640xf32, #tpu.memory_space<vmem_shared>> -> memref<640xf32, #tpu.memory_space<vmem_shared>>
      tpu.enqueue_dma source(%dma_start3A_121 : memref<640xf32, #tpu.memory_space<vmem_shared>>) target(%dma_start3A_119 : memref<640xf32, #tpu.memory_space<vmem>>) target_semaphore(%run_scoped3A_111 : memref<!tpu.dma_semaphore, #tpu.memory_space<semaphore_mem>>)
      %dma_wait3A_122 = arith.constant 0 : i32
      %dma_wait3A_123 = tpu.memref_slice %arg26[%run_scoped3A_90, %dma_wait3A_122] : memref<16x640xf32, #tpu.memory_space<vmem>> -> memref<1x640xf32, #tpu.memory_space<vmem>>
      %dma_wait3A_124 = tpu.memref_squeeze %dma_wait3A_123 : memref<1x640xf32, #tpu.memory_space<vmem>> -> memref<640xf32, #tpu.memory_space<vmem>>
      %dma_wait3A_125 = tpu.memref_slice %arg28[%run_scoped3A_89, %mul3A_71] : memref<16x10240xf32, #tpu.memory_space<vmem_shared>> -> memref<1x640xf32, #tpu.memory_space<vmem_shared>>
      %dma_wait3A_126 = tpu.memref_squeeze %dma_wait3A_125 : memref<1x640xf32, #tpu.memory_space<vmem_shared>> -> memref<640xf32, #tpu.memory_space<vmem_shared>>
      %dma_wait3A_127 = arith.constant 0 : i32
      %dma_wait3A_128 = tpu.memref_slice %arg26[%run_scoped3A_90, %dma_wait3A_127] : memref<16x640xf32, #tpu.memory_space<vmem>> -> memref<1x640xf32, #tpu.memory_space<vmem>>
      %dma_wait3A_129 = tpu.memref_squeeze %dma_wait3A_128 : memref<1x640xf32, #tpu.memory_space<vmem>> -> memref<640xf32, #tpu.memory_space<vmem>>
      %dma_wait3A_130 = tpu.memref_slice %arg28[%run_scoped3A_89, %mul3A_71] : memref<16x10240xf32, #tpu.memory_space<vmem_shared>> -> memref<1x640xf32, #tpu.memory_space<vmem_shared>>
      %dma_wait3A_131 = tpu.memref_squeeze %dma_wait3A_130 : memref<1x640xf32, #tpu.memory_space<vmem_shared>> -> memref<640xf32, #tpu.memory_space<vmem_shared>>
      tpu.wait_dma2 semaphore(%run_scoped3A_111 : memref<!tpu.dma_semaphore, #tpu.memory_space<semaphore_mem>>) src(%dma_wait3A_131 : memref<640xf32, #tpu.memory_space<vmem_shared>>) dst(%dma_wait3A_129 : memref<640xf32, #tpu.memory_space<vmem>>)
      tpu.yield
    }) : () -> ()
    %run_scoped3A_91 = arith.constant 10 : i32
    %run_scoped3A_92 = arith.constant 10 : i32
    "tpu.region"() ({
      %run_scoped3A_111 = tpu.sem_alloc : memref<!tpu.dma_semaphore, #tpu.memory_space<semaphore_mem>>
      %dma_start3A_112 = arith.constant 0 : i32
      %dma_start3A_113 = tpu.memref_slice %arg26[%run_scoped3A_92, %dma_start3A_112] : memref<16x640xf32, #tpu.memory_space<vmem>> -> memref<1x640xf32, #tpu.memory_space<vmem>>
      %dma_start3A_114 = tpu.memref_squeeze %dma_start3A_113 : memref<1x640xf32, #tpu.memory_space<vmem>> -> memref<640xf32, #tpu.memory_space<vmem>>
      %dma_start3A_115 = tpu.memref_slice %arg28[%run_scoped3A_91, %mul3A_71] : memref<16x10240xf32, #tpu.memory_space<vmem_shared>> -> memref<1x640xf32, #tpu.memory_space<vmem_shared>>
      %dma_start3A_116 = tpu.memref_squeeze %dma_start3A_115 : memref<1x640xf32, #tpu.memory_space<vmem_shared>> -> memref<640xf32, #tpu.memory_space<vmem_shared>>
      %dma_start3A_117 = arith.constant 0 : i32
      %dma_start3A_118 = tpu.memref_slice %arg26[%run_scoped3A_92, %dma_start3A_117] : memref<16x640xf32, #tpu.memory_space<vmem>> -> memref<1x640xf32, #tpu.memory_space<vmem>>
      %dma_start3A_119 = tpu.memref_squeeze %dma_start3A_118 : memref<1x640xf32, #tpu.memory_space<vmem>> -> memref<640xf32, #tpu.memory_space<vmem>>
      %dma_start3A_120 = tpu.memref_slice %arg28[%run_scoped3A_91, %mul3A_71] : memref<16x10240xf32, #tpu.memory_space<vmem_shared>> -> memref<1x640xf32, #tpu.memory_space<vmem_shared>>
      %dma_start3A_121 = tpu.memref_squeeze %dma_start3A_120 : memref<1x640xf32, #tpu.memory_space<vmem_shared>> -> memref<640xf32, #tpu.memory_space<vmem_shared>>
      tpu.enqueue_dma source(%dma_start3A_121 : memref<640xf32, #tpu.memory_space<vmem_shared>>) target(%dma_start3A_119 : memref<640xf32, #tpu.memory_space<vmem>>) target_semaphore(%run_scoped3A_111 : memref<!tpu.dma_semaphore, #tpu.memory_space<semaphore_mem>>)
      %dma_wait3A_122 = arith.constant 0 : i32
      %dma_wait3A_123 = tpu.memref_slice %arg26[%run_scoped3A_92, %dma_wait3A_122] : memref<16x640xf32, #tpu.memory_space<vmem>> -> memref<1x640xf32, #tpu.memory_space<vmem>>
      %dma_wait3A_124 = tpu.memref_squeeze %dma_wait3A_123 : memref<1x640xf32, #tpu.memory_space<vmem>> -> memref<640xf32, #tpu.memory_space<vmem>>
      %dma_wait3A_125 = tpu.memref_slice %arg28[%run_scoped3A_91, %mul3A_71] : memref<16x10240xf32, #tpu.memory_space<vmem_shared>> -> memref<1x640xf32, #tpu.memory_space<vmem_shared>>
      %dma_wait3A_126 = tpu.memref_squeeze %dma_wait3A_125 : memref<1x640xf32, #tpu.memory_space<vmem_shared>> -> memref<640xf32, #tpu.memory_space<vmem_shared>>
      %dma_wait3A_127 = arith.constant 0 : i32
      %dma_wait3A_128 = tpu.memref_slice %arg26[%run_scoped3A_92, %dma_wait3A_127] : memref<16x640xf32, #tpu.memory_space<vmem>> -> memref<1x640xf32, #tpu.memory_space<vmem>>
      %dma_wait3A_129 = tpu.memref_squeeze %dma_wait3A_128 : memref<1x640xf32, #tpu.memory_space<vmem>> -> memref<640xf32, #tpu.memory_space<vmem>>
      %dma_wait3A_130 = tpu.memref_slice %arg28[%run_scoped3A_91, %mul3A_71] : memref<16x10240xf32, #tpu.memory_space<vmem_shared>> -> memref<1x640xf32, #tpu.memory_space<vmem_shared>>
      %dma_wait3A_131 = tpu.memref_squeeze %dma_wait3A_130 : memref<1x640xf32, #tpu.memory_space<vmem_shared>> -> memref<640xf32, #tpu.memory_space<vmem_shared>>
      tpu.wait_dma2 semaphore(%run_scoped3A_111 : memref<!tpu.dma_semaphore, #tpu.memory_space<semaphore_mem>>) src(%dma_wait3A_131 : memref<640xf32, #tpu.memory_space<vmem_shared>>) dst(%dma_wait3A_129 : memref<640xf32, #tpu.memory_space<vmem>>)
      tpu.yield
    }) : () -> ()
    %run_scoped3A_93 = arith.constant 11 : i32
    %run_scoped3A_94 = arith.constant 11 : i32
    "tpu.region"() ({
      %run_scoped3A_111 = tpu.sem_alloc : memref<!tpu.dma_semaphore, #tpu.memory_space<semaphore_mem>>
      %dma_start3A_112 = arith.constant 0 : i32
      %dma_start3A_113 = tpu.memref_slice %arg26[%run_scoped3A_94, %dma_start3A_112] : memref<16x640xf32, #tpu.memory_space<vmem>> -> memref<1x640xf32, #tpu.memory_space<vmem>>
      %dma_start3A_114 = tpu.memref_squeeze %dma_start3A_113 : memref<1x640xf32, #tpu.memory_space<vmem>> -> memref<640xf32, #tpu.memory_space<vmem>>
      %dma_start3A_115 = tpu.memref_slice %arg28[%run_scoped3A_93, %mul3A_71] : memref<16x10240xf32, #tpu.memory_space<vmem_shared>> -> memref<1x640xf32, #tpu.memory_space<vmem_shared>>
      %dma_start3A_116 = tpu.memref_squeeze %dma_start3A_115 : memref<1x640xf32, #tpu.memory_space<vmem_shared>> -> memref<640xf32, #tpu.memory_space<vmem_shared>>
      %dma_start3A_117 = arith.constant 0 : i32
      %dma_start3A_118 = tpu.memref_slice %arg26[%run_scoped3A_94, %dma_start3A_117] : memref<16x640xf32, #tpu.memory_space<vmem>> -> memref<1x640xf32, #tpu.memory_space<vmem>>
      %dma_start3A_119 = tpu.memref_squeeze %dma_start3A_118 : memref<1x640xf32, #tpu.memory_space<vmem>> -> memref<640xf32, #tpu.memory_space<vmem>>
      %dma_start3A_120 = tpu.memref_slice %arg28[%run_scoped3A_93, %mul3A_71] : memref<16x10240xf32, #tpu.memory_space<vmem_shared>> -> memref<1x640xf32, #tpu.memory_space<vmem_shared>>
      %dma_start3A_121 = tpu.memref_squeeze %dma_start3A_120 : memref<1x640xf32, #tpu.memory_space<vmem_shared>> -> memref<640xf32, #tpu.memory_space<vmem_shared>>
      tpu.enqueue_dma source(%dma_start3A_121 : memref<640xf32, #tpu.memory_space<vmem_shared>>) target(%dma_start3A_119 : memref<640xf32, #tpu.memory_space<vmem>>) target_semaphore(%run_scoped3A_111 : memref<!tpu.dma_semaphore, #tpu.memory_space<semaphore_mem>>)
      %dma_wait3A_122 = arith.constant 0 : i32
      %dma_wait3A_123 = tpu.memref_slice %arg26[%run_scoped3A_94, %dma_wait3A_122] : memref<16x640xf32, #tpu.memory_space<vmem>> -> memref<1x640xf32, #tpu.memory_space<vmem>>
      %dma_wait3A_124 = tpu.memref_squeeze %dma_wait3A_123 : memref<1x640xf32, #tpu.memory_space<vmem>> -> memref<640xf32, #tpu.memory_space<vmem>>
      %dma_wait3A_125 = tpu.memref_slice %arg28[%run_scoped3A_93, %mul3A_71] : memref<16x10240xf32, #tpu.memory_space<vmem_shared>> -> memref<1x640xf32, #tpu.memory_space<vmem_shared>>
      %dma_wait3A_126 = tpu.memref_squeeze %dma_wait3A_125 : memref<1x640xf32, #tpu.memory_space<vmem_shared>> -> memref<640xf32, #tpu.memory_space<vmem_shared>>
      %dma_wait3A_127 = arith.constant 0 : i32
      %dma_wait3A_128 = tpu.memref_slice %arg26[%run_scoped3A_94, %dma_wait3A_127] : memref<16x640xf32, #tpu.memory_space<vmem>> -> memref<1x640xf32, #tpu.memory_space<vmem>>
      %dma_wait3A_129 = tpu.memref_squeeze %dma_wait3A_128 : memref<1x640xf32, #tpu.memory_space<vmem>> -> memref<640xf32, #tpu.memory_space<vmem>>
      %dma_wait3A_130 = tpu.memref_slice %arg28[%run_scoped3A_93, %mul3A_71] : memref<16x10240xf32, #tpu.memory_space<vmem_shared>> -> memref<1x640xf32, #tpu.memory_space<vmem_shared>>
      %dma_wait3A_131 = tpu.memref_squeeze %dma_wait3A_130 : memref<1x640xf32, #tpu.memory_space<vmem_shared>> -> memref<640xf32, #tpu.memory_space<vmem_shared>>
      tpu.wait_dma2 semaphore(%run_scoped3A_111 : memref<!tpu.dma_semaphore, #tpu.memory_space<semaphore_mem>>) src(%dma_wait3A_131 : memref<640xf32, #tpu.memory_space<vmem_shared>>) dst(%dma_wait3A_129 : memref<640xf32, #tpu.memory_space<vmem>>)
      tpu.yield
    }) : () -> ()
    %run_scoped3A_95 = arith.constant 12 : i32
    %run_scoped3A_96 = arith.constant 12 : i32
    "tpu.region"() ({
      %run_scoped3A_111 = tpu.sem_alloc : memref<!tpu.dma_semaphore, #tpu.memory_space<semaphore_mem>>
      %dma_start3A_112 = arith.constant 0 : i32
      %dma_start3A_113 = tpu.memref_slice %arg26[%run_scoped3A_96, %dma_start3A_112] : memref<16x640xf32, #tpu.memory_space<vmem>> -> memref<1x640xf32, #tpu.memory_space<vmem>>
      %dma_start3A_114 = tpu.memref_squeeze %dma_start3A_113 : memref<1x640xf32, #tpu.memory_space<vmem>> -> memref<640xf32, #tpu.memory_space<vmem>>
      %dma_start3A_115 = tpu.memref_slice %arg28[%run_scoped3A_95, %mul3A_71] : memref<16x10240xf32, #tpu.memory_space<vmem_shared>> -> memref<1x640xf32, #tpu.memory_space<vmem_shared>>
      %dma_start3A_116 = tpu.memref_squeeze %dma_start3A_115 : memref<1x640xf32, #tpu.memory_space<vmem_shared>> -> memref<640xf32, #tpu.memory_space<vmem_shared>>
      %dma_start3A_117 = arith.constant 0 : i32
      %dma_start3A_118 = tpu.memref_slice %arg26[%run_scoped3A_96, %dma_start3A_117] : memref<16x640xf32, #tpu.memory_space<vmem>> -> memref<1x640xf32, #tpu.memory_space<vmem>>
      %dma_start3A_119 = tpu.memref_squeeze %dma_start3A_118 : memref<1x640xf32, #tpu.memory_space<vmem>> -> memref<640xf32, #tpu.memory_space<vmem>>
      %dma_start3A_120 = tpu.memref_slice %arg28[%run_scoped3A_95, %mul3A_71] : memref<16x10240xf32, #tpu.memory_space<vmem_shared>> -> memref<1x640xf32, #tpu.memory_space<vmem_shared>>
      %dma_start3A_121 = tpu.memref_squeeze %dma_start3A_120 : memref<1x640xf32, #tpu.memory_space<vmem_shared>> -> memref<640xf32, #tpu.memory_space<vmem_shared>>
      tpu.enqueue_dma source(%dma_start3A_121 : memref<640xf32, #tpu.memory_space<vmem_shared>>) target(%dma_start3A_119 : memref<640xf32, #tpu.memory_space<vmem>>) target_semaphore(%run_scoped3A_111 : memref<!tpu.dma_semaphore, #tpu.memory_space<semaphore_mem>>)
      %dma_wait3A_122 = arith.constant 0 : i32
      %dma_wait3A_123 = tpu.memref_slice %arg26[%run_scoped3A_96, %dma_wait3A_122] : memref<16x640xf32, #tpu.memory_space<vmem>> -> memref<1x640xf32, #tpu.memory_space<vmem>>
      %dma_wait3A_124 = tpu.memref_squeeze %dma_wait3A_123 : memref<1x640xf32, #tpu.memory_space<vmem>> -> memref<640xf32, #tpu.memory_space<vmem>>
      %dma_wait3A_125 = tpu.memref_slice %arg28[%run_scoped3A_95, %mul3A_71] : memref<16x10240xf32, #tpu.memory_space<vmem_shared>> -> memref<1x640xf32, #tpu.memory_space<vmem_shared>>
      %dma_wait3A_126 = tpu.memref_squeeze %dma_wait3A_125 : memref<1x640xf32, #tpu.memory_space<vmem_shared>> -> memref<640xf32, #tpu.memory_space<vmem_shared>>
      %dma_wait3A_127 = arith.constant 0 : i32
      %dma_wait3A_128 = tpu.memref_slice %arg26[%run_scoped3A_96, %dma_wait3A_127] : memref<16x640xf32, #tpu.memory_space<vmem>> -> memref<1x640xf32, #tpu.memory_space<vmem>>
      %dma_wait3A_129 = tpu.memref_squeeze %dma_wait3A_128 : memref<1x640xf32, #tpu.memory_space<vmem>> -> memref<640xf32, #tpu.memory_space<vmem>>
      %dma_wait3A_130 = tpu.memref_slice %arg28[%run_scoped3A_95, %mul3A_71] : memref<16x10240xf32, #tpu.memory_space<vmem_shared>> -> memref<1x640xf32, #tpu.memory_space<vmem_shared>>
      %dma_wait3A_131 = tpu.memref_squeeze %dma_wait3A_130 : memref<1x640xf32, #tpu.memory_space<vmem_shared>> -> memref<640xf32, #tpu.memory_space<vmem_shared>>
      tpu.wait_dma2 semaphore(%run_scoped3A_111 : memref<!tpu.dma_semaphore, #tpu.memory_space<semaphore_mem>>) src(%dma_wait3A_131 : memref<640xf32, #tpu.memory_space<vmem_shared>>) dst(%dma_wait3A_129 : memref<640xf32, #tpu.memory_space<vmem>>)
      tpu.yield
    }) : () -> ()
    %run_scoped3A_97 = arith.constant 13 : i32
    %run_scoped3A_98 = arith.constant 13 : i32
    "tpu.region"() ({
      %run_scoped3A_111 = tpu.sem_alloc : memref<!tpu.dma_semaphore, #tpu.memory_space<semaphore_mem>>
      %dma_start3A_112 = arith.constant 0 : i32
      %dma_start3A_113 = tpu.memref_slice %arg26[%run_scoped3A_98, %dma_start3A_112] : memref<16x640xf32, #tpu.memory_space<vmem>> -> memref<1x640xf32, #tpu.memory_space<vmem>>
      %dma_start3A_114 = tpu.memref_squeeze %dma_start3A_113 : memref<1x640xf32, #tpu.memory_space<vmem>> -> memref<640xf32, #tpu.memory_space<vmem>>
      %dma_start3A_115 = tpu.memref_slice %arg28[%run_scoped3A_97, %mul3A_71] : memref<16x10240xf32, #tpu.memory_space<vmem_shared>> -> memref<1x640xf32, #tpu.memory_space<vmem_shared>>
      %dma_start3A_116 = tpu.memref_squeeze %dma_start3A_115 : memref<1x640xf32, #tpu.memory_space<vmem_shared>> -> memref<640xf32, #tpu.memory_space<vmem_shared>>
      %dma_start3A_117 = arith.constant 0 : i32
      %dma_start3A_118 = tpu.memref_slice %arg26[%run_scoped3A_98, %dma_start3A_117] : memref<16x640xf32, #tpu.memory_space<vmem>> -> memref<1x640xf32, #tpu.memory_space<vmem>>
      %dma_start3A_119 = tpu.memref_squeeze %dma_start3A_118 : memref<1x640xf32, #tpu.memory_space<vmem>> -> memref<640xf32, #tpu.memory_space<vmem>>
      %dma_start3A_120 = tpu.memref_slice %arg28[%run_scoped3A_97, %mul3A_71] : memref<16x10240xf32, #tpu.memory_space<vmem_shared>> -> memref<1x640xf32, #tpu.memory_space<vmem_shared>>
      %dma_start3A_121 = tpu.memref_squeeze %dma_start3A_120 : memref<1x640xf32, #tpu.memory_space<vmem_shared>> -> memref<640xf32, #tpu.memory_space<vmem_shared>>
      tpu.enqueue_dma source(%dma_start3A_121 : memref<640xf32, #tpu.memory_space<vmem_shared>>) target(%dma_start3A_119 : memref<640xf32, #tpu.memory_space<vmem>>) target_semaphore(%run_scoped3A_111 : memref<!tpu.dma_semaphore, #tpu.memory_space<semaphore_mem>>)
      %dma_wait3A_122 = arith.constant 0 : i32
      %dma_wait3A_123 = tpu.memref_slice %arg26[%run_scoped3A_98, %dma_wait3A_122] : memref<16x640xf32, #tpu.memory_space<vmem>> -> memref<1x640xf32, #tpu.memory_space<vmem>>
      %dma_wait3A_124 = tpu.memref_squeeze %dma_wait3A_123 : memref<1x640xf32, #tpu.memory_space<vmem>> -> memref<640xf32, #tpu.memory_space<vmem>>
      %dma_wait3A_125 = tpu.memref_slice %arg28[%run_scoped3A_97, %mul3A_71] : memref<16x10240xf32, #tpu.memory_space<vmem_shared>> -> memref<1x640xf32, #tpu.memory_space<vmem_shared>>
      %dma_wait3A_126 = tpu.memref_squeeze %dma_wait3A_125 : memref<1x640xf32, #tpu.memory_space<vmem_shared>> -> memref<640xf32, #tpu.memory_space<vmem_shared>>
      %dma_wait3A_127 = arith.constant 0 : i32
      %dma_wait3A_128 = tpu.memref_slice %arg26[%run_scoped3A_98, %dma_wait3A_127] : memref<16x640xf32, #tpu.memory_space<vmem>> -> memref<1x640xf32, #tpu.memory_space<vmem>>
      %dma_wait3A_129 = tpu.memref_squeeze %dma_wait3A_128 : memref<1x640xf32, #tpu.memory_space<vmem>> -> memref<640xf32, #tpu.memory_space<vmem>>
      %dma_wait3A_130 = tpu.memref_slice %arg28[%run_scoped3A_97, %mul3A_71] : memref<16x10240xf32, #tpu.memory_space<vmem_shared>> -> memref<1x640xf32, #tpu.memory_space<vmem_shared>>
      %dma_wait3A_131 = tpu.memref_squeeze %dma_wait3A_130 : memref<1x640xf32, #tpu.memory_space<vmem_shared>> -> memref<640xf32, #tpu.memory_space<vmem_shared>>
      tpu.wait_dma2 semaphore(%run_scoped3A_111 : memref<!tpu.dma_semaphore, #tpu.memory_space<semaphore_mem>>) src(%dma_wait3A_131 : memref<640xf32, #tpu.memory_space<vmem_shared>>) dst(%dma_wait3A_129 : memref<640xf32, #tpu.memory_space<vmem>>)
      tpu.yield
    }) : () -> ()
    %run_scoped3A_99 = arith.constant 14 : i32
    %run_scoped3A_100 = arith.constant 14 : i32
    "tpu.region"() ({
      %run_scoped3A_111 = tpu.sem_alloc : memref<!tpu.dma_semaphore, #tpu.memory_space<semaphore_mem>>
      %dma_start3A_112 = arith.constant 0 : i32
      %dma_start3A_113 = tpu.memref_slice %arg26[%run_scoped3A_100, %dma_start3A_112] : memref<16x640xf32, #tpu.memory_space<vmem>> -> memref<1x640xf32, #tpu.memory_space<vmem>>
      %dma_start3A_114 = tpu.memref_squeeze %dma_start3A_113 : memref<1x640xf32, #tpu.memory_space<vmem>> -> memref<640xf32, #tpu.memory_space<vmem>>
      %dma_start3A_115 = tpu.memref_slice %arg28[%run_scoped3A_99, %mul3A_71] : memref<16x10240xf32, #tpu.memory_space<vmem_shared>> -> memref<1x640xf32, #tpu.memory_space<vmem_shared>>
      %dma_start3A_116 = tpu.memref_squeeze %dma_start3A_115 : memref<1x640xf32, #tpu.memory_space<vmem_shared>> -> memref<640xf32, #tpu.memory_space<vmem_shared>>
      %dma_start3A_117 = arith.constant 0 : i32
      %dma_start3A_118 = tpu.memref_slice %arg26[%run_scoped3A_100, %dma_start3A_117] : memref<16x640xf32, #tpu.memory_space<vmem>> -> memref<1x640xf32, #tpu.memory_space<vmem>>
      %dma_start3A_119 = tpu.memref_squeeze %dma_start3A_118 : memref<1x640xf32, #tpu.memory_space<vmem>> -> memref<640xf32, #tpu.memory_space<vmem>>
      %dma_start3A_120 = tpu.memref_slice %arg28[%run_scoped3A_99, %mul3A_71] : memref<16x10240xf32, #tpu.memory_space<vmem_shared>> -> memref<1x640xf32, #tpu.memory_space<vmem_shared>>
      %dma_start3A_121 = tpu.memref_squeeze %dma_start3A_120 : memref<1x640xf32, #tpu.memory_space<vmem_shared>> -> memref<640xf32, #tpu.memory_space<vmem_shared>>
      tpu.enqueue_dma source(%dma_start3A_121 : memref<640xf32, #tpu.memory_space<vmem_shared>>) target(%dma_start3A_119 : memref<640xf32, #tpu.memory_space<vmem>>) target_semaphore(%run_scoped3A_111 : memref<!tpu.dma_semaphore, #tpu.memory_space<semaphore_mem>>)
      %dma_wait3A_122 = arith.constant 0 : i32
      %dma_wait3A_123 = tpu.memref_slice %arg26[%run_scoped3A_100, %dma_wait3A_122] : memref<16x640xf32, #tpu.memory_space<vmem>> -> memref<1x640xf32, #tpu.memory_space<vmem>>
      %dma_wait3A_124 = tpu.memref_squeeze %dma_wait3A_123 : memref<1x640xf32, #tpu.memory_space<vmem>> -> memref<640xf32, #tpu.memory_space<vmem>>
      %dma_wait3A_125 = tpu.memref_slice %arg28[%run_scoped3A_99, %mul3A_71] : memref<16x10240xf32, #tpu.memory_space<vmem_shared>> -> memref<1x640xf32, #tpu.memory_space<vmem_shared>>
      %dma_wait3A_126 = tpu.memref_squeeze %dma_wait3A_125 : memref<1x640xf32, #tpu.memory_space<vmem_shared>> -> memref<640xf32, #tpu.memory_space<vmem_shared>>
      %dma_wait3A_127 = arith.constant 0 : i32
      %dma_wait3A_128 = tpu.memref_slice %arg26[%run_scoped3A_100, %dma_wait3A_127] : memref<16x640xf32, #tpu.memory_space<vmem>> -> memref<1x640xf32, #tpu.memory_space<vmem>>
      %dma_wait3A_129 = tpu.memref_squeeze %dma_wait3A_128 : memref<1x640xf32, #tpu.memory_space<vmem>> -> memref<640xf32, #tpu.memory_space<vmem>>
      %dma_wait3A_130 = tpu.memref_slice %arg28[%run_scoped3A_99, %mul3A_71] : memref<16x10240xf32, #tpu.memory_space<vmem_shared>> -> memref<1x640xf32, #tpu.memory_space<vmem_shared>>
      %dma_wait3A_131 = tpu.memref_squeeze %dma_wait3A_130 : memref<1x640xf32, #tpu.memory_space<vmem_shared>> -> memref<640xf32, #tpu.memory_space<vmem_shared>>
      tpu.wait_dma2 semaphore(%run_scoped3A_111 : memref<!tpu.dma_semaphore, #tpu.memory_space<semaphore_mem>>) src(%dma_wait3A_131 : memref<640xf32, #tpu.memory_space<vmem_shared>>) dst(%dma_wait3A_129 : memref<640xf32, #tpu.memory_space<vmem>>)
      tpu.yield
    }) : () -> ()
    %run_scoped3A_101 = arith.constant 15 : i32
    %run_scoped3A_102 = arith.constant 15 : i32
    "tpu.region"() ({
      %run_scoped3A_111 = tpu.sem_alloc : memref<!tpu.dma_semaphore, #tpu.memory_space<semaphore_mem>>
      %dma_start3A_112 = arith.constant 0 : i32
      %dma_start3A_113 = tpu.memref_slice %arg26[%run_scoped3A_102, %dma_start3A_112] : memref<16x640xf32, #tpu.memory_space<vmem>> -> memref<1x640xf32, #tpu.memory_space<vmem>>
      %dma_start3A_114 = tpu.memref_squeeze %dma_start3A_113 : memref<1x640xf32, #tpu.memory_space<vmem>> -> memref<640xf32, #tpu.memory_space<vmem>>
      %dma_start3A_115 = tpu.memref_slice %arg28[%run_scoped3A_101, %mul3A_71] : memref<16x10240xf32, #tpu.memory_space<vmem_shared>> -> memref<1x640xf32, #tpu.memory_space<vmem_shared>>
      %dma_start3A_116 = tpu.memref_squeeze %dma_start3A_115 : memref<1x640xf32, #tpu.memory_space<vmem_shared>> -> memref<640xf32, #tpu.memory_space<vmem_shared>>
      %dma_start3A_117 = arith.constant 0 : i32
      %dma_start3A_118 = tpu.memref_slice %arg26[%run_scoped3A_102, %dma_start3A_117] : memref<16x640xf32, #tpu.memory_space<vmem>> -> memref<1x640xf32, #tpu.memory_space<vmem>>
      %dma_start3A_119 = tpu.memref_squeeze %dma_start3A_118 : memref<1x640xf32, #tpu.memory_space<vmem>> -> memref<640xf32, #tpu.memory_space<vmem>>
      %dma_start3A_120 = tpu.memref_slice %arg28[%run_scoped3A_101, %mul3A_71] : memref<16x10240xf32, #tpu.memory_space<vmem_shared>> -> memref<1x640xf32, #tpu.memory_space<vmem_shared>>
      %dma_start3A_121 = tpu.memref_squeeze %dma_start3A_120 : memref<1x640xf32, #tpu.memory_space<vmem_shared>> -> memref<640xf32, #tpu.memory_space<vmem_shared>>
      tpu.enqueue_dma source(%dma_start3A_121 : memref<640xf32, #tpu.memory_space<vmem_shared>>) target(%dma_start3A_119 : memref<640xf32, #tpu.memory_space<vmem>>) target_semaphore(%run_scoped3A_111 : memref<!tpu.dma_semaphore, #tpu.memory_space<semaphore_mem>>)
      %dma_wait3A_122 = arith.constant 0 : i32
      %dma_wait3A_123 = tpu.memref_slice %arg26[%run_scoped3A_102, %dma_wait3A_122] : memref<16x640xf32, #tpu.memory_space<vmem>> -> memref<1x640xf32, #tpu.memory_space<vmem>>
      %dma_wait3A_124 = tpu.memref_squeeze %dma_wait3A_123 : memref<1x640xf32, #tpu.memory_space<vmem>> -> memref<640xf32, #tpu.memory_space<vmem>>
      %dma_wait3A_125 = tpu.memref_slice %arg28[%run_scoped3A_101, %mul3A_71] : memref<16x10240xf32, #tpu.memory_space<vmem_shared>> -> memref<1x640xf32, #tpu.memory_space<vmem_shared>>
      %dma_wait3A_126 = tpu.memref_squeeze %dma_wait3A_125 : memref<1x640xf32, #tpu.memory_space<vmem_shared>> -> memref<640xf32, #tpu.memory_space<vmem_shared>>
      %dma_wait3A_127 = arith.constant 0 : i32
      %dma_wait3A_128 = tpu.memref_slice %arg26[%run_scoped3A_102, %dma_wait3A_127] : memref<16x640xf32, #tpu.memory_space<vmem>> -> memref<1x640xf32, #tpu.memory_space<vmem>>
      %dma_wait3A_129 = tpu.memref_squeeze %dma_wait3A_128 : memref<1x640xf32, #tpu.memory_space<vmem>> -> memref<640xf32, #tpu.memory_space<vmem>>
      %dma_wait3A_130 = tpu.memref_slice %arg28[%run_scoped3A_101, %mul3A_71] : memref<16x10240xf32, #tpu.memory_space<vmem_shared>> -> memref<1x640xf32, #tpu.memory_space<vmem_shared>>
      %dma_wait3A_131 = tpu.memref_squeeze %dma_wait3A_130 : memref<1x640xf32, #tpu.memory_space<vmem_shared>> -> memref<640xf32, #tpu.memory_space<vmem_shared>>
      tpu.wait_dma2 semaphore(%run_scoped3A_111 : memref<!tpu.dma_semaphore, #tpu.memory_space<semaphore_mem>>) src(%dma_wait3A_131 : memref<640xf32, #tpu.memory_space<vmem_shared>>) dst(%dma_wait3A_129 : memref<640xf32, #tpu.memory_space<vmem>>)
      tpu.yield
    }) : () -> ()
    %scan3A_103 = arith.constant 0 : i32
    %scan3A_104 = arith.constant 0 : i32
    %scan3A_105 = arith.constant 40 : i32
    %scan3A_106 = arith.addi %scan3A_104, %scan3A_105 : i32
    %scan3A_107 = arith.constant 1 : i32
    %scan3A_108 = scf.for %scan3A_111 = %scan3A_104 to %scan3A_106 step %scan3A_107 iter_args(%scan3A_112 = %scan3A_103) -> (i32)  : i32 {
      %mul3A_113 = arith.constant 16 : i32
      %mul3A_114 = arith.muli %scan3A_111, %mul3A_113 : i32
      %get3A_115 = arith.constant 0 : i32
      %get3A_116 = arith.index_cast %get3A_115 : i32 to index
      %get3A_117 = arith.index_cast %mul3A_114 : i32 to index
      %get3A_118 = tpu.vector_load %arg26[%get3A_116, %get3A_117] {strides = array<i32>} : memref<16x640xf32, #tpu.memory_space<vmem>>, vector<16xf32>,
      %mul3A_119 = arith.constant 16 : i32
      %mul3A_120 = arith.muli %scan3A_111, %mul3A_119 : i32
      %get3A_121 = arith.constant 1 : i32
      %get3A_122 = arith.index_cast %get3A_121 : i32 to index
      %get3A_123 = arith.index_cast %mul3A_120 : i32 to index
      %get3A_124 = tpu.vector_load %arg26[%get3A_122, %get3A_123] {strides = array<i32>} : memref<16x640xf32, #tpu.memory_space<vmem>>, vector<16xf32>,
      %add3A_125 = arith.addf %get3A_118, %get3A_124 : vector<16xf32>
      %mul3A_126 = arith.constant 16 : i32
      %mul3A_127 = arith.muli %scan3A_111, %mul3A_126 : i32
      %get3A_128 = arith.constant 2 : i32
      %get3A_129 = arith.index_cast %get3A_128 : i32 to index
      %get3A_130 = arith.index_cast %mul3A_127 : i32 to index
      %get3A_131 = tpu.vector_load %arg26[%get3A_129, %get3A_130] {strides = array<i32>} : memref<16x640xf32, #tpu.memory_space<vmem>>, vector<16xf32>,
      %add3A_132 = arith.addf %add3A_125, %get3A_131 : vector<16xf32>
      %mul3A_133 = arith.constant 16 : i32
      %mul3A_134 = arith.muli %scan3A_111, %mul3A_133 : i32
      %get3A_135 = arith.constant 3 : i32
      %get3A_136 = arith.index_cast %get3A_135 : i32 to index
      %get3A_137 = arith.index_cast %mul3A_134 : i32 to index
      %get3A_138 = tpu.vector_load %arg26[%get3A_136, %get3A_137] {strides = array<i32>} : memref<16x640xf32, #tpu.memory_space<vmem>>, vector<16xf32>,
      %add3A_139 = arith.addf %add3A_132, %get3A_138 : vector<16xf32>
      %mul3A_140 = arith.constant 16 : i32
      %mul3A_141 = arith.muli %scan3A_111, %mul3A_140 : i32
      %get3A_142 = arith.constant 4 : i32
      %get3A_143 = arith.index_cast %get3A_142 : i32 to index
      %get3A_144 = arith.index_cast %mul3A_141 : i32 to index
      %get3A_145 = tpu.vector_load %arg26[%get3A_143, %get3A_144] {strides = array<i32>} : memref<16x640xf32, #tpu.memory_space<vmem>>, vector<16xf32>,
      %add3A_146 = arith.addf %add3A_139, %get3A_145 : vector<16xf32>
      %mul3A_147 = arith.constant 16 : i32
      %mul3A_148 = arith.muli %scan3A_111, %mul3A_147 : i32
      %get3A_149 = arith.constant 5 : i32
      %get3A_150 = arith.index_cast %get3A_149 : i32 to index
      %get3A_151 = arith.index_cast %mul3A_148 : i32 to index
      %get3A_152 = tpu.vector_load %arg26[%get3A_150, %get3A_151] {strides = array<i32>} : memref<16x640xf32, #tpu.memory_space<vmem>>, vector<16xf32>,
      %add3A_153 = arith.addf %add3A_146, %get3A_152 : vector<16xf32>
      %mul3A_154 = arith.constant 16 : i32
      %mul3A_155 = arith.muli %scan3A_111, %mul3A_154 : i32
      %get3A_156 = arith.constant 6 : i32
      %get3A_157 = arith.index_cast %get3A_156 : i32 to index
      %get3A_158 = arith.index_cast %mul3A_155 : i32 to index
      %get3A_159 = tpu.vector_load %arg26[%get3A_157, %get3A_158] {strides = array<i32>} : memref<16x640xf32, #tpu.memory_space<vmem>>, vector<16xf32>,
      %add3A_160 = arith.addf %add3A_153, %get3A_159 : vector<16xf32>
      %mul3A_161 = arith.constant 16 : i32
      %mul3A_162 = arith.muli %scan3A_111, %mul3A_161 : i32
      %get3A_163 = arith.constant 7 : i32
      %get3A_164 = arith.index_cast %get3A_163 : i32 to index
      %get3A_165 = arith.index_cast %mul3A_162 : i32 to index
      %get3A_166 = tpu.vector_load %arg26[%get3A_164, %get3A_165] {strides = array<i32>} : memref<16x640xf32, #tpu.memory_space<vmem>>, vector<16xf32>,
      %add3A_167 = arith.addf %add3A_160, %get3A_166 : vector<16xf32>
      %mul3A_168 = arith.constant 16 : i32
      %mul3A_169 = arith.muli %scan3A_111, %mul3A_168 : i32
      %get3A_170 = arith.constant 8 : i32
      %get3A_171 = arith.index_cast %get3A_170 : i32 to index
      %get3A_172 = arith.index_cast %mul3A_169 : i32 to index
      %get3A_173 = tpu.vector_load %arg26[%get3A_171, %get3A_172] {strides = array<i32>} : memref<16x640xf32, #tpu.memory_space<vmem>>, vector<16xf32>,
      %add3A_174 = arith.addf %add3A_167, %get3A_173 : vector<16xf32>
      %mul3A_175 = arith.constant 16 : i32
      %mul3A_176 = arith.muli %scan3A_111, %mul3A_175 : i32
      %get3A_177 = arith.constant 9 : i32
      %get3A_178 = arith.index_cast %get3A_177 : i32 to index
      %get3A_179 = arith.index_cast %mul3A_176 : i32 to index
      %get3A_180 = tpu.vector_load %arg26[%get3A_178, %get3A_179] {strides = array<i32>} : memref<16x640xf32, #tpu.memory_space<vmem>>, vector<16xf32>,
      %add3A_181 = arith.addf %add3A_174, %get3A_180 : vector<16xf32>
      %mul3A_182 = arith.constant 16 : i32
      %mul3A_183 = arith.muli %scan3A_111, %mul3A_182 : i32
      %get3A_184 = arith.constant 10 : i32
      %get3A_185 = arith.index_cast %get3A_184 : i32 to index
      %get3A_186 = arith.index_cast %mul3A_183 : i32 to index
      %get3A_187 = tpu.vector_load %arg26[%get3A_185, %get3A_186] {strides = array<i32>} : memref<16x640xf32, #tpu.memory_space<vmem>>, vector<16xf32>,
      %add3A_188 = arith.addf %add3A_181, %get3A_187 : vector<16xf32>
      %mul3A_189 = arith.constant 16 : i32
      %mul3A_190 = arith.muli %scan3A_111, %mul3A_189 : i32
      %get3A_191 = arith.constant 11 : i32
      %get3A_192 = arith.index_cast %get3A_191 : i32 to index
      %get3A_193 = arith.index_cast %mul3A_190 : i32 to index
      %get3A_194 = tpu.vector_load %arg26[%get3A_192, %get3A_193] {strides = array<i32>} : memref<16x640xf32, #tpu.memory_space<vmem>>, vector<16xf32>,
      %add3A_195 = arith.addf %add3A_188, %get3A_194 : vector<16xf32>
      %mul3A_196 = arith.constant 16 : i32
      %mul3A_197 = arith.muli %scan3A_111, %mul3A_196 : i32
      %get3A_198 = arith.constant 12 : i32
      %get3A_199 = arith.index_cast %get3A_198 : i32 to index
      %get3A_200 = arith.index_cast %mul3A_197 : i32 to index
      %get3A_201 = tpu.vector_load %arg26[%get3A_199, %get3A_200] {strides = array<i32>} : memref<16x640xf32, #tpu.memory_space<vmem>>, vector<16xf32>,
      %add3A_202 = arith.addf %add3A_195, %get3A_201 : vector<16xf32>
      %mul3A_203 = arith.constant 16 : i32
      %mul3A_204 = arith.muli %scan3A_111, %mul3A_203 : i32
      %get3A_205 = arith.constant 13 : i32
      %get3A_206 = arith.index_cast %get3A_205 : i32 to index
      %get3A_207 = arith.index_cast %mul3A_204 : i32 to index
      %get3A_208 = tpu.vector_load %arg26[%get3A_206, %get3A_207] {strides = array<i32>} : memref<16x640xf32, #tpu.memory_space<vmem>>, vector<16xf32>,
      %add3A_209 = arith.addf %add3A_202, %get3A_208 : vector<16xf32>
      %mul3A_210 = arith.constant 16 : i32
      %mul3A_211 = arith.muli %scan3A_111, %mul3A_210 : i32
      %get3A_212 = arith.constant 14 : i32
      %get3A_213 = arith.index_cast %get3A_212 : i32 to index
      %get3A_214 = arith.index_cast %mul3A_211 : i32 to index
      %get3A_215 = tpu.vector_load %arg26[%get3A_213, %get3A_214] {strides = array<i32>} : memref<16x640xf32, #tpu.memory_space<vmem>>, vector<16xf32>,
      %add3A_216 = arith.addf %add3A_209, %get3A_215 : vector<16xf32>
      %mul3A_217 = arith.constant 16 : i32
      %mul3A_218 = arith.muli %scan3A_111, %mul3A_217 : i32
      %get3A_219 = arith.constant 15 : i32
      %get3A_220 = arith.index_cast %get3A_219 : i32 to index
      %get3A_221 = arith.index_cast %mul3A_218 : i32 to index
      %get3A_222 = tpu.vector_load %arg26[%get3A_220, %get3A_221] {strides = array<i32>} : memref<16x640xf32, #tpu.memory_space<vmem>>, vector<16xf32>,
      %add3A_223 = arith.addf %add3A_216, %get3A_222 : vector<16xf32>
      %mul3A_224 = arith.constant 16 : i32
      %mul3A_225 = arith.muli %scan3A_111, %mul3A_224 : i32
      %swap3A = arith.constant 0 : i32
      %swap3A_226 = arith.index_cast %swap3A : i32 to index
      %swap3A_227 = arith.index_cast %mul3A_225 : i32 to index
      %swap3A_228 = tpu.vector_load %arg26[%swap3A_226, %swap3A_227] {strides = array<i32>} : memref<16x640xf32, #tpu.memory_space<vmem>>, vector<16xf32>,
      tpu.vector_store %arg26[%swap3A_226, %swap3A_227], %add3A_223 {strides = array<i32>} : memref<16x640xf32, #tpu.memory_space<vmem>>, vector<16xf32>,
      %scan3A_229 = arith.constant 0 : i32
      scf.yield %scan3A_229 : i32
    }
    %scan3A_109 = arith.constant 40 : i32
    %run_scoped3A_110 = arith.constant 0 : i32
    "tpu.region"() ({
      %run_scoped3A_111 = tpu.sem_alloc : memref<!tpu.dma_semaphore, #tpu.memory_space<semaphore_mem>>
      %dma_start3A_112 = arith.constant 0 : i32
      %dma_start3A_113 = tpu.memref_slice %arg26[%run_scoped3A_110, %dma_start3A_112] : memref<16x640xf32, #tpu.memory_space<vmem>> -> memref<1x640xf32, #tpu.memory_space<vmem>>
      %dma_start3A_114 = tpu.memref_squeeze %dma_start3A_113 : memref<1x640xf32, #tpu.memory_space<vmem>> -> memref<640xf32, #tpu.memory_space<vmem>>
      %dma_start3A_115 = tpu.memref_slice %arg7[%arg0, %mul3A_71] : memref<2x10240xf32, #tpu.memory_space<hbm>> -> memref<1x640xf32, #tpu.memory_space<hbm>>
      %dma_start3A_116 = tpu.memref_squeeze %dma_start3A_115 : memref<1x640xf32, #tpu.memory_space<hbm>> -> memref<640xf32, #tpu.memory_space<hbm>>
      %dma_start3A_117 = tpu.memref_slice %arg7[%arg0, %mul3A_71] : memref<2x10240xf32, #tpu.memory_space<hbm>> -> memref<1x640xf32, #tpu.memory_space<hbm>>
      %dma_start3A_118 = tpu.memref_squeeze %dma_start3A_117 : memref<1x640xf32, #tpu.memory_space<hbm>> -> memref<640xf32, #tpu.memory_space<hbm>>
      %dma_start3A_119 = arith.constant 0 : i32
      %dma_start3A_120 = tpu.memref_slice %arg26[%run_scoped3A_110, %dma_start3A_119] : memref<16x640xf32, #tpu.memory_space<vmem>> -> memref<1x640xf32, #tpu.memory_space<vmem>>
      %dma_start3A_121 = tpu.memref_squeeze %dma_start3A_120 : memref<1x640xf32, #tpu.memory_space<vmem>> -> memref<640xf32, #tpu.memory_space<vmem>>
      tpu.enqueue_dma source(%dma_start3A_121 : memref<640xf32, #tpu.memory_space<vmem>>) target(%dma_start3A_118 : memref<640xf32, #tpu.memory_space<hbm>>) target_semaphore(%run_scoped3A_111 : memref<!tpu.dma_semaphore, #tpu.memory_space<semaphore_mem>>)
      %dma_wait3A_122 = arith.constant 0 : i32
      %dma_wait3A_123 = tpu.memref_slice %arg26[%run_scoped3A_110, %dma_wait3A_122] : memref<16x640xf32, #tpu.memory_space<vmem>> -> memref<1x640xf32, #tpu.memory_space<vmem>>
      %dma_wait3A_124 = tpu.memref_squeeze %dma_wait3A_123 : memref<1x640xf32, #tpu.memory_space<vmem>> -> memref<640xf32, #tpu.memory_space<vmem>>
      %dma_wait3A_125 = tpu.memref_slice %arg7[%arg0, %mul3A_71] : memref<2x10240xf32, #tpu.memory_space<hbm>> -> memref<1x640xf32, #tpu.memory_space<hbm>>
      %dma_wait3A_126 = tpu.memref_squeeze %dma_wait3A_125 : memref<1x640xf32, #tpu.memory_space<hbm>> -> memref<640xf32, #tpu.memory_space<hbm>>
      %dma_wait3A_127 = tpu.memref_slice %arg7[%arg0, %mul3A_71] : memref<2x10240xf32, #tpu.memory_space<hbm>> -> memref<1x640xf32, #tpu.memory_space<hbm>>
      %dma_wait3A_128 = tpu.memref_squeeze %dma_wait3A_127 : memref<1x640xf32, #tpu.memory_space<hbm>> -> memref<640xf32, #tpu.memory_space<hbm>>
      %dma_wait3A_129 = arith.constant 0 : i32
      %dma_wait3A_130 = tpu.memref_slice %arg26[%run_scoped3A_110, %dma_wait3A_129] : memref<16x640xf32, #tpu.memory_space<vmem>> -> memref<1x640xf32, #tpu.memory_space<vmem>>
      %dma_wait3A_131 = tpu.memref_squeeze %dma_wait3A_130 : memref<1x640xf32, #tpu.memory_space<vmem>> -> memref<640xf32, #tpu.memory_space<vmem>>
      tpu.wait_dma2 semaphore(%run_scoped3A_111 : memref<!tpu.dma_semaphore, #tpu.memory_space<semaphore_mem>>) src(%dma_wait3A_131 : memref<640xf32, #tpu.memory_space<vmem>>) dst(%dma_wait3A_128 : memref<640xf32, #tpu.memory_space<hbm>>)
      tpu.yield
    }) : () -> ()
    return
  }
}

</mosaic_0001>

<sc_bundles>
// kernel: kernel.3.cloned.1.call-start
scs
__scs_entry_jumppad:
0x0: {  	(pc) =	sbr.rel $0x88, $3  }
0x1: {  	(tag) =	ssettag $0x0;
	lr =	simm.s32 $0x1  }
0x2: {  	[smem:$0x3F9E] =	sst lr;
	_ =	strace $0xD0000000  }
0x3: {  	_ = 	snop  }
0x4: {  	_ = 	snop  }
0x5: {  	_ = 	snop  }
0x6: {  	_ = 	snop  }
0x7: {  	_ = 	snop  }
__scs_overlays_trampoline_lowered:
0x8: {  	[smem:$0x3FAD] =	sst s0  }
0x9: {  	[smem:$0x3FAE] =	sst s1  }
0xa: {  	[smem:$0x3FAF] =	sst s2  }
0xb: {  	[smem:$0x3FB0] =	sst s3  }
0xc: {  	[smem:$0x3FB1] =	sst s4  }
0xd: {  	[smem:$0x3FB2] =	sst s5  }
0xe: {  	[smem:$0x3FB3] =	sst s6  }
0xf: {  	[smem:$0x3FB4] =	sst s7  }
0x10: {  	[smem:$0x3FB5] =	sst s8  }
0x11: {  	[smem:$0x3FB6] =	sst s9;
	s0 =	simm.s32 @!p0 $0x0  }
0x12: {  	s1 =	sld [smem:$0x3F9C];
	s0 =	simm.s32 @p0 $0x1  }
0x13: {  	[smem:$0x3FB7] =	sst s0;
	s0 =	simm.s32 @!p1 $0x0  }
0x14: {  	s2 =	sld [smem:$0x3F9B];
	s0 =	simm.s32 @p1 $0x1  }
0x15: {  	[smem:$0x3FB8] =	sst s0;
	s0 =	simm.s32 @!p2 $0x0  }
0x16: {  	s3 =	sld [smem:$0x3FDB];
	s0 =	simm.s32 @p2 $0x1  }
0x17: {  	s4 =	simm.s32 $0x1BF5;
	[smem:$0x3FBA] =	sst s0  }
0x18: {  	s0 =	sld [smem:$0x3F9D];
	_ =	swait.ge [sflag:s4], $0x0  }
0x19: {  	s7 =	sld [smem:$0x3F9E]  }
0x1a: {  	s8 =	sadd.s32 $0xFFFFE003, lr  }
0x1b: {  	s9 =	sadd.s32 $0xFFFFFEF7, lr;
	s5 =	simm.s32 $0xFFFFFFFF;
	p2 =	slt.u32 s8, $0xFFFFF086  }
0x1c: {  	p1 =	slt.u32 s9, $0xF7A;
	s5 =	simm.s32 @!p2 $0x0  }
0x1d: {  	s5 =	simm.s32 @p1 $0x1;
	p0 =	seq.s32 s7, s2  }
0x1e: {  	s7 =	smul.u32 @!p0 $0xF7A, s2;
	p2 =	seq.s32 @!p0 s5, $0x0  }
0x1f: {  	s9 =	smul.u32 $0xF7A, s1;
	s8 =	simm.s32 @!p0 $0x1BF5;
	p2 =	por !p2, p0  }
0x20: {  	[sflag:s8] =	ssyncset.s32 @!p0 $0xFFFFF086;
	s6 =	sadd.s32 @!p0 s3, s7;
	s7 =	simm.s32 @!p0 $0x108  }
0x21: {  	s3 =	sadd.s32 s3, s9;
	s6 =	sadd.s32 @!p0 $0x88, s6;
	s7 =	simm.s32 @p2 $0x1082  }
0x22: {  	[simem:s7], [sflag:s8] =	dma.local @!p0 [hbm:s6], $0xF7A  }
0x23: {  	s9 =	sor.u32 $0xD0000000, s2;
	s6 =	simm.s32 $0x108;
	_ =	swait.ge @!p0 [sflag:s8], $0x0  }
0x24: {  	s3 =	sadd.s32 $0x88, s3;
	s6 =	simm.s32 @!p1 $0x1082;
	[sflag:s4] =	ssyncset.s32 $0xFFFFF086  }
0x25: {  	[simem:s6], [sflag:s4] =	dma.local [hbm:s3], $0xF7A  }
0x26: {  	[smem:$0x3F9E] =	sst s1;
	(tag) =	ssettag s2;
	_ =	strace s9  }
0x27: {  	s1 =	sld [smem:$0x3FAE]  }
0x28: {  	s2 =	sld [smem:$0x3FAF]  }
0x29: {  	s4 =	sld [smem:$0x3FB1]  }
0x2a: {  	p0 =	seq.s32 s5, $0x0;
	s5 =	sld [smem:$0x3FB2]  }
0x2b: {  	s6 =	sld [smem:$0x3FB3]  }
0x2c: {  	s7 =	sld [smem:$0x3FB4]  }
0x2d: {  	s3 =	simm.s32 $0x108;
	s8 =	sld [smem:$0x3FB5]  }
0x2e: {  	s3 =	simm.s32 @!p0 $0x1082;
	s9 =	sld [smem:$0x3FB6]  }
0x2f: {  	lr =	sadd.s32 s0, s3;
	s0 =	sld [smem:$0x3FAD]  }
0x30: {  	s3 =	sld [smem:$0x3FB0]  }
0x31: {  	[smem:$0x3FB9] =	sst s10  }
0x32: {  	s10 =	sld [smem:$0x3FB7];
	_ =	sdelay $0x3  }
0x33: {  	p0 =	seq.s32 s10, $0x1;
	s10 =	sld [smem:$0x3FB9];
	_ =	sdelay $0x3  }
0x34: {  	[smem:$0x3FB9] =	sst s10  }
0x35: {  	s10 =	sld [smem:$0x3FB8];
	_ =	sdelay $0x3  }
0x36: {  	p1 =	seq.s32 s10, $0x1;
	s10 =	sld [smem:$0x3FB9];
	_ =	sdelay $0x3  }
0x37: {  	[smem:$0x3FB9] =	sst s10  }
0x38: {  	s10 =	sld [smem:$0x3FBA]  }
0x39: {  	_ = 	snop;
	(pc) =	sbr.ind lr, $3  }
0x3a: {  	_ = 	snop  }
0x3b: {  	_ = 	snop  }
0x3c: {  	p2 =	seq.s32 s10, $0x1;
	s10 =	sld [smem:$0x3FB9]  }
0x3d: {  	_ =	shalt  }
0x3e: {  	_ =	shalt  }
0x3f: {  	_ =	shalt  }
0x40: {  	_ =	shalt  }
0x41: {  	_ =	shalt  }
0x42: {  	_ =	shalt  }
0x43: {  	_ =	shalt  }
0x44: {  	_ =	shalt  }
0x45: {  	_ =	shalt  }
0x46: {  	_ =	shalt  }
0x47: {  	_ =	shalt  }
0x48: {  	_ =	shalt  }
0x49: {  	_ =	shalt  }
0x4a: {  	_ =	shalt  }
0x4b: {  	_ =	shalt  }
0x4c: {  	_ =	shalt  }
0x4d: {  	_ =	shalt  }
0x4e: {  	_ =	shalt  }
0x4f: {  	_ =	shalt  }
0x50: {  	_ =	shalt  }
0x51: {  	_ =	shalt  }
0x52: {  	_ =	shalt  }
0x53: {  	_ =	shalt  }
0x54: {  	_ =	shalt  }
0x55: {  	_ =	shalt  }
0x56: {  	_ =	shalt  }
0x57: {  	_ =	shalt  }
0x58: {  	_ =	shalt  }
0x59: {  	_ =	shalt  }
0x5a: {  	_ =	shalt  }
0x5b: {  	_ =	shalt  }
0x5c: {  	_ =	shalt  }
0x5d: {  	_ =	shalt  }
0x5e: {  	_ =	shalt  }
0x5f: {  	_ =	shalt  }
0x60: {  	_ =	shalt  }
0x61: {  	_ =	shalt  }
0x62: {  	_ =	shalt  }
0x63: {  	_ =	shalt  }
0x64: {  	_ =	shalt  }
0x65: {  	_ =	shalt  }
0x66: {  	_ =	shalt  }
0x67: {  	_ =	shalt  }
0x68: {  	_ =	shalt  }
0x69: {  	_ =	shalt  }
0x6a: {  	_ =	shalt  }
0x6b: {  	_ =	shalt  }
0x6c: {  	_ =	shalt  }
0x6d: {  	_ =	shalt  }
0x6e: {  	_ =	shalt  }
0x6f: {  	_ =	shalt  }
0x70: {  	_ =	shalt  }
0x71: {  	_ =	shalt  }
0x72: {  	_ =	shalt  }
0x73: {  	_ =	shalt  }
0x74: {  	_ =	shalt  }
0x75: {  	_ =	shalt  }
0x76: {  	_ =	shalt  }
0x77: {  	_ =	shalt  }
0x78: {  	_ =	shalt  }
0x79: {  	_ =	shalt  }
0x7a: {  	_ =	shalt  }
0x7b: {  	_ =	shalt  }
0x7c: {  	_ =	shalt  }
0x7d: {  	_ =	shalt  }
0x7e: {  	_ =	shalt  }
0x7f: {  	_ =	shalt  }
0x80: {  	_ =	shalt  }
0x81: {  	_ =	shalt  }
0x82: {  	_ =	shalt  }
0x83: {  	_ =	shalt  }
0x84: {  	_ =	shalt  }
0x85: {  	_ =	shalt  }
0x86: {  	_ =	shalt  }
0x87: {  	_ =	shalt  }
.Lfunc_end0:
.L_simem_size_0:
called_computation_lowered:
.L_overlay_start_0:
0x88: {  	s2 =	sld [smem:$0x3FD9]  }
0x89: {  	s3 =	sld [smem:$0x3FFE];
	_ =	sdelay $0x1  }
0x8a: {  	s1 =	srdreg.scid  }
0x8b: {  	s0 =	sand.u32 $0x1, s1  }
0x8c: {  	s14 =	sshll.u32 s0, $0xA;
	s2 =	sadd.s32 s3, s2  }
0x8d: {  	s2 =	sadd.s32 s2, s14  }
0x8e: {  	[smem:$0x3FC5] =	sst s2  }
0x8f: {  	_ = 	snop  }
0x90: {  	s2 =	sld [smem:$0x3FD0];
	_ =	sdelay $0x2  }
0x91: {  	s4 =	simm.s32 $0xA;
	s5 =	simm.s32 $0x10;
	s15 =	sld [smem:$0x3FC8]  }
0x92: {  	[smem:s5], [sflag:s4] =	dma.local [hbm:s2], $0x1  }
0x93: {  	_ =	swait.eq [sflag:s4], $0x1  }
0x94: {  	s16 =	sld [smem:$0x10];
	[sflag:s4] =	ssyncset.done $0x0  }
0x95: {  	s17 =	sld [smem:$0x11];
	[sflag:s4] =	ssyncadd.s32 $0xFFFFFFFF  }
0x96: {  	s18 =	sld [smem:$0x12];
	(tm) =	ssettm $0x1  }
0x97: {  	s6 =	sld [smem:$0x3FFB];
	_ =	sdelay $0x3  }
0x98: {  	_ =	strace s6  }
0x99: {  	s6 =	sld [smem:$0x3FFC];
	_ =	sdelay $0x3  }
0x9a: {  	_ =	strace s6  }
0x9b: {  	s6 =	sld [smem:$0x3FFD];
	_ =	sdelay $0x3  }
0x9c: {  	_ =	strace s6  }
0x9d: {  	_ =	strace $0x8FFFFFFF  }
0x9e: {  	s19 =	sld [smem:$0x3FDB];
	_ =	sdelay $0x1  }
0x9f: {  	s7 =	simm.s32 $_scs_section_size  }
0xa0: {  	s8 =	simm.s32 $_size__tile_overlayer_lowered;
	s9 =	simm.s32 $_tile_overlayer_lowered  }
0xa1: {  	s22 =	simm.s32 $0x1BFF;
	s21 =	sshll.u32 s9, $0x1;
	s6 =	sadd.s32 s7, s19  }
0xa2: {  	s10 =	simm.s32 $0x0;
	s20 =	sshll.u32 s8, $0x1;
	s8 =	sadd.s32 s21, s6  }
0xa3: {  	[timem:s10], [sflag:s22] =	dma.local [hbm:s8], s20  }
0xa4: {  	_ =	swait.ge [sflag:s22], s20  }
0xa5: {  	s7 =	ssub.s32 $0x0, s20;
	[sflag:s22] =	ssyncset.done $0x0  }
0xa6: {  	[sflag:s22] =	ssyncadd.s32 s7;
	_ =	sdelay $0x1  }
0xa7: {  	s23 =	simm.s32 $0x1B8B  }
0xa8: {  	_ =	swait.ge [sflag:s23], $0x1  }
0xa9: {  	[sflag:s23] =	ssyncset.done $0x0  }
0xaa: {  	s25 =	simm.s32 $0x1B8E;
	s24 =	sld [smem:$0x3FFE];
	[sflag:s23] =	ssyncadd.s32 $0xFFFFFFFF  }
0xab: {  	s26 =	simm.s32 $execute0_lowered;
	[smem:$0x3FD2] =	sst s25  }
0xac: {  	s8 =	sshll.u32 s26, $0x1;
	_ =	strace $0x80000046;
	[dreg:$0x1] =	wrdreg $0xFFFFFFFF  }
0xad: {  	s28 =	simm.s32 $_size_execute0_lowered;
	s6 =	sadd.s32 s6, s8;
	[dreg:$0x0] =	wrdreg $0x0  }
0xae: {  	s8 =	sshll.u32 s28, $0x1;
	[dreg:$0x2] =	wrdreg s6  }
0xaf: {  	[dreg:$0x3] =	wrdreg s8  }
0xb0: {  	[dreg:$0x4] =	wrdreg $0xC0  }
0xb1: {  	_ =	task [dreg:s10], $0x5FFFF  }
0xb2: {  	[dreg:$0x1] =	wrdreg $0xFFFFFFFF  }
0xb3: {  	[dreg:$0x0] =	wrdreg $0x60  }
0xb4: {  	[dreg:$0x2] =	wrdreg s24  }
0xb5: {  	[dreg:$0x3] =	wrdreg s17  }
0xb6: {  	[dreg:$0x4] =	wrdreg s15  }
0xb7: {  	[dreg:$0x5] =	wrdreg s16  }
0xb8: {  	[dreg:$0x6] =	wrdreg s18  }
0xb9: {  	[dreg:$0x7] =	wrdreg $0x130800  }
0xba: {  	[dreg:$0x8] =	wrdreg $0x9  }
0xbb: {  	_ =	task.clear_ibuf [dreg:s10], $0x9FFFF;
	_ =	strace $0x90000046  }
0xbc: {  	s29 =	simm.s32 $0x9;
	_ =	strace $0x80000048  }
0xbd: {  	_ =	swait.ge [sflag:s29], $0x1  }
0xbe: {  	[sflag:s29] =	ssyncadd.s32 $0xFFFFFFFF  }
0xbf: {  	_ =	strace $0x90000048  }
0xc0: {  	_ =	sfence  }
0xc1: {  	s30 =	sld [smem:$0x0];
	_ =	sdelay $0x2  }
0xc2: {  	s31 =	sshll.u32 s1, $0xD;
	s1 =	sshrl.u32 s1, $0x2  }
0xc3: {  	s3 =	sand.u32 $0x4000, s31;
	s1 =	sadd.s32 s1, s30  }
0xc4: {  	s0 =	sor.u32 s3, s0;
	s1 =	sshll.u32 s1, $0x11  }
0xc5: {  	s0 =	sor.u32 s1, s0  }
0xc6: {  	s0 =	sadd.s32 $0x8F2B, s0  }
0xc7: {  	[sflag:s0] =	ssyncadd.remote.s32 $0x1  }
0xc8: {  	_ =	sfence.sel $0xFFFF  }
0xc9: {  	[dreg:$0x0] =	wrdreg $0xFFFFFFFF;
	(pc) =	sbr.abs _section_cstart, $3  }
0xca: {  	[dreg:$0x1] =	wrdreg $0xFFFFFFFF  }
0xcb: {  	_ =	task.clear_ibuf [dreg:s10], $0x2FFFF;
	_ =	strace $0x9FFFFFFF  }
0xcc: {  	(tm) =	ssettm $0x7FFFFFFF  }
0xcd: {  	_ =	shalt  }
tec
execute0_lowered:
.L_overlay_start_1:
0x0: {  	(tag) =	ssettag $0x1  }
0x1: {  	s0 =	rddreg [dreg:$0x0]  }
0x2: {  	s1 =	rddreg [dreg:$0x1]  }
0x3: {  	s2 =	rddreg [dreg:$0x2]  }
0x4: {  	s3 =	rddreg [dreg:$0x4]  }
0x5: {  	s4 =	rddreg [dreg:$0x5];
	s5 =	simm.s32 $0x0;
	s6 =	srdreg.scid  }
0x6: {  	s18 =	stileid.u32;
	[smem:$0x7FF] =	sst s5;
	s12 =	sand.u32 $0x1, s6  }
0x7: {  	s7 =	sshll.u32 s18, $0x1;
	s6 =	sadd.s32 $0xC4000, s0;
	s8 =	sadd.s32 $0x187600, s0  }
0x8: {  	s10 =	sadd.s32 $0x24AC00, s0;
	s11 =	sadd.s32 $0x30E200, s0;
	s15 =	sshrl.u32 s18, $0x3  }
0x9: {  	s22 =	smul.u32 $0x5000, s18;
	s9 =	sor.u32 s12, s7;
	s31 =	ssub.s32 $0x2, s12  }
0xa: {  	s21 =	sshll.u32 s18, $0x7;
	s9 =	smul.u32 $0x30D40, s9;
	s13 =	sshrl.u32 s31, $0x1  }
0xb: {  	_ =	strace $0x80000047;
	s7 =	sadd.s32 $0xA00, s0;
	s0 =	ssub.s32 s31, s13  }
0xc: {  	s17 =	smul.u32 $0x50000, s15;
	s14 =	sshrl.u32 s9, $0x3;
	s0 =	smax.u32 s0, $0x1  }
0xd: {  	s25 =	sshrl.u32 s22, $0x2;
	s16 =	sadd.s32 s6, s14;
	[dreg:$0x12] =	wrdreg s0  }
0xe: {  	s13 =	sshrl.u32 s17, $0x2;
	s19 =	sadd.s32 s7, s14;
	[dreg:$0x7] =	wrdreg s16  }
0xf: {  	s20 =	sadd.s32 s1, s14;
	s14 =	sadd.s32 s2, s14;
	[dreg:$0x8] =	wrdreg s19  }
0x10: {  	s13 =	sadd.s32 s13, s4;
	[dreg:$0xa] =	wrdreg s14;
	s14 =	sand.u32 $0x380, s21  }
0x11: {  	[dreg:$0x9] =	wrdreg s20;
	s16 =	sadd.s32 $0xFA0, s9;
	s13 =	sadd.s32 s14, s13  }
0x12: {  	s17 =	sshrl.u32 s16, $0x3;
	s14 =	sadd.s32 s25, s4;
	[dreg:$0xb] =	wrdreg s13  }
0x13: {  	s23 =	smul.u32 $0x500, s18;
	s24 =	sadd.s32 s6, s17;
	[dreg:$0xd] =	wrdreg s14  }
0x14: {  	s12 =	sshll.u32 s12, $0x7;
	s26 =	sadd.s32 s7, s17;
	[dreg:$0xc] =	wrdreg s24  }
0x15: {  	s29 =	sor.u32 s12, s23;
	s30 =	sadd.s32 s1, s17;
	[dreg:$0xe] =	wrdreg s26  }
0x16: {  	s4 =	sshrl.u32 s29, $0x3;
	s31 =	sadd.s32 s2, s17;
	[dreg:$0xf] =	wrdreg s30  }
0x17: {  	s3 =	sadd.s32 s3, s4;
	[dreg:$0x10] =	wrdreg s31  }
0x18: {  	s4 =	sadd.s32 $0x80, s14;
	[dreg:$0x11] =	wrdreg s3  }
0x19: {  	s12 =	sadd.s32 $0x100, s14;
	[dreg:$0x13] =	wrdreg s4  }
0x1a: {  	s13 =	sadd.s32 $0x180, s14;
	[dreg:$0x14] =	wrdreg s12  }
0x1b: {  	s15 =	sadd.s32 $0x200, s14;
	[dreg:$0x15] =	wrdreg s13  }
0x1c: {  	s17 =	sadd.s32 $0x280, s14;
	[dreg:$0x16] =	wrdreg s15  }
0x1d: {  	s18 =	sadd.s32 $0x300, s14;
	[dreg:$0x17] =	wrdreg s17  }
0x1e: {  	s19 =	sadd.s32 $0x380, s14;
	[dreg:$0x18] =	wrdreg s18  }
0x1f: {  	s20 =	sadd.s32 $0x14000, s14;
	[dreg:$0x19] =	wrdreg s19  }
0x20: {  	s21 =	sadd.s32 $0x14080, s14;
	[dreg:$0x1a] =	wrdreg s20  }
0x21: {  	s22 =	sadd.s32 $0x14100, s14;
	[dreg:$0x1b] =	wrdreg s21  }
0x22: {  	s23 =	sadd.s32 $0x14180, s14;
	[dreg:$0x1c] =	wrdreg s22  }
0x23: {  	s25 =	sadd.s32 $0x14200, s14;
	[dreg:$0x1d] =	wrdreg s23  }
0x24: {  	s29 =	sadd.s32 $0x14280, s14;
	[dreg:$0x1e] =	wrdreg s25  }
0x25: {  	[dreg:$0x1f] =	wrdreg s29;
	s30 =	sadd.s32 $0x14300, s14  }
0x26: {  	s31 =	sadd.s32 $0x14380, s14;
	[smem:$0x7BC] =	sst s30  }
0x27: {  	s3 =	sadd.s32 $0x400, s14;
	[smem:$0x7BD] =	sst s31  }
0x28: {  	s4 =	sadd.s32 $0x800, s14;
	[smem:$0x7BE] =	sst s3  }
0x29: {  	s12 =	sadd.s32 $0xC00, s14;
	[smem:$0x7BF] =	sst s4  }
0x2a: {  	s13 =	sadd.s32 $0x1000, s14;
	[smem:$0x7C0] =	sst s12  }
0x2b: {  	s15 =	sadd.s32 $0x480, s14;
	[smem:$0x7C1] =	sst s13  }
0x2c: {  	s17 =	sadd.s32 $0x880, s14;
	[smem:$0x7C2] =	sst s15  }
0x2d: {  	s18 =	sadd.s32 $0xC80, s14;
	[smem:$0x7C3] =	sst s17  }
0x2e: {  	s19 =	sadd.s32 $0x1080, s14;
	[smem:$0x7C4] =	sst s18  }
0x2f: {  	s20 =	sadd.s32 $0x500, s14;
	[smem:$0x7C5] =	sst s19  }
0x30: {  	s21 =	sadd.s32 $0x900, s14;
	[smem:$0x7C6] =	sst s20  }
0x31: {  	s22 =	sadd.s32 $0xD00, s14;
	[smem:$0x7C7] =	sst s21  }
0x32: {  	s23 =	sadd.s32 $0x1100, s14;
	[smem:$0x7C8] =	sst s22  }
0x33: {  	s25 =	sadd.s32 $0x580, s14;
	[smem:$0x7C9] =	sst s23  }
0x34: {  	s29 =	sadd.s32 $0x980, s14;
	[smem:$0x7CA] =	sst s25  }
0x35: {  	[smem:$0x7CB] =	sst s29;
	s30 =	sadd.s32 $0xD80, s14  }
0x36: {  	s31 =	sadd.s32 $0x1180, s14;
	[smem:$0x7CC] =	sst s30  }
0x37: {  	s3 =	sadd.s32 $0x600, s14;
	[smem:$0x7CD] =	sst s31  }
0x38: {  	s4 =	sadd.s32 $0xA00, s14;
	[smem:$0x7CE] =	sst s3  }
0x39: {  	s12 =	sadd.s32 $0xE00, s14;
	[smem:$0x7CF] =	sst s4  }
0x3a: {  	s13 =	sadd.s32 $0x1200, s14;
	[smem:$0x7D0] =	sst s12  }
0x3b: {  	s15 =	sadd.s32 $0x680, s14;
	[smem:$0x7D1] =	sst s13  }
0x3c: {  	s17 =	sadd.s32 $0xA80, s14;
	[smem:$0x7D2] =	sst s15  }
0x3d: {  	s18 =	sadd.s32 $0xE80, s14;
	[smem:$0x7D3] =	sst s17  }
0x3e: {  	s19 =	sadd.s32 $0x1280, s14;
	[smem:$0x7D4] =	sst s18  }
0x3f: {  	s20 =	sadd.s32 $0x700, s14;
	[smem:$0x7D5] =	sst s19  }
0x40: {  	s21 =	sadd.s32 $0xB00, s14;
	[smem:$0x7D6] =	sst s20  }
0x41: {  	s22 =	sadd.s32 $0xF00, s14;
	[smem:$0x7D7] =	sst s21  }
0x42: {  	s23 =	sadd.s32 $0x1300, s14;
	[smem:$0x7D8] =	sst s22  }
0x43: {  	s25 =	sadd.s32 $0x780, s14;
	[smem:$0x7D9] =	sst s23  }
0x44: {  	s29 =	sadd.s32 $0xB80, s14;
	[smem:$0x7DA] =	sst s25  }
0x45: {  	[smem:$0x7DB] =	sst s29;
	s30 =	sadd.s32 $0xF80, s14  }
0x46: {  	s31 =	sadd.s32 $0x1380, s14;
	[smem:$0x7DC] =	sst s30  }
0x47: {  	s3 =	sadd.s32 $0x14400, s14;
	[smem:$0x7DD] =	sst s31  }
0x48: {  	s4 =	sadd.s32 $0x14800, s14;
	[smem:$0x7DE] =	sst s3  }
0x49: {  	s12 =	sadd.s32 $0x14C00, s14;
	[smem:$0x7DF] =	sst s4  }
0x4a: {  	s13 =	sadd.s32 $0x15000, s14;
	[smem:$0x7E0] =	sst s12  }
0x4b: {  	s15 =	sadd.s32 $0x14480, s14;
	[smem:$0x7E1] =	sst s13  }
0x4c: {  	s17 =	sadd.s32 $0x14880, s14;
	[smem:$0x7E2] =	sst s15  }
0x4d: {  	s18 =	sadd.s32 $0x14C80, s14;
	[smem:$0x7E3] =	sst s17  }
0x4e: {  	s19 =	sadd.s32 $0x15080, s14;
	[smem:$0x7E4] =	sst s18  }
0x4f: {  	s20 =	sadd.s32 $0x14500, s14;
	[smem:$0x7E5] =	sst s19  }
0x50: {  	s21 =	sadd.s32 $0x14900, s14;
	[smem:$0x7E6] =	sst s20  }
0x51: {  	s22 =	sadd.s32 $0x14D00, s14;
	[smem:$0x7E7] =	sst s21  }
0x52: {  	s23 =	sadd.s32 $0x15100, s14;
	[smem:$0x7E8] =	sst s22  }
0x53: {  	s25 =	sadd.s32 $0x14580, s14;
	[smem:$0x7E9] =	sst s23  }
0x54: {  	s29 =	sadd.s32 $0x14980, s14;
	[smem:$0x7EA] =	sst s25  }
0x55: {  	[smem:$0x7EB] =	sst s29;
	s30 =	sadd.s32 $0x14D80, s14  }
0x56: {  	s31 =	sadd.s32 $0x15180, s14;
	[smem:$0x7EC] =	sst s30  }
0x57: {  	s3 =	sadd.s32 $0x14600, s14;
	[smem:$0x7ED] =	sst s31  }
0x58: {  	s4 =	sadd.s32 $0x14A00, s14;
	[smem:$0x7EE] =	sst s3  }
0x59: {  	s12 =	sadd.s32 $0x14E00, s14;
	[smem:$0x7EF] =	sst s4  }
0x5a: {  	s13 =	sadd.s32 $0x15200, s14;
	[smem:$0x7F0] =	sst s12  }
0x5b: {  	s15 =	sadd.s32 $0x14680, s14;
	[smem:$0x7F1] =	sst s13  }
0x5c: {  	s17 =	sadd.s32 $0x14A80, s14;
	[smem:$0x7F2] =	sst s15  }
0x5d: {  	s18 =	sadd.s32 $0x14E80, s14;
	[smem:$0x7F3] =	sst s17  }
0x5e: {  	s19 =	sadd.s32 $0x15280, s14;
	[smem:$0x7F4] =	sst s18  }
0x5f: {  	s20 =	sadd.s32 $0x14700, s14;
	[smem:$0x7F5] =	sst s19  }
0x60: {  	v0 =	vimm.s32 $0xFFEDCBA9;
	v1 =	vimm.s32 $0x87654321;
	s21 =	sadd.s32 $0x14B00, s14;
	[smem:$0x7F6] =	sst s20  }
0x61: {  	v2 =	vimm.s32 $0xEDCBA987;
	v3 =	vimm.s32 $0x65432100;
	s22 =	sadd.s32 $0x14F00, s14;
	[smem:$0x7F7] =	sst s21  }
0x62: {  	v0 =	vunpack.c.l.s4.s8 v0;
	v1 =	vunpack.c.l.s4.s8 v1;
	v2 =	vunpack.c.l.s4.s8 v2;
	s23 =	sadd.s32 $0x15300, s14;
	[smem:$0x7F8] =	sst s22  }
0x63: {  	s28 =	simm.s32 $0xE000;
	v3 =	vunpack.c.l.s4.s8 v3;
	s25 =	sadd.s32 $0x14780, s14;
	[smem:$0x7F9] =	sst s23  }
0x64: {  	v0 =	vunpack.c.0.s8.s32 v0;
	v1 =	vunpack.c.0.s8.s32 v1;
	v2 =	vunpack.c.0.s8.s32 v2;
	s0 =	simm.s32 $0x2;
	s29 =	sadd.s32 $0x14B80, s14;
	[smem:$0x7FA] =	sst s25  }
0x65: {  	vm9 =	vmmov $0x1;
	v3 =	vunpack.c.0.s8.s32 v3;
	s24 =	sadd.s32 $0x1F40, s9;
	s26 =	sadd.s32 $0x2EE0, s9;
	[smem:$0x7FB] =	sst s29  }
0x66: {  	v5 =	vimm.s32 $0x0;
	v0 =	vcombine.low v1, v0;
	v4 =	vand.u32 $0xF, v2;
	s30 =	sadd.s32 $0x14F80, s14;
	s31 =	sadd.s32 $0x15380, s14;
	s17 =	simm.s32 $0x5  }
0x67: {  	vm4 =	vcmask $0x3F3C;
	v5 =	vsel vm9, $0xFFFFFFFF, v5;
	v3 =	vcombine.low v3, v4;
	s25 =	simm.s32 $0x1;
	s12 =	simm.s32 $0xD000;
	[smem:$0x7FC] =	sst s30  }
0x68: {  	[tilespmem:$0x1FFF0] =	vst v5;
	v1 =	vimm.f32 $0.0e+00;
	v4 =	vlaneseq.u32;
	v2 =	vand.u32 $0xF, v0;
	s14 =	simm.s32 $0x4;
	s4 =	simm.s32 $0x0;
	[smem:$0x7FD] =	sst s31  }
.LBB2_1:
0x69: {  	[smem:$0x7BB] =	sst s4  }
0x6a: {  	s3 =	rddreg [dreg:$0x3];
	s31 =	simm.s32 $0x13000  }
0x6b: {  	[tilespmem:s31], [sflag:$0x5] =	stream.linear.gather [hbm4b:s3+s5], $0x80, $0x38;
	[tilespmem:$0x15880] =	vst v63  }
0x6c: {  	_ =	swait.ge [sflag:s17], $0x80  }
0x6d: {  	[sflag:s17] =	ssyncset.done $0x0  }
0x6e: {  	[sflag:s17] =	ssyncadd.s32 $0xFFFFFF80  }
0x6f: {  	v5 =	vld [tilespmem:$0x13000]  }
0x70: {  	v6 =	vld [tilespmem:$0x13010]  }
0x71: {  	s4 =	simm.s32 $0x0;
	s3 =	simm.s32 $0x40;
	v7 =	vld [tilespmem:$0x13020]  }
.LBB2_2:
0x72: {  	p0 =	sne.s32 s3, $0x9FC0;
	[tilespmem:s4+$0xE000] =	vst v1;
	s4 =	smov.u32 s3;
	s3 =	sadd.s32 $0x40, s3  }
.Ltmp0:
0x73: {  	(pc) =	sbr.rel @p0 .LBB2_2-.Ltmp0, $2  }
0x74: {  	_ =	sdelay $0x2  }
0x75: {  	s4 =	sshra.s32 s4, $0x2  }
0x76: {  	[tilespmem:s4+$0xE000] =	vst v1;
	s19 =	simm.s32 $0x0;
	s3 =	rddreg [dreg:$0x7]  }
0x77: {  	[tilespmem:s19], [sflag:$0x1] =	stream.linear.gather [hbm4b:s3+s19], $0xFA0, $0x38;
	[tilespmem:$0x15880] =	vst v63  }
0x78: {  	s23 =	rddreg [dreg:$0x8];
	s29 =	simm.s32 $0x2000  }
0x79: {  	[tilespmem:s29], [sflag:$0x1] =	stream.linear.gather [hbm4b:s23+s19], $0xFA0, $0x38;
	[tilespmem:$0x15880] =	vst v63  }
0x7a: {  	s30 =	rddreg [dreg:$0x9];
	s31 =	simm.s32 $0x4000  }
0x7b: {  	[tilespmem:s31], [sflag:$0x1] =	stream.linear.gather [hbm4b:s30+s19], $0xFA0, $0x38;
	[tilespmem:$0x15880] =	vst v63  }
0x7c: {  	s13 =	rddreg [dreg:$0xa];
	s15 =	simm.s32 $0x6000  }
0x7d: {  	[tilespmem:s15], [sflag:$0x1] =	stream.linear.gather [hbm4b:s13+s19], $0xFA0, $0x38;
	[tilespmem:$0x15880] =	vst v63  }
0x7e: {  	s18 =	rddreg [dreg:$0xc];
	s20 =	simm.s32 $0x1000  }
0x7f: {  	[tilespmem:s20], [sflag:$0x2] =	stream.linear.gather [hbm4b:s18+s19], $0xFA0, $0x38;
	[tilespmem:$0x15880] =	vst v63  }
0x80: {  	s21 =	rddreg [dreg:$0xe];
	s22 =	simm.s32 $0x3000  }
0x81: {  	[tilespmem:s22], [sflag:$0x2] =	stream.linear.gather [hbm4b:s21+s19], $0xFA0, $0x38;
	[tilespmem:$0x15880] =	vst v63  }
0x82: {  	s23 =	rddreg [dreg:$0xf];
	s29 =	simm.s32 $0x5000  }
0x83: {  	[tilespmem:s29], [sflag:$0x2] =	stream.linear.gather [hbm4b:s23+s19], $0xFA0, $0x38;
	[tilespmem:$0x15880] =	vst v63  }
0x84: {  	s30 =	rddreg [dreg:$0x10];
	s31 =	simm.s32 $0x7000  }
0x85: {  	[tilespmem:s31], [sflag:$0x2] =	stream.linear.gather [hbm4b:s30+s19], $0xFA0, $0x38;
	[tilespmem:$0x15880] =	vst v63  }
.LBB2_4:
0x86: {  	p0 =	seq.s32 s19, $0x0  }
0x87: {  	s3 =	simm.s32 @!p0 $0x3  }
0x88: {  	_ =	swait.ge @!p0 [sflag:s3], $0xFA0  }
0x89: {  	[sflag:s3] =	ssyncset.done @!p0 $0x0  }
0x8a: {  	[sflag:s3] =	ssyncadd.s32 @!p0 $0xFFFFF060  }
0x8b: {  	_ =	swait.ge @!p0 [sflag:s3], $0xFA0  }
0x8c: {  	[sflag:s3] =	ssyncset.done @!p0 $0x0  }
0x8d: {  	[sflag:s3] =	ssyncadd.s32 @!p0 $0xFFFFF060  }
0x8e: {  	_ =	swait.ge @!p0 [sflag:s3], $0xFA0  }
0x8f: {  	[sflag:s3] =	ssyncset.done @!p0 $0x0  }
0x90: {  	[sflag:s3] =	ssyncadd.s32 @!p0 $0xFFFFF060  }
0x91: {  	_ =	swait.ge [sflag:s25], $0xFA0  }
0x92: {  	[sflag:s25] =	ssyncset.done $0x0  }
0x93: {  	[sflag:s25] =	ssyncadd.s32 $0xFFFFF060  }
0x94: {  	_ =	swait.ge [sflag:s25], $0xFA0  }
0x95: {  	[sflag:s25] =	ssyncset.done $0x0  }
0x96: {  	[sflag:s25] =	ssyncadd.s32 $0xFFFFF060  }
0x97: {  	_ =	swait.ge [sflag:s25], $0xFA0  }
0x98: {  	[sflag:s25] =	ssyncset.done $0x0  }
0x99: {  	[sflag:s25] =	ssyncadd.s32 $0xFFFFF060  }
0x9a: {  	_ =	swait.ge [sflag:s25], $0xFA0  }
0x9b: {  	[sflag:s25] =	ssyncset.done $0x0  }
0x9c: {  	s23 =	simm.s32 $0x6020;
	[sflag:s25] =	ssyncadd.s32 $0xFFFFF060  }
0x9d: {  	s4 =	simm.s32 $0x4020;
	v13 =	vld [tilespmem:s23+$0xFFFFFFF0]  }
0x9e: {  	s13 =	simm.s32 $0x2020;
	v9 =	vld [tilespmem:s4+$0x0]  }
0x9f: {  	v10 =	vld [tilespmem:s13+$0xFFFFFFF0]  }
0xa0: {  	v12 =	vld [tilespmem:s13+$0xFFFFFFE0]  }
0xa1: {  	v8 =	vld [tilespmem:s23+$0x10]  }
0xa2: {  	s15 =	simm.s32 $0x20;
	v35 =	vld [tilespmem:s23+$0xFFFFFFE0]  }
0xa3: {  	v14 =	vld [tilespmem:s15+$0xFFFFFFE0]  }
0xa4: {  	s21 =	simm.s32 $0x2060;
	v17 =	vld [tilespmem:s4+$0xFFFFFFF0]  }
0xa5: {  	v38 =	vld [tilespmem:s21+$0xFFFFFFE0]  }
0xa6: {  	vm11 =	vmmov vm4;
	v16 =	vld [tilespmem:s4+$0xFFFFFFE0];
	v15 =	vperm.xlane v13, v2  }
0xa7: {  	v18 =	vperm.xlane v13, v3;
	v36 =	vsub.f32 v9, v7;
	v9 =	vperm.xlane v35, v2  }
0xa8: {  	v11 =	vld [tilespmem:s23+$0x0];
	v24 =	vsub.f32 v10, v6;
	v25 =	vperm.xlane v8, v2;
	v21 =	vsub.f32 v14, v5  }
0xa9: {  	v19 =	vld [tilespmem:s4+$0x10];
	v20 =	vsub.f32 v12, v6;
	v26 =	vsub.f32 v17, v7;
	v27 =	vperm.xlane v35, v3  }
0xaa: {  	v10 =	vld [tilespmem:s15+$0x0];
	v38 =	vsub.f32 v38, v6;
	vm2 =	vne.s32 v15, v13;
	vm6 =	vne.s32 v13, v18  }
0xab: {  	v15 =	vld [tilespmem:s13+$0x0];
	v12 =	vmul.f32 v36, v36;
	v18 =	vsub.f32 v16, v7;
	v14 =	vmul.f32 v21, v21  }
0xac: {  	vm0 =	vne.s32 v9, v35;
	v16 =	vld [tilespmem:s15+$0x10];
	v22 =	vmul.f32 v20, v20;
	v28 =	vmul.f32 v24, v24  }
0xad: {  	v9 =	vld [tilespmem:s15+$0xFFFFFFF0];
	v32 =	vmul.f32 v26, v26;
	vm7 =	vne.s32 v35, v27;
	vm5 =	vne.s32 v25, v8  }
0xae: {  	v50 =	vmul.f32 v38, v38;
	vm0 =	vmor vm0, vm4;
	vm10 =	vmor vm6, vm9  }
0xaf: {  	v22 =	vadd.f32 v22, v14;
	v17 =	vsub.f32 v10, v5;
	v10 =	vmul.f32 v18, v18  }
0xb0: {  	v29 =	vld [tilespmem:s13+$0x10];
	v14 =	vsub.f32 v19, v7;
	v19 =	vperm.xlane v11, v2;
	v33 =	vsub.f32 v15, v6  }
0xb1: {  	v30 =	vadd.f32 v10, v22;
	v22 =	vsub.f32 v16, v5;
	v16 =	vperm.xlane v11, v3  }
0xb2: {  	s18 =	simm.s32 $0x6060;
	vm8 =	vmor vm2, vm11;
	vm1 =	vne.s32 v19, v11;
	v23 =	vsub.f32 v9, v5  }
0xb3: {  	v15 =	vmul.f32 v17, v17;
	v10 =	vld [tilespmem:s18+$0xFFFFFFF0];
	v19 =	vmul.f32 v33, v33;
	vm3 =	vne.s32 v11, v16  }
0xb4: {  	s20 =	simm.s32 $0x4060;
	vm13 =	vmor vm7, vm9;
	(xrf2) =	vadd.scan.msk.f32 $0xffff, v30;
	v30 =	vmul.f32 v23, v23;
	vm4 =	vmmov vm3  }
0xb5: {  	v27 =	vld [tilespmem:s20+$0x0];
	vm3 =	vmmov vm5;
	v15 =	vadd.f32 v19, v15;
	v19 =	vsub.f32 v29, v6  }
0xb6: {  	v9 =	vld [tilespmem:s18+$0x0];
	v34 =	vadd.f32 v28, v30;
	v28 =	vmul.f32 v22, v22;
	v29 =	vperm.xlane v8, v3  }
0xb7: {  	v16 =	vld [tilespmem:s18+$0xFFFFFFE0];
	v37 =	vadd.f32 v12, v15;
	v15 =	vmul.f32 v19, v19;
	v12 =	vimm.s32 $0x0  }
0xb8: {  	v12 =	vsel vm3, $0xFFFFFFFF, v12;
	vm3 =	vne.s32 v8, v29;
	v29 =	vperm.xlane v10, v2  }
0xb9: {  	v25 =	vld [tilespmem:s21+$0xFFFFFFF0];
	v31 =	vmul.f32 v14, v14;
	vm1 =	vmor vm1, vm11;
	v30 =	vmul.f32 $-2.000000000e+00, v24;
	[tilespmem:$0x1FFC0] =	vst v12  }
0xba: {  	v15 =	vadd.f32 v15, v28;
	v28 =	vimm.s32 $0x0;
	v24 =	vld [tilespmem:s20+$0xFFFFFFE0];
	vm2 =	vne.s32 v29, v10  }
0xbb: {  	v62 =	vperm.xlane v9, v2;
	v52 =	vperm.xlane v9, v3;
	v28 =	vsel vm2, $0xFFFFFFFF, v28  }
0xbc: {  	v12 =	vld [tilespmem:s18+$0x10];
	v41 =	vadd.f32 v31, v15;
	v15 =	vsub.f32 v27, v7;
	v27 =	vperm.xlane v16, v2  }
0xbd: {  	v47 =	vadd.f32 v32, v34;
	v48 =	vperm.xlane v16, v3;
	(xrf2) =	vadd.scan.msk.f32 $0xffff, v37;
	v39 =	vld [tilespmem:s20+$0xFFFFFFF0];
	[tilespmem:$0x1FFD0] =	vst v28  }
0xbe: {  	s23 =	simm.s32 $0x60;
	v29 =	vmul.f32 $-2.000000000e+00, v26;
	v28 =	vperm.xlane v10, v3;
	v42 =	vld [tilespmem:s20+$0x10];
	vm7 =	vne.s32 v27, v16  }
0xbf: {  	v26 =	vld [tilespmem:s23+$0xFFFFFFE0];
	vm2 =	vmor vm7, vm11;
	v31 =	vsub.f32 v24, v7;
	v24 =	vimm.s32 $0x0  }
0xc0: {  	vm12 =	vne.s32 v62, v9;
	vm15 =	vne.s32 v9, v52;
	v43 =	vld [tilespmem:s23+$0x0];
	v24 =	vsel vm2, $0xFFFFFFFF, v24  }
0xc1: {  	v59, _, _ =	vpop (xrf2);
	v45 =	vld [tilespmem:s21+$0x0];
	v40 =	vmul.f32 v15, v15;
	(xrf2) =	vadd.scan.msk.f32 $0xffff, v41;
	vm6 =	vne.s32 v10, v28;
	[tilespmem:$0x1FFE0] =	vst v24  }
0xc2: {  	v28 =	vsub.f32 v25, v6;
	v46 =	vperm.xlane v59, v3;
	v25 =	vsub.f32 v39, v7;
	v60 =	vld [tilespmem:s23+$0xFFFFFFF0]  }
0xc3: {  	v41 =	vmul.f32 $-2.000000000e+00, v33;
	vm11 =	vne.s32 v16, v48;
	v44 =	vperm.xlane v12, v2  }
0xc4: {  	v46 =	vsub.f32 $0.0e+00, v46;
	v61 =	vmul.f32 v28, v28;
	v33 =	vmul.f32 v25, v25;
	v27 =	vld [tilespmem:s23+$0x10]  }
0xc5: {  	v51 =	vmul.f32 v31, v31;
	v32 =	vsub.f32 v42, v7;
	v37 =	vsub.f32 v26, v5  }
0xc6: {  	vm14 =	vne.s32 v44, v12;
	v24 =	vsub.f32 v43, v5;
	v26 =	vsub.f32 v45, v6  }
0xc7: {  	[tilespmem:v35+s28+$0x0] =	vst.idx.add.f32.msk vm0, v59;
	vm0 =	veq.s32 v4, $0x0;
	v39, _, _ =	vpop (xrf2);
	v49 =	vmul.f32 v37, v37;
	v34 =	vsub.f32 v60, v5  }
0xc8: {  	s22 =	simm.s32 $0x4;
	s29 =	simm.s32 $0x60A0;
	v46 =	vsel vm0, $0x0, v46;
	v63 =	vmul.f32 v24, v24;
	v54 =	vmul.f32 v26, v26;
	[tilespmem:v11+s28+$0x0] =	vst.idx.add.f32.msk vm1, v39  }
0xc9: {  	s30 =	simm.s32 $0x40A0;
	s31 =	simm.s32 $0x20A0;
	s4 =	simm.s32 $0xA0;
	(xrf2) =	vadd.scan.msk.f32 $0xffff, v47;
	v50 =	vadd.f32 v50, v49;
	v27 =	vsub.f32 v27, v5;
	v53 =	vmul.f32 v34, v34  }
0xca: {  	s15 =	simm.s32 $0xA020;
	s13 =	simm.s32 $0x8060;
	s18 =	simm.s32 $0x8020;
	v43 =	vmul.f32 v32, v32;
	[tilespmem:v35+s28+$0x0] =	vst.idx.add.f32.msk vm13, v46;
	v35 =	vmul.f32 $-2.000000000e+00, v36;
	v44 =	vadd.f32 v54, v63  }
0xcb: {  	s20 =	simm.s32 $0xC020;
	s23 =	simm.s32 $0xC020;
	v49 =	vld [tilespmem:s21+$0x10];
	s21 =	simm.s32 $0xA020;
	v36, _, _ =	vpop (xrf2);
	v50 =	vadd.f32 v51, v50;
	v48 =	vmul.f32 v27, v27;
	v42 =	vadd.f32 v61, v53  }
.LBB2_5:
0xcc: {  	v51 =	vld [tilespmem:s29+$0xFFFFFFF0];
	v47 =	vperm.xlane v12, v3;
	vm13 =	vmmov vm3  }
0xcd: {  	vm1 =	vmmov vm10;
	vm9 =	vmmov vm4;
	v59 =	vld [tilespmem:$0x1FFC0];
	v53 =	vmul.f32 $-2.000000000e+00, v20  }
0xce: {  	vm5 =	vmmov vm15;
	v63 =	vmul.f32 $-2.000000000e+00, v21;
	v21 =	vld [tilespmem:$0x1FFF0];
	v39 =	vperm.xlane v39, v3  }
0xcf: {  	v61 =	vimm.s32 $0x0;
	v20 =	vmovc v38;
	v38 =	vld [tilespmem:s31+$0xFFFFFFE0];
	v55 =	vmul.f32 $-2.000000000e+00, v18;
	v56 =	vmul.f32 $-2.000000000e+00, v28  }
0xd0: {  	v45 =	vld [tilespmem:s29+$0x0];
	vm7 =	veq.s32 v4, $0x0;
	v58 =	vmul.f32 $-2.000000000e+00, v19;
	v39 =	vsub.f32 $0.0e+00, v39  }
0xd1: {  	v46 =	vmovc v41;
	v52 =	vld [tilespmem:s31+$0xFFFFFFF0];
	v41 =	vmul.f32 $-2.000000000e+00, v26;
	v40 =	vadd.f32 v40, v44;
	v49 =	vsub.f32 v49, v6  }
0xd2: {  	v18 =	vmovc v31;
	v57 =	vld [tilespmem:s29+$0x10];
	(xrf2) =	vadd.scan.msk.f32 $0xffff, v50;
	v42 =	vadd.f32 v33, v42;
	vm4 =	vne.s32 v12, v47;
	v33 =	vsel vm7, $0x0, v39  }
0xd3: {  	v50 =	vld [tilespmem:s30+$0x0];
	vm2 =	vnez.u8 v59;
	vm3 =	vnez.u8 v21;
	v54 =	vmul.f32 v49, v49;
	v60, _, _ =	vpop (xrf2)  }
0xd4: {  	v31 =	vperm.xlane v51, v2;
	v38 =	vsub.f32 v38, v6;
	v19 =	vmovc v49;
	v49 =	vld [tilespmem:$0x1FFD0];
	v62 =	vperm.xlane v60, v3  }
0xd5: {  	[tilespmem:s18+$0xFFFFFFE0] =	vst v63;
	v21 =	vmovc v37;
	v37 =	vld [tilespmem:s30+$0xFFFFFFF0];
	vm0 =	vmmov vm2;
	vm2 =	vmmov vm14;
	v59 =	vadd.f32 v54, v48  }
0xd6: {  	v44 =	vsel vm2, $0xFFFFFFFF, v61;
	vm2 =	vcmask $0x3F3C;
	[tilespmem:v13+s28+$0x0] =	vst.idx.add.f32.msk vm8, v60;
	v47 =	vsub.f32 $0.0e+00, v62  }
0xd7: {  	[tilespmem:$0x1FFC0] =	vst v44;
	v44 =	vmul.f32 $-2.000000000e+00, v14;
	v14 =	vmovc v32;
	vm15 =	vmor vm0, vm2;
	v32 =	vadd.f32 v43, v59;
	v43 =	vld [tilespmem:s4+$0x10]  }
0xd8: {  	vm14 =	vmor vm13, vm3;
	vm10 =	vmor vm6, vm3;
	v28 =	vsel vm7, $0x0, v47;
	v47 =	vld [tilespmem:s29+$0xFFFFFFE0];
	[tilespmem:s21+$0xFFFFFFE0] =	vst v53  }
0xd9: {  	v50 =	vsub.f32 v50, v7;
	(xrf2) =	vadd.scan.msk.f32 $0xffff, v40;
	v61 =	vperm.xlane v51, v3;
	vm6 =	vnez.u8 v49;
	v60 =	vld [tilespmem:s30+$0xFFFFFFE0]  }
0xda: {  	vm8 =	vmor vm6, vm2;
	vm6 =	vne.s32 v31, v51;
	v31 =	vimm.s32 $0x0;
	[tilespmem:v13+s28+$0x0] =	vst.idx.add.f32.msk vm1, v28  }
0xdb: {  	vm13 =	vmor vm12, vm2;
	vm12 =	vmor vm9, vm3;
	v31 =	vsel vm6, $0xFFFFFFFF, v31;
	[tilespmem:s20+$0xFFFFFFE0] =	vst v55;
	v13 =	vmovc v10;
	v10 =	vld [tilespmem:$0x1FFE0]  }
0xdc: {  	v62 =	vmul.f32 $-2.000000000e+00, v25;
	v25, _, _ =	vpop (xrf2);
	[tilespmem:$0x1FFD0] =	vst v31;
	v31 =	vmul.f32 $-2.000000000e+00, v23;
	v23 =	vmov v34;
	v34 =	vld [tilespmem:s30+$0x10]  }
0xdd: {  	vm0 =	vmor vm11, vm3;
	v40 =	vmul.f32 v50, v50;
	v59 =	vperm.xlane v25, v3;
	[tilespmem:v8+s28+$0x0] =	vst.idx.add.f32.msk vm15, v36  }
0xde: {  	vm3 =	vmmov vm4;
	v54 =	vmul.f32 $-2.000000000e+00, v22;
	v53 =	vperm.xlane v57, v2;
	[tilespmem:s18+$0xFFFFFFF0] =	vst v31  }
0xdf: {  	v48 =	vld [tilespmem:s31+$0x0];
	v22 =	vmovc v27;
	vm6 =	vne.s32 v51, v61;
	v28 =	vsub.f32 v52, v6;
	v52 =	vsub.f32 $0.0e+00, v59;
	[tilespmem:s21+$0xFFFFFFF0] =	vst v30  }
0xe0: {  	v59 =	vmul.f32 $-2.000000000e+00, v17;
	v30 =	vmovc v56;
	v56 =	vperm.xlane v36, v3;
	vm1 =	vnez.u8 v10;
	v10 =	vmovc v51;
	v51 =	vld [tilespmem:s4+$0x0];
	[tilespmem:s20+$0xFFFFFFF0] =	vst v29  }
0xe1: {  	(xrf2) =	vadd.scan.msk.f32 $0xffff, v32;
	v27 =	vsub.f32 v43, v5;
	v63 =	vperm.xlane v47, v2;
	[tilespmem:v11+s28+$0x0] =	vst.idx.add.f32.msk vm12, v33  }
0xe2: {  	vm4 =	vmmov vm5;
	v49 =	vld [tilespmem:s4+$0xFFFFFFE0];
	v11 =	vmovc v9;
	v9 =	vmovc v45;
	v32 =	vsub.f32 v34, v7;
	v26 =	vsub.f32 $0.0e+00, v56;
	[tilespmem:s18+$0x0] =	vst v59  }
0xe3: {  	v31 =	vsub.f32 v60, v7;
	v60 =	vimm.s32 $0x0;
	v55 =	vld [tilespmem:s4+$0xFFFFFFF0];
	v59 =	vperm.xlane v9, v3;
	[tilespmem:s21+$0x0] =	vst v46  }
0xe4: {  	v29 =	vmovc v62;
	v62 =	vsel vm7, $0x0, v26;
	v26 =	vsub.f32 v48, v6;
	[tilespmem:s20+$0x0] =	vst v35;
	v43 =	vmul.f32 v32, v32  }
0xe5: {  	vm15 =	vne.s32 v9, v59;
	v35 =	vmul.f32 $-2.000000000e+00, v15;
	v48 =	vmul.f32 v27, v27;
	[tilespmem:v8+s28+$0x0] =	vst.idx.add.f32.msk vm14, v62  }
0xe6: {  	v17 =	vmovc v24;
	vm14 =	vne.s32 v53, v57;
	v24 =	vsub.f32 v51, v5;
	v51 =	vperm.xlane v45, v2  }
0xe7: {  	v62 =	vsel vm7, $0x0, v52;
	[tilespmem:v16+s28+$0x0] =	vst.idx.add.f32.msk vm1, v25;
	vm1 =	vne.s32 v63, v47;
	v25 =	vsub.f32 v37, v7  }
0xe8: {  	s22 =	sadd.s32 $0x4, s22;
	v39, _, _ =	vpop (xrf2);
	(xrf2) =	vadd.scan.msk.f32 $0xffff, v42;
	v37 =	vsub.f32 v49, v5;
	v63 =	vmul.f32 v38, v38;
	v34 =	vsub.f32 v55, v5  }
0xe9: {  	p0 =	slt.u32 s22, $0xF4;
	v15 =	vmovc v50;
	[tilespmem:s18+$0x10] =	vst v54;
	vm1 =	vmor vm1, vm2;
	v56 =	vmul.f32 v24, v24;
	vm12 =	vne.s32 v51, v45  }
.Ltmp1:
0xea: {  	[tilespmem:v11+s28+$0x0] =	vst.idx.add.f32.msk vm13, v39;
	v51 =	vmul.f32 v31, v31;
	v61 =	vsel vm1, $0xFFFFFFFF, v60;
	v49 =	vmul.f32 v37, v37;
	(pc) =	sbr.rel @p0 .LBB2_5-.Ltmp1, $4  }
0xeb: {  	s23 =	sadd.s32 $0x40, s23;
	v8 =	vmovc v12;
	v12 =	vmov v57;
	v42 =	vmul.f32 v34, v34;
	[tilespmem:$0x1FFE0] =	vst v61;
	v61 =	vmul.f32 v28, v28  }
0xec: {  	s15 =	sadd.s32 $0x40, s15;
	s29 =	sadd.s32 $0x40, s29;
	s30 =	sadd.s32 $0x40, s30;
	[tilespmem:s21+$0x10] =	vst v58;
	v60 =	vperm.xlane v47, v3;
	v46 =	vadd.f32 v63, v49;
	v63 =	vmul.f32 v26, v26  }
0xed: {  	s4 =	sadd.s32 $0x40, s4;
	s18 =	smov.u32 s13;
	s13 =	sadd.s32 $0x40, s13;
	[tilespmem:v16+s28+$0x0] =	vst.idx.add.f32.msk vm0, v62;
	v16 =	vmov v47;
	v33 =	vmul.f32 v25, v25;
	v42 =	vadd.f32 v61, v42  }
0xee: {  	v36, _, _ =	vpop (xrf2);
	s21 =	smov.u32 s15;
	vm11 =	vne.s32 v47, v60;
	v49 =	vld [tilespmem:s31+$0x10];
	[tilespmem:s20+$0x10] =	vst v44;
	s20 =	smov.u32 s23;
	s31 =	sadd.s32 $0x40, s31;
	v50 =	vadd.f32 v51, v46;
	v44 =	vadd.f32 v63, v56  }
0xef: {  	_ =	sdelay $0x1  }
0xf0: {  	v21 =	vmul.f32 $-2.000000000e+00, v21;
	_ =	sdelay $0x1  }
0xf1: {  	[tilespmem:s18+$0xFFFFFFE0] =	vst v21;
	v45, _, _ =	vpop (xrf2)  }
0xf2: {  	[tilespmem:v13+s28+$0x0] =	vst.idx.add.f32.msk vm8, v45  }
0xf3: {  	v21 =	vld [tilespmem:$0x1FFC0];
	_ =	sdelay $0x1  }
0xf4: {  	v20 =	vmul.f32 $-2.000000000e+00, v20  }
0xf5: {  	v47 =	vperm.xlane v45, v3  }
0xf6: {  	[tilespmem:s21+$0xFFFFFFE0] =	vst v20  }
0xf7: {  	v18 =	vmul.f32 $-2.000000000e+00, v18;
	v47 =	vsub.f32 $0.0e+00, v47;
	v58 =	vld [tilespmem:$0x1FFF0];
	vm2 =	vnez.u8 v21  }
0xf8: {  	vm1 =	vmmov vm4;
	vm4 =	vmmov vm2;
	vm2 =	veq.s32 v4, $0x0  }
0xf9: {  	v59 =	vmul.f32 $-2.000000000e+00, v23;
	[tilespmem:s20+$0xFFFFFFE0] =	vst v18;
	v57 =	vsel vm2, $0x0, v47  }
0xfa: {  	[tilespmem:v13+s28+$0x0] =	vst.idx.add.f32.msk vm10, v57  }
0xfb: {  	(xrf2) =	vadd.scan.msk.f32 $0xffff, v50;
	[tilespmem:s18+$0xFFFFFFF0] =	vst v59  }
0xfc: {  	vm9 =	vnez.u8 v58;
	[tilespmem:s21+$0xFFFFFFF0] =	vst v30  }
0xfd: {  	vm5 =	vcmask $0x3F3C;
	v46 =	vsub.f32 v49, v6;
	vm1 =	vmor vm1, vm9;
	v30 =	vld [tilespmem:$0x1FFE0]  }
0xfe: {  	v61 =	vperm.xlane v39, v3;
	vm4 =	vmor vm4, vm5  }
0xff: {  	v54 =	vmul.f32 v46, v46  }
0x100: {  	v13 =	vsub.f32 $0.0e+00, v61  }
0x101: {  	vm0 =	vmmov vm10;
	v55 =	vadd.f32 v40, v44;
	v56 =	vadd.f32 v54, v48  }
0x102: {  	vm0 =	vmmov vm3;
	v13 =	vsel vm2, $0x0, v13;
	[tilespmem:s20+$0xFFFFFFF0] =	vst v29;
	vm3 =	vnez.u8 v30  }
0x103: {  	v17 =	vmul.f32 $-2.000000000e+00, v17;
	(xrf2) =	vadd.scan.msk.f32 $0xffff, v55;
	v60 =	vadd.f32 v43, v56;
	[tilespmem:v11+s28+$0x0] =	vst.idx.add.f32.msk vm1, v13  }
0x104: {  	v62 =	vadd.f32 v33, v42;
	[tilespmem:v8+s28+$0x0] =	vst.idx.add.f32.msk vm4, v36  }
0x105: {  	v63, _, _ =	vpop (xrf2);
	(xrf2) =	vadd.scan.msk.f32 $0xffff, v60;
	[tilespmem:s18+$0x0] =	vst v17  }
0x106: {  	vm0 =	vmor vm0, vm9;
	(xrf2) =	vadd.scan.msk.f32 $0xffff, v62;
	[tilespmem:s21+$0x0] =	vst v41  }
0x107: {  	v33 =	vperm.xlane v36, v3;
	[tilespmem:s20+$0x0] =	vst v35  }
0x108: {  	vm1 =	vmor vm12, vm5;
	[tilespmem:v16+s28+$0x0] =	vst.idx.add.f32.msk vm3, v63  }
0x109: {  	v39 =	vsub.f32 $0.0e+00, v33;
	vm3 =	vmor vm11, vm9;
	v42 =	vld [tilespmem:$0x1FFD0]  }
0x10a: {  	v43 =	vperm.xlane v63, v3  }
0x10b: {  	v40 =	vmul.f32 $-2.000000000e+00, v22;
	v11 =	vsel vm2, $0x0, v39  }
0x10c: {  	v45 =	vsub.f32 $0.0e+00, v43;
	[tilespmem:v8+s28+$0x0] =	vst.idx.add.f32.msk vm0, v11  }
0x10d: {  	v8, _, _ =	vpop (xrf2);
	vm0 =	veq.s32 v4, $0x0;
	[tilespmem:s18+$0x10] =	vst v40  }
0x10e: {  	v41 =	vmul.f32 $-2.000000000e+00, v19;
	v13 =	vsel vm0, $0x0, v45;
	[tilespmem:v9+s28+$0x0] =	vst.idx.add.f32.msk vm1, v8;
	vm2 =	vnez.u8 v42  }
0x10f: {  	v44 =	vmul.f32 $-2.000000000e+00, v14;
	v47, _, _ =	vpop (xrf2);
	[tilespmem:v16+s28+$0x0] =	vst.idx.add.f32.msk vm3, v13;
	vm3 =	vmmov vm15;
	vm2 =	vmor vm2, vm5  }
0x110: {  	v51 =	vmul.f32 $-2.000000000e+00, v37;
	vm4 =	vmor vm6, vm9;
	[tilespmem:s21+$0x10] =	vst v41;
	v48, _, _ =	vpop (xrf2);
	vm3 =	vmmov vm3  }
0x111: {  	v52 =	vmul.f32 $-2.000000000e+00, v38;
	[tilespmem:s20+$0x10] =	vst v44;
	v49 =	vperm.xlane v48, v3;
	vm3 =	vmor vm3, vm9  }
0x112: {  	s3 =	sadd.s32 $0x40, s15;
	v53 =	vmul.f32 $-2.000000000e+00, v31;
	v8 =	vperm.xlane v8, v3;
	[tilespmem:s13+$0xFFFFFFE0] =	vst v51  }
0x113: {  	s4 =	sadd.s32 $0x40, s23;
	v17 =	vsub.f32 $0.0e+00, v49;
	[tilespmem:s3+$0xFFFFFFE0] =	vst v52  }
0x114: {  	v8 =	vsub.f32 $0.0e+00, v8;
	[tilespmem:s4+$0xFFFFFFE0] =	vst v53  }
0x115: {  	v50 =	vperm.xlane v12, v3;
	v55 =	vmul.f32 $-2.000000000e+00, v34;
	v54 =	vsel vm0, $0x0, v17;
	[tilespmem:v10+s28+$0x0] =	vst.idx.add.f32.msk vm2, v48  }
0x116: {  	vm1 =	vmmov vm4;
	v8 =	vsel vm0, $0x0, v8;
	vm2 =	vmmov vm14;
	[tilespmem:v10+s28+$0x0] =	vst.idx.add.f32.msk vm4, v54  }
0x117: {  	v58 =	vmul.f32 $-2.000000000e+00, v24;
	vm1 =	vne.s32 v12, v50;
	vm2 =	vmmov vm2;
	[tilespmem:v9+s28+$0x0] =	vst.idx.add.f32.msk vm3, v8  }
0x118: {  	v56 =	vmul.f32 $-2.000000000e+00, v28;
	vm1 =	vmmov vm1;
	vm2 =	vmor vm2, vm5;
	[tilespmem:s13+$0xFFFFFFF0] =	vst v55  }
0x119: {  	vm1 =	vmor vm1, vm9;
	v8 =	vmul.f32 $-2.000000000e+00, v26;
	[tilespmem:s13+$0x0] =	vst v58  }
0x11a: {  	v57 =	vmul.f32 $-2.000000000e+00, v25;
	v59 =	vperm.xlane v47, v3;
	[tilespmem:s3+$0xFFFFFFF0] =	vst v56  }
0x11b: {  	v60 =	vmul.f32 $-2.000000000e+00, v15;
	[tilespmem:s3+$0x0] =	vst v8  }
0x11c: {  	v11 =	vsub.f32 $0.0e+00, v59;
	[tilespmem:s4+$0xFFFFFFF0] =	vst v57  }
0x11d: {  	[tilespmem:s4+$0x0] =	vst v60  }
0x11e: {  	v61 =	vsel vm0, $0x0, v11;
	v8 =	vmul.f32 $-2.000000000e+00, v27;
	[tilespmem:v12+s28+$0x0] =	vst.idx.add.f32.msk vm2, v47  }
0x11f: {  	v62 =	vmul.f32 $-2.000000000e+00, v46;
	[tilespmem:v12+s28+$0x0] =	vst.idx.add.f32.msk vm1, v61  }
0x120: {  	v63 =	vmul.f32 $-2.000000000e+00, v32;
	[tilespmem:s13+$0x10] =	vst v8  }
0x121: {  	[tilespmem:s3+$0x10] =	vst v62  }
0x122: {  	vm4 =	vmmov vm5;
	s3 =	simm.s32 $0x3E00;
	[tilespmem:s4+$0x10] =	vst v63  }
.LBB2_7:
0x123: {  	s4 =	sshra.s32 s3, $0x2  }
0x124: {  	v8 =	vld [tilespmem:s4+$0x0]  }
0x125: {  	v9 =	vld [tilespmem:s4+$0x2000];
	_ =	sdelay $0x1  }
0x126: {  	v10 =	vld [tilespmem:s4+$0x4000];
	_ =	sdelay $0x2  }
0x127: {  	v8 =	vsub.f32 v8, v5;
	v9 =	vsub.f32 v9, v6;
	_ =	sdelay $0x1  }
0x128: {  	v10 =	vsub.f32 v10, v7;
	v11 =	vmul.f32 v8, v8;
	v12 =	vmul.f32 v9, v9;
	_ =	sdelay $0x1  }
0x129: {  	v59 =	vmul.f32 v10, v10;
	v11 =	vadd.f32 v12, v11;
	_ =	sdelay $0x1  }
0x12a: {  	v11 =	vadd.f32 v59, v11;
	_ =	sdelay $0x1  }
0x12b: {  	(xrf2) =	vadd.scan.msk.f32 $0xffff, v11  }
0x12c: {  	v60 =	vld [tilespmem:s4+$0x6000];
	_ =	sdelay $0x4  }
0x12d: {  	v61 =	vperm.xlane v60, v0  }
0x12e: {  	v13 =	vperm.xlane v60, v3  }
0x12f: {  	vm1 =	vne.s32 v61, v60  }
0x130: {  	vm2 =	vne.s32 v60, v13;
	vm1 =	vmor vm1, vm4  }
0x131: {  	vm2 =	vmor vm2, vm9;
	v62, _, _ =	vpop (xrf2)  }
0x132: {  	v63 =	vperm.xlane v62, v3;
	_ =	sdelay $0x1  }
0x133: {  	v13 =	vsub.f32 $0.0e+00, v63  }
0x134: {  	p0 =	sne.s32 s3, $0x3E40  }
.Ltmp2:
0x135: {  	v8 =	vmul.f32 $-2.000000000e+00, v8;
	[tilespmem:v60+s28+$0x0] =	vst.idx.add.f32.msk vm1, v62;
	v13 =	vsel vm0, $0x0, v13;
	(pc) =	sbr.rel @p0 .LBB2_7-.Ltmp2, $4  }
0x136: {  	v9 =	vmul.f32 $-2.000000000e+00, v9;
	[tilespmem:v60+s28+$0x0] =	vst.idx.add.f32.msk vm2, v13  }
0x137: {  	[tilespmem:s4+$0x8000] =	vst v8;
	v8 =	vmul.f32 $-2.000000000e+00, v10  }
0x138: {  	[tilespmem:s4+$0xA000] =	vst v9  }
0x139: {  	s3 =	sadd.s32 $0x40, s3;
	[tilespmem:s4+$0xC000] =	vst v8  }
0x13a: {  	s13 =	smul.u32 $0x1F40, s19;
	_ =	sdelay $0x1  }
0x13b: {  	s3 =	sadd.s32 s9, s13  }
0x13c: {  	s3 =	sshrl.u32 s3, $0x3  }
0x13d: {  	s15 =	simm.s32 $0x8000;
	s4 =	sadd.s32 s8, s3  }
0x13e: {  	[hbm4b:s4+s5] =	stream.linear.scatter [tilespmem:s15], [sflag:$0x3], $0xFA0, $0x38;
	[tilespmem:$0x15880] =	vst v63  }
0x13f: {  	s23 =	simm.s32 $0xA000;
	s22 =	sadd.s32 s10, s3  }
0x140: {  	[hbm4b:s22+s5] =	stream.linear.scatter [tilespmem:s23], [sflag:$0x3], $0xFA0, $0x38;
	[tilespmem:$0x15880] =	vst v63  }
0x141: {  	s18 =	simm.s32 $0xC000;
	p0 =	seq.s32 s19, $0x18;
	s3 =	sadd.s32 s11, s3  }
0x142: {  	[hbm4b:s3+s5] =	stream.linear.scatter [tilespmem:s18], [sflag:$0x3], $0xFA0, $0x38;
	[tilespmem:$0x15880] =	vst v63  }
0x143: {  	s3 =	sadd.s32 @!p0 s13, s24  }
0x144: {  	s3 =	sshrl.u32 @!p0 s3, $0x3  }
0x145: {  	s15 =	simm.s32 @!p0 $0x0;
	s4 =	sadd.s32 @!p0 s6, s3  }
0x146: {  	[tilespmem:s15], [sflag:$0x1] =	stream.linear.gather @!p0 [hbm4b:s4+s15], $0xFA0, $0x38;
	[tilespmem:$0x15880] =	vst v63  }
0x147: {  	s18 =	simm.s32 @!p0 $0x2000;
	s4 =	sadd.s32 @!p0 s7, s3  }
0x148: {  	[tilespmem:s18], [sflag:$0x1] =	stream.linear.gather @!p0 [hbm4b:s4+s15], $0xFA0, $0x38;
	[tilespmem:$0x15880] =	vst v63  }
0x149: {  	p1 =	seq.s32 @!p0 s19, $0x0;
	s4 =	sadd.s32 @!p0 s1, s3;
	s18 =	simm.s32 @!p0 $0x4000  }
0x14a: {  	[tilespmem:s18], [sflag:$0x1] =	stream.linear.gather @!p0 [hbm4b:s4+s15], $0xFA0, $0x38;
	[tilespmem:$0x15880] =	vst v63  }
0x14b: {  	p1 =	por p0, !p1;
	s3 =	sadd.s32 @!p0 s2, s3;
	s4 =	simm.s32 @!p0 $0x6000  }
0x14c: {  	[tilespmem:s4], [sflag:$0x1] =	stream.linear.gather @!p0 [hbm4b:s3+s15], $0xFA0, $0x38;
	[tilespmem:$0x15880] =	vst v63  }
0x14d: {  	_ =	swait.ge @p1 [sflag:s14], $0xFA0  }
0x14e: {  	[sflag:s14] =	ssyncset.done @p1 $0x0  }
0x14f: {  	[sflag:s14] =	ssyncadd.s32 @p1 $0xFFFFF060  }
0x150: {  	_ =	swait.ge @p1 [sflag:s14], $0xFA0  }
0x151: {  	[sflag:s14] =	ssyncset.done @p1 $0x0  }
0x152: {  	[sflag:s14] =	ssyncadd.s32 @p1 $0xFFFFF060  }
0x153: {  	_ =	swait.ge @p1 [sflag:s14], $0xFA0  }
0x154: {  	[sflag:s14] =	ssyncset.done @p1 $0x0  }
0x155: {  	[sflag:s14] =	ssyncadd.s32 @p1 $0xFFFFF060  }
0x156: {  	_ =	swait.ge [sflag:s0], $0xFA0  }
0x157: {  	[sflag:s0] =	ssyncset.done $0x0  }
0x158: {  	[sflag:s0] =	ssyncadd.s32 $0xFFFFF060  }
0x159: {  	_ =	swait.ge [sflag:s0], $0xFA0  }
0x15a: {  	[sflag:s0] =	ssyncset.done $0x0  }
0x15b: {  	[sflag:s0] =	ssyncadd.s32 $0xFFFFF060  }
0x15c: {  	_ =	swait.ge [sflag:s0], $0xFA0  }
0x15d: {  	[sflag:s0] =	ssyncset.done $0x0  }
0x15e: {  	[sflag:s0] =	ssyncadd.s32 $0xFFFFF060  }
0x15f: {  	_ =	swait.ge [sflag:s0], $0xFA0  }
0x160: {  	[sflag:s0] =	ssyncset.done $0x0  }
0x161: {  	s20 =	simm.s32 $0x7020;
	[sflag:s0] =	ssyncadd.s32 $0xFFFFF060  }
0x162: {  	s21 =	simm.s32 $0x5020;
	v13 =	vld [tilespmem:s20+$0xFFFFFFF0]  }
0x163: {  	s22 =	simm.s32 $0x3020;
	v9 =	vld [tilespmem:s21+$0x0]  }
0x164: {  	v10 =	vld [tilespmem:s22+$0xFFFFFFF0]  }
0x165: {  	v12 =	vld [tilespmem:s22+$0xFFFFFFE0]  }
0x166: {  	v8 =	vld [tilespmem:s20+$0x10]  }
0x167: {  	s23 =	simm.s32 $0x1020;
	v35 =	vld [tilespmem:s20+$0xFFFFFFE0]  }
0x168: {  	v14 =	vld [tilespmem:s23+$0xFFFFFFE0]  }
0x169: {  	v17 =	vld [tilespmem:s21+$0xFFFFFFF0];
	_ =	sdelay $0x1  }
0x16a: {  	vm11 =	vmmov vm4;
	v16 =	vld [tilespmem:s21+$0xFFFFFFE0];
	v15 =	vperm.xlane v13, v2  }
0x16b: {  	v18 =	vperm.xlane v13, v3;
	v36 =	vsub.f32 v9, v7;
	v9 =	vperm.xlane v35, v2  }
0x16c: {  	v11 =	vld [tilespmem:s20+$0x0];
	v24 =	vsub.f32 v10, v6;
	v25 =	vperm.xlane v8, v2;
	v21 =	vsub.f32 v14, v5  }
0x16d: {  	v19 =	vld [tilespmem:s21+$0x10];
	v20 =	vsub.f32 v12, v6;
	v26 =	vsub.f32 v17, v7;
	v27 =	vperm.xlane v35, v3  }
0x16e: {  	v10 =	vld [tilespmem:s23+$0x0];
	vm2 =	vne.s32 v15, v13;
	vm6 =	vne.s32 v13, v18;
	v12 =	vmul.f32 v36, v36  }
0x16f: {  	v15 =	vld [tilespmem:s22+$0x0];
	v18 =	vsub.f32 v16, v7;
	v14 =	vmul.f32 v21, v21;
	v22 =	vmul.f32 v20, v20  }
0x170: {  	vm0 =	vne.s32 v9, v35;
	v16 =	vld [tilespmem:s23+$0x10];
	v28 =	vmul.f32 v24, v24;
	v32 =	vmul.f32 v26, v26  }
0x171: {  	v9 =	vld [tilespmem:s23+$0xFFFFFFF0];
	vm7 =	vne.s32 v35, v27;
	vm5 =	vne.s32 v25, v8;
	vm0 =	vmor vm0, vm4  }
0x172: {  	v29 =	vld [tilespmem:s22+$0x10];
	s22 =	simm.s32 $0x3060;
	vm10 =	vmor vm6, vm9;
	vm8 =	vmor vm2, vm11;
	vm13 =	vmor vm7, vm9  }
0x173: {  	v38 =	vld [tilespmem:s22+$0xFFFFFFE0];
	v22 =	vadd.f32 v22, v14;
	v17 =	vsub.f32 v10, v5;
	v10 =	vmul.f32 v18, v18  }
0x174: {  	v14 =	vsub.f32 v19, v7;
	v19 =	vperm.xlane v11, v2;
	v33 =	vsub.f32 v15, v6  }
0x175: {  	v30 =	vadd.f32 v10, v22;
	v22 =	vsub.f32 v16, v5;
	v16 =	vperm.xlane v11, v3  }
0x176: {  	s20 =	simm.s32 $0x7060;
	vm1 =	vne.s32 v19, v11;
	v31 =	vmul.f32 v14, v14;
	v23 =	vsub.f32 v9, v5  }
0x177: {  	v15 =	vmul.f32 v17, v17;
	v10 =	vld [tilespmem:s20+$0xFFFFFFF0];
	v19 =	vmul.f32 v33, v33;
	vm3 =	vne.s32 v11, v16  }
0x178: {  	s21 =	simm.s32 $0x5060;
	v38 =	vsub.f32 v38, v6;
	(xrf2) =	vadd.scan.msk.f32 $0xffff, v30;
	v30 =	vmul.f32 v23, v23;
	vm4 =	vmmov vm3  }
0x179: {  	v27 =	vld [tilespmem:s21+$0x0];
	vm3 =	vmmov vm5;
	v15 =	vadd.f32 v19, v15;
	v19 =	vsub.f32 v29, v6  }
0x17a: {  	v9 =	vld [tilespmem:s20+$0x0];
	v34 =	vadd.f32 v28, v30;
	v28 =	vmul.f32 v22, v22;
	v29 =	vperm.xlane v8, v3  }
0x17b: {  	v16 =	vld [tilespmem:s20+$0xFFFFFFE0];
	v37 =	vadd.f32 v12, v15;
	v15 =	vmul.f32 v19, v19;
	v12 =	vimm.s32 $0x0  }
0x17c: {  	v12 =	vsel vm3, $0xFFFFFFFF, v12;
	vm3 =	vne.s32 v8, v29;
	v29 =	vperm.xlane v10, v2  }
0x17d: {  	v25 =	vld [tilespmem:s22+$0xFFFFFFF0];
	vm1 =	vmor vm1, vm11;
	v50 =	vmul.f32 v38, v38;
	v30 =	vmul.f32 $-2.000000000e+00, v24;
	[tilespmem:$0x1FF90] =	vst v12  }
0x17e: {  	v15 =	vadd.f32 v15, v28;
	v28 =	vimm.s32 $0x0;
	v24 =	vld [tilespmem:s21+$0xFFFFFFE0];
	vm2 =	vne.s32 v29, v10  }
0x17f: {  	v62 =	vperm.xlane v9, v2;
	v52 =	vperm.xlane v9, v3;
	v28 =	vsel vm2, $0xFFFFFFFF, v28  }
0x180: {  	v12 =	vld [tilespmem:s20+$0x10];
	v41 =	vadd.f32 v31, v15;
	v15 =	vsub.f32 v27, v7;
	v27 =	vperm.xlane v16, v2  }
0x181: {  	v47 =	vadd.f32 v32, v34;
	v48 =	vperm.xlane v16, v3;
	(xrf2) =	vadd.scan.msk.f32 $0xffff, v37;
	v39 =	vld [tilespmem:s21+$0xFFFFFFF0];
	[tilespmem:$0x1FFA0] =	vst v28  }
0x182: {  	s23 =	simm.s32 $0x1060;
	v29 =	vmul.f32 $-2.000000000e+00, v26;
	v28 =	vperm.xlane v10, v3;
	v42 =	vld [tilespmem:s21+$0x10];
	vm7 =	vne.s32 v27, v16  }
0x183: {  	v26 =	vld [tilespmem:s23+$0xFFFFFFE0];
	vm2 =	vmor vm7, vm11;
	v31 =	vsub.f32 v24, v7;
	v24 =	vimm.s32 $0x0  }
0x184: {  	vm12 =	vne.s32 v62, v9;
	vm15 =	vne.s32 v9, v52;
	v43 =	vld [tilespmem:s23+$0x0];
	v24 =	vsel vm2, $0xFFFFFFFF, v24  }
0x185: {  	v59, _, _ =	vpop (xrf2);
	v45 =	vld [tilespmem:s22+$0x0];
	v40 =	vmul.f32 v15, v15;
	(xrf2) =	vadd.scan.msk.f32 $0xffff, v41;
	vm6 =	vne.s32 v10, v28;
	[tilespmem:$0x1FFB0] =	vst v24  }
0x186: {  	v28 =	vsub.f32 v25, v6;
	v46 =	vperm.xlane v59, v3;
	v25 =	vsub.f32 v39, v7;
	v60 =	vld [tilespmem:s23+$0xFFFFFFF0]  }
0x187: {  	v41 =	vmul.f32 $-2.000000000e+00, v33;
	vm11 =	vne.s32 v16, v48;
	v44 =	vperm.xlane v12, v2  }
0x188: {  	v46 =	vsub.f32 $0.0e+00, v46;
	v61 =	vmul.f32 v28, v28;
	v33 =	vmul.f32 v25, v25;
	v27 =	vld [tilespmem:s23+$0x10]  }
0x189: {  	v51 =	vmul.f32 v31, v31;
	v32 =	vsub.f32 v42, v7;
	v37 =	vsub.f32 v26, v5  }
0x18a: {  	vm14 =	vne.s32 v44, v12;
	v24 =	vsub.f32 v43, v5;
	v26 =	vsub.f32 v45, v6  }
0x18b: {  	[tilespmem:v35+s28+$0x0] =	vst.idx.add.f32.msk vm0, v59;
	vm0 =	veq.s32 v4, $0x0;
	v39, _, _ =	vpop (xrf2);
	v49 =	vmul.f32 v37, v37;
	v34 =	vsub.f32 v60, v5  }
0x18c: {  	s29 =	simm.s32 $0x4;
	s30 =	simm.s32 $0x70A0;
	v46 =	vsel vm0, $0x0, v46;
	v63 =	vmul.f32 v24, v24;
	v54 =	vmul.f32 v26, v26;
	[tilespmem:v11+s28+$0x0] =	vst.idx.add.f32.msk vm1, v39  }
0x18d: {  	s31 =	simm.s32 $0x50A0;
	s18 =	simm.s32 $0xB020;
	s15 =	simm.s32 $0xD020;
	(xrf2) =	vadd.scan.msk.f32 $0xffff, v47;
	v50 =	vadd.f32 v50, v49;
	v27 =	vsub.f32 v27, v5;
	v53 =	vmul.f32 v34, v34  }
0x18e: {  	s4 =	simm.s32 $0x30A0;
	s3 =	simm.s32 $0x10A0;
	s20 =	simm.s32 $0x9020;
	v43 =	vmul.f32 v32, v32;
	[tilespmem:v35+s28+$0x0] =	vst.idx.add.f32.msk vm13, v46;
	v35 =	vmul.f32 $-2.000000000e+00, v36;
	v44 =	vadd.f32 v54, v63  }
0x18f: {  	s21 =	simm.s32 $0xD020;
	s23 =	simm.s32 $0x9060;
	v49 =	vld [tilespmem:s22+$0x10];
	s22 =	simm.s32 $0xB020;
	v36, _, _ =	vpop (xrf2);
	v50 =	vadd.f32 v51, v50;
	v48 =	vmul.f32 v27, v27;
	v42 =	vadd.f32 v61, v53  }
.LBB2_9:
0x190: {  	v51 =	vld [tilespmem:s30+$0xFFFFFFF0];
	v47 =	vperm.xlane v12, v3;
	vm13 =	vmmov vm3  }
0x191: {  	vm1 =	vmmov vm10;
	vm9 =	vmmov vm4;
	v59 =	vld [tilespmem:$0x1FF90];
	v53 =	vmul.f32 $-2.000000000e+00, v20  }
0x192: {  	vm5 =	vmmov vm15;
	v63 =	vmul.f32 $-2.000000000e+00, v21;
	v21 =	vld [tilespmem:$0x1FFF0];
	v39 =	vperm.xlane v39, v3  }
0x193: {  	v61 =	vimm.s32 $0x0;
	v20 =	vmovc v38;
	v38 =	vld [tilespmem:s4+$0xFFFFFFE0];
	v55 =	vmul.f32 $-2.000000000e+00, v18;
	v56 =	vmul.f32 $-2.000000000e+00, v28  }
0x194: {  	v45 =	vld [tilespmem:s30+$0x0];
	vm7 =	veq.s32 v4, $0x0;
	v58 =	vmul.f32 $-2.000000000e+00, v19;
	v39 =	vsub.f32 $0.0e+00, v39  }
0x195: {  	v46 =	vmovc v41;
	v52 =	vld [tilespmem:s4+$0xFFFFFFF0];
	v41 =	vmul.f32 $-2.000000000e+00, v26;
	v40 =	vadd.f32 v40, v44;
	v49 =	vsub.f32 v49, v6  }
0x196: {  	v18 =	vmovc v31;
	v57 =	vld [tilespmem:s30+$0x10];
	(xrf2) =	vadd.scan.msk.f32 $0xffff, v50;
	v42 =	vadd.f32 v33, v42;
	vm4 =	vne.s32 v12, v47;
	v33 =	vsel vm7, $0x0, v39  }
0x197: {  	v50 =	vld [tilespmem:s31+$0x0];
	vm2 =	vnez.u8 v59;
	vm3 =	vnez.u8 v21;
	v54 =	vmul.f32 v49, v49;
	v60, _, _ =	vpop (xrf2)  }
0x198: {  	v31 =	vperm.xlane v51, v2;
	v38 =	vsub.f32 v38, v6;
	v19 =	vmovc v49;
	v49 =	vld [tilespmem:$0x1FFA0];
	v62 =	vperm.xlane v60, v3  }
0x199: {  	[tilespmem:s20+$0xFFFFFFE0] =	vst v63;
	v21 =	vmovc v37;
	v37 =	vld [tilespmem:s31+$0xFFFFFFF0];
	vm0 =	vmmov vm2;
	vm2 =	vmmov vm14;
	v59 =	vadd.f32 v54, v48  }
0x19a: {  	v44 =	vsel vm2, $0xFFFFFFFF, v61;
	vm2 =	vcmask $0x3F3C;
	[tilespmem:v13+s28+$0x0] =	vst.idx.add.f32.msk vm8, v60;
	v47 =	vsub.f32 $0.0e+00, v62  }
0x19b: {  	[tilespmem:$0x1FF90] =	vst v44;
	v44 =	vmul.f32 $-2.000000000e+00, v14;
	v14 =	vmovc v32;
	vm15 =	vmor vm0, vm2;
	v32 =	vadd.f32 v43, v59;
	v43 =	vld [tilespmem:s3+$0x10]  }
0x19c: {  	vm14 =	vmor vm13, vm3;
	vm10 =	vmor vm6, vm3;
	v28 =	vsel vm7, $0x0, v47;
	v47 =	vld [tilespmem:s30+$0xFFFFFFE0];
	[tilespmem:s22+$0xFFFFFFE0] =	vst v53  }
0x19d: {  	v50 =	vsub.f32 v50, v7;
	(xrf2) =	vadd.scan.msk.f32 $0xffff, v40;
	v61 =	vperm.xlane v51, v3;
	vm6 =	vnez.u8 v49;
	v60 =	vld [tilespmem:s31+$0xFFFFFFE0]  }
0x19e: {  	vm8 =	vmor vm6, vm2;
	vm6 =	vne.s32 v31, v51;
	v31 =	vimm.s32 $0x0;
	[tilespmem:v13+s28+$0x0] =	vst.idx.add.f32.msk vm1, v28  }
0x19f: {  	vm13 =	vmor vm12, vm2;
	vm12 =	vmor vm9, vm3;
	v31 =	vsel vm6, $0xFFFFFFFF, v31;
	[tilespmem:s21+$0xFFFFFFE0] =	vst v55;
	v13 =	vmovc v10;
	v10 =	vld [tilespmem:$0x1FFB0]  }
0x1a0: {  	v62 =	vmul.f32 $-2.000000000e+00, v25;
	v25, _, _ =	vpop (xrf2);
	[tilespmem:$0x1FFA0] =	vst v31;
	v31 =	vmul.f32 $-2.000000000e+00, v23;
	v23 =	vmov v34;
	v34 =	vld [tilespmem:s31+$0x10]  }
0x1a1: {  	vm0 =	vmor vm11, vm3;
	v40 =	vmul.f32 v50, v50;
	v59 =	vperm.xlane v25, v3;
	[tilespmem:v8+s28+$0x0] =	vst.idx.add.f32.msk vm15, v36  }
0x1a2: {  	vm3 =	vmmov vm4;
	v54 =	vmul.f32 $-2.000000000e+00, v22;
	v53 =	vperm.xlane v57, v2;
	[tilespmem:s20+$0xFFFFFFF0] =	vst v31  }
0x1a3: {  	v48 =	vld [tilespmem:s4+$0x0];
	v22 =	vmovc v27;
	vm6 =	vne.s32 v51, v61;
	v28 =	vsub.f32 v52, v6;
	v52 =	vsub.f32 $0.0e+00, v59;
	[tilespmem:s22+$0xFFFFFFF0] =	vst v30  }
0x1a4: {  	v59 =	vmul.f32 $-2.000000000e+00, v17;
	v30 =	vmovc v56;
	v56 =	vperm.xlane v36, v3;
	vm1 =	vnez.u8 v10;
	v10 =	vmovc v51;
	v51 =	vld [tilespmem:s3+$0x0];
	[tilespmem:s21+$0xFFFFFFF0] =	vst v29  }
0x1a5: {  	(xrf2) =	vadd.scan.msk.f32 $0xffff, v32;
	v27 =	vsub.f32 v43, v5;
	v63 =	vperm.xlane v47, v2;
	[tilespmem:v11+s28+$0x0] =	vst.idx.add.f32.msk vm12, v33  }
0x1a6: {  	vm4 =	vmmov vm5;
	v49 =	vld [tilespmem:s3+$0xFFFFFFE0];
	v11 =	vmovc v9;
	v9 =	vmovc v45;
	v32 =	vsub.f32 v34, v7;
	v26 =	vsub.f32 $0.0e+00, v56;
	[tilespmem:s20+$0x0] =	vst v59  }
0x1a7: {  	v31 =	vsub.f32 v60, v7;
	v60 =	vimm.s32 $0x0;
	v55 =	vld [tilespmem:s3+$0xFFFFFFF0];
	v59 =	vperm.xlane v9, v3;
	[tilespmem:s22+$0x0] =	vst v46  }
0x1a8: {  	v29 =	vmovc v62;
	v62 =	vsel vm7, $0x0, v26;
	v26 =	vsub.f32 v48, v6;
	[tilespmem:s21+$0x0] =	vst v35;
	v43 =	vmul.f32 v32, v32  }
0x1a9: {  	vm15 =	vne.s32 v9, v59;
	v35 =	vmul.f32 $-2.000000000e+00, v15;
	v48 =	vmul.f32 v27, v27;
	[tilespmem:v8+s28+$0x0] =	vst.idx.add.f32.msk vm14, v62  }
0x1aa: {  	v17 =	vmovc v24;
	vm14 =	vne.s32 v53, v57;
	v24 =	vsub.f32 v51, v5;
	v51 =	vperm.xlane v45, v2  }
0x1ab: {  	v62 =	vsel vm7, $0x0, v52;
	[tilespmem:v16+s28+$0x0] =	vst.idx.add.f32.msk vm1, v25;
	vm1 =	vne.s32 v63, v47;
	v25 =	vsub.f32 v37, v7  }
0x1ac: {  	s29 =	sadd.s32 $0x4, s29;
	v39, _, _ =	vpop (xrf2);
	(xrf2) =	vadd.scan.msk.f32 $0xffff, v42;
	v37 =	vsub.f32 v49, v5;
	v63 =	vmul.f32 v38, v38;
	v34 =	vsub.f32 v55, v5  }
0x1ad: {  	p1 =	slt.u32 s29, $0xF4;
	v15 =	vmovc v50;
	[tilespmem:s20+$0x10] =	vst v54;
	vm1 =	vmor vm1, vm2;
	v56 =	vmul.f32 v24, v24;
	vm12 =	vne.s32 v51, v45  }
.Ltmp3:
0x1ae: {  	[tilespmem:v11+s28+$0x0] =	vst.idx.add.f32.msk vm13, v39;
	v51 =	vmul.f32 v31, v31;
	v61 =	vsel vm1, $0xFFFFFFFF, v60;
	v49 =	vmul.f32 v37, v37;
	(pc) =	sbr.rel @p1 .LBB2_9-.Ltmp3, $4  }
0x1af: {  	s15 =	sadd.s32 $0x40, s15;
	v8 =	vmovc v12;
	v12 =	vmov v57;
	v42 =	vmul.f32 v34, v34;
	[tilespmem:$0x1FFB0] =	vst v61;
	v61 =	vmul.f32 v28, v28  }
0x1b0: {  	s18 =	sadd.s32 $0x40, s18;
	s30 =	sadd.s32 $0x40, s30;
	s31 =	sadd.s32 $0x40, s31;
	[tilespmem:s22+$0x10] =	vst v58;
	v60 =	vperm.xlane v47, v3;
	v46 =	vadd.f32 v63, v49;
	v63 =	vmul.f32 v26, v26  }
0x1b1: {  	s3 =	sadd.s32 $0x40, s3;
	s20 =	smov.u32 s23;
	s23 =	sadd.s32 $0x40, s23;
	[tilespmem:v16+s28+$0x0] =	vst.idx.add.f32.msk vm0, v62;
	v16 =	vmov v47;
	v33 =	vmul.f32 v25, v25;
	v42 =	vadd.f32 v61, v42  }
0x1b2: {  	v36, _, _ =	vpop (xrf2);
	s22 =	smov.u32 s18;
	vm11 =	vne.s32 v47, v60;
	v49 =	vld [tilespmem:s4+$0x10];
	[tilespmem:s21+$0x10] =	vst v44;
	s21 =	smov.u32 s15;
	s4 =	sadd.s32 $0x40, s4;
	v50 =	vadd.f32 v51, v46;
	v44 =	vadd.f32 v63, v56  }
0x1b3: {  	_ =	sdelay $0x1  }
0x1b4: {  	v21 =	vmul.f32 $-2.000000000e+00, v21;
	_ =	sdelay $0x1  }
0x1b5: {  	[tilespmem:s20+$0xFFFFFFE0] =	vst v21;
	v45, _, _ =	vpop (xrf2)  }
0x1b6: {  	[tilespmem:v13+s28+$0x0] =	vst.idx.add.f32.msk vm8, v45  }
0x1b7: {  	v21 =	vld [tilespmem:$0x1FF90];
	_ =	sdelay $0x1  }
0x1b8: {  	v20 =	vmul.f32 $-2.000000000e+00, v20  }
0x1b9: {  	v47 =	vperm.xlane v45, v3  }
0x1ba: {  	[tilespmem:s22+$0xFFFFFFE0] =	vst v20  }
0x1bb: {  	v18 =	vmul.f32 $-2.000000000e+00, v18;
	v47 =	vsub.f32 $0.0e+00, v47;
	v58 =	vld [tilespmem:$0x1FFF0];
	vm2 =	vnez.u8 v21  }
0x1bc: {  	vm1 =	vmmov vm4;
	vm4 =	vmmov vm2;
	vm2 =	veq.s32 v4, $0x0  }
0x1bd: {  	v59 =	vmul.f32 $-2.000000000e+00, v23;
	[tilespmem:s21+$0xFFFFFFE0] =	vst v18;
	v57 =	vsel vm2, $0x0, v47  }
0x1be: {  	[tilespmem:v13+s28+$0x0] =	vst.idx.add.f32.msk vm10, v57  }
0x1bf: {  	(xrf2) =	vadd.scan.msk.f32 $0xffff, v50;
	[tilespmem:s20+$0xFFFFFFF0] =	vst v59  }
0x1c0: {  	vm9 =	vnez.u8 v58;
	[tilespmem:s22+$0xFFFFFFF0] =	vst v30  }
0x1c1: {  	vm5 =	vcmask $0x3F3C;
	v46 =	vsub.f32 v49, v6;
	vm1 =	vmor vm1, vm9;
	v30 =	vld [tilespmem:$0x1FFB0]  }
0x1c2: {  	v61 =	vperm.xlane v39, v3;
	vm4 =	vmor vm4, vm5  }
0x1c3: {  	v54 =	vmul.f32 v46, v46  }
0x1c4: {  	v13 =	vsub.f32 $0.0e+00, v61  }
0x1c5: {  	vm0 =	vmmov vm10;
	v55 =	vadd.f32 v40, v44;
	v56 =	vadd.f32 v54, v48  }
0x1c6: {  	vm0 =	vmmov vm3;
	v13 =	vsel vm2, $0x0, v13;
	[tilespmem:s21+$0xFFFFFFF0] =	vst v29;
	vm3 =	vnez.u8 v30  }
0x1c7: {  	v17 =	vmul.f32 $-2.000000000e+00, v17;
	(xrf2) =	vadd.scan.msk.f32 $0xffff, v55;
	v60 =	vadd.f32 v43, v56;
	[tilespmem:v11+s28+$0x0] =	vst.idx.add.f32.msk vm1, v13  }
0x1c8: {  	v62 =	vadd.f32 v33, v42;
	[tilespmem:v8+s28+$0x0] =	vst.idx.add.f32.msk vm4, v36  }
0x1c9: {  	v63, _, _ =	vpop (xrf2);
	(xrf2) =	vadd.scan.msk.f32 $0xffff, v60;
	[tilespmem:s20+$0x0] =	vst v17  }
0x1ca: {  	vm0 =	vmor vm0, vm9;
	(xrf2) =	vadd.scan.msk.f32 $0xffff, v62;
	[tilespmem:s22+$0x0] =	vst v41  }
0x1cb: {  	v33 =	vperm.xlane v36, v3;
	[tilespmem:s21+$0x0] =	vst v35  }
0x1cc: {  	vm1 =	vmor vm12, vm5;
	[tilespmem:v16+s28+$0x0] =	vst.idx.add.f32.msk vm3, v63  }
0x1cd: {  	v39 =	vsub.f32 $0.0e+00, v33;
	vm3 =	vmor vm11, vm9;
	v42 =	vld [tilespmem:$0x1FFA0]  }
0x1ce: {  	v43 =	vperm.xlane v63, v3  }
0x1cf: {  	v40 =	vmul.f32 $-2.000000000e+00, v22;
	v11 =	vsel vm2, $0x0, v39  }
0x1d0: {  	v45 =	vsub.f32 $0.0e+00, v43;
	[tilespmem:v8+s28+$0x0] =	vst.idx.add.f32.msk vm0, v11  }
0x1d1: {  	v8, _, _ =	vpop (xrf2);
	vm0 =	veq.s32 v4, $0x0;
	[tilespmem:s20+$0x10] =	vst v40  }
0x1d2: {  	v41 =	vmul.f32 $-2.000000000e+00, v19;
	v13 =	vsel vm0, $0x0, v45;
	[tilespmem:v9+s28+$0x0] =	vst.idx.add.f32.msk vm1, v8;
	vm2 =	vnez.u8 v42  }
0x1d3: {  	v44 =	vmul.f32 $-2.000000000e+00, v14;
	v47, _, _ =	vpop (xrf2);
	[tilespmem:v16+s28+$0x0] =	vst.idx.add.f32.msk vm3, v13;
	vm3 =	vmmov vm15;
	vm2 =	vmor vm2, vm5  }
0x1d4: {  	v51 =	vmul.f32 $-2.000000000e+00, v37;
	vm4 =	vmor vm6, vm9;
	[tilespmem:s22+$0x10] =	vst v41;
	v48, _, _ =	vpop (xrf2);
	vm3 =	vmmov vm3  }
0x1d5: {  	v52 =	vmul.f32 $-2.000000000e+00, v38;
	[tilespmem:s21+$0x10] =	vst v44;
	v49 =	vperm.xlane v48, v3;
	vm3 =	vmor vm3, vm9  }
0x1d6: {  	s3 =	sadd.s32 $0x40, s18;
	v53 =	vmul.f32 $-2.000000000e+00, v31;
	v8 =	vperm.xlane v8, v3;
	[tilespmem:s23+$0xFFFFFFE0] =	vst v51  }
0x1d7: {  	s4 =	sadd.s32 $0x40, s15;
	v17 =	vsub.f32 $0.0e+00, v49;
	[tilespmem:s3+$0xFFFFFFE0] =	vst v52  }
0x1d8: {  	v8 =	vsub.f32 $0.0e+00, v8;
	[tilespmem:s4+$0xFFFFFFE0] =	vst v53  }
0x1d9: {  	v50 =	vperm.xlane v12, v3;
	v55 =	vmul.f32 $-2.000000000e+00, v34;
	v54 =	vsel vm0, $0x0, v17;
	[tilespmem:v10+s28+$0x0] =	vst.idx.add.f32.msk vm2, v48  }
0x1da: {  	vm1 =	vmmov vm4;
	v8 =	vsel vm0, $0x0, v8;
	vm2 =	vmmov vm14;
	[tilespmem:v10+s28+$0x0] =	vst.idx.add.f32.msk vm4, v54  }
0x1db: {  	v58 =	vmul.f32 $-2.000000000e+00, v24;
	vm1 =	vne.s32 v12, v50;
	vm2 =	vmmov vm2;
	[tilespmem:v9+s28+$0x0] =	vst.idx.add.f32.msk vm3, v8  }
0x1dc: {  	v56 =	vmul.f32 $-2.000000000e+00, v28;
	vm1 =	vmmov vm1;
	vm2 =	vmor vm2, vm5;
	[tilespmem:s23+$0xFFFFFFF0] =	vst v55  }
0x1dd: {  	vm1 =	vmor vm1, vm9;
	v8 =	vmul.f32 $-2.000000000e+00, v26;
	[tilespmem:s23+$0x0] =	vst v58  }
0x1de: {  	v57 =	vmul.f32 $-2.000000000e+00, v25;
	v59 =	vperm.xlane v47, v3;
	[tilespmem:s3+$0xFFFFFFF0] =	vst v56  }
0x1df: {  	v60 =	vmul.f32 $-2.000000000e+00, v15;
	[tilespmem:s3+$0x0] =	vst v8  }
0x1e0: {  	v11 =	vsub.f32 $0.0e+00, v59;
	[tilespmem:s4+$0xFFFFFFF0] =	vst v57  }
0x1e1: {  	[tilespmem:s4+$0x0] =	vst v60  }
0x1e2: {  	v61 =	vsel vm0, $0x0, v11;
	v8 =	vmul.f32 $-2.000000000e+00, v27;
	[tilespmem:v12+s28+$0x0] =	vst.idx.add.f32.msk vm2, v47  }
0x1e3: {  	v62 =	vmul.f32 $-2.000000000e+00, v46;
	[tilespmem:v12+s28+$0x0] =	vst.idx.add.f32.msk vm1, v61  }
0x1e4: {  	v63 =	vmul.f32 $-2.000000000e+00, v32;
	[tilespmem:s23+$0x10] =	vst v8  }
0x1e5: {  	[tilespmem:s3+$0x10] =	vst v62  }
0x1e6: {  	vm4 =	vmmov vm5;
	s3 =	simm.s32 $0x3E00;
	[tilespmem:s4+$0x10] =	vst v63  }
.LBB2_11:
0x1e7: {  	s4 =	sshra.s32 s3, $0x2  }
0x1e8: {  	v8 =	vld [tilespmem:s4+$0x1000]  }
0x1e9: {  	v9 =	vld [tilespmem:s4+$0x3000];
	_ =	sdelay $0x1  }
0x1ea: {  	v10 =	vld [tilespmem:s4+$0x5000];
	_ =	sdelay $0x2  }
0x1eb: {  	v8 =	vsub.f32 v8, v5;
	v9 =	vsub.f32 v9, v6;
	_ =	sdelay $0x1  }
0x1ec: {  	v10 =	vsub.f32 v10, v7;
	v11 =	vmul.f32 v8, v8;
	v12 =	vmul.f32 v9, v9;
	_ =	sdelay $0x1  }
0x1ed: {  	v59 =	vmul.f32 v10, v10;
	v11 =	vadd.f32 v12, v11;
	_ =	sdelay $0x1  }
0x1ee: {  	v11 =	vadd.f32 v59, v11;
	_ =	sdelay $0x1  }
0x1ef: {  	(xrf2) =	vadd.scan.msk.f32 $0xffff, v11  }
0x1f0: {  	v60 =	vld [tilespmem:s4+$0x7000];
	_ =	sdelay $0x4  }
0x1f1: {  	v61 =	vperm.xlane v60, v0  }
0x1f2: {  	v13 =	vperm.xlane v60, v3  }
0x1f3: {  	vm1 =	vne.s32 v61, v60  }
0x1f4: {  	vm2 =	vne.s32 v60, v13;
	vm1 =	vmor vm1, vm4  }
0x1f5: {  	vm2 =	vmor vm2, vm9;
	v62, _, _ =	vpop (xrf2)  }
0x1f6: {  	v63 =	vperm.xlane v62, v3;
	_ =	sdelay $0x1  }
0x1f7: {  	v13 =	vsub.f32 $0.0e+00, v63  }
0x1f8: {  	p1 =	sne.s32 s3, $0x3E40  }
.Ltmp4:
0x1f9: {  	v8 =	vmul.f32 $-2.000000000e+00, v8;
	[tilespmem:v60+s28+$0x0] =	vst.idx.add.f32.msk vm1, v62;
	v13 =	vsel vm0, $0x0, v13;
	(pc) =	sbr.rel @p1 .LBB2_11-.Ltmp4, $4  }
0x1fa: {  	v9 =	vmul.f32 $-2.000000000e+00, v9;
	[tilespmem:v60+s28+$0x0] =	vst.idx.add.f32.msk vm2, v13  }
0x1fb: {  	[tilespmem:s4+$0x9000] =	vst v8;
	v8 =	vmul.f32 $-2.000000000e+00, v10  }
0x1fc: {  	[tilespmem:s4+$0xB000] =	vst v9  }
0x1fd: {  	s3 =	sadd.s32 $0x40, s3;
	[tilespmem:s4+$0xD000] =	vst v8  }
0x1fe: {  	s3 =	sadd.s32 s13, s16  }
0x1ff: {  	s3 =	sshrl.u32 s3, $0x3  }
0x200: {  	s15 =	simm.s32 $0x9000;
	s4 =	sadd.s32 s8, s3  }
0x201: {  	[hbm4b:s4+s5] =	stream.linear.scatter [tilespmem:s15], [sflag:$0x4], $0xFA0, $0x38;
	[tilespmem:$0x15880] =	vst v63  }
.Ltmp5:
0x202: {  	_ = 	snop;
	(pc) =	sbr.rel @p0 .LBB2_14-.Ltmp5, $4  }
0x203: {  	s31 =	simm.s32 $0xB000;
	s30 =	sadd.s32 s10, s3  }
0x204: {  	[hbm4b:s30+s5] =	stream.linear.scatter [tilespmem:s31], [sflag:$0x4], $0xFA0, $0x38;
	[tilespmem:$0x15880] =	vst v63  }
0x205: {  	s3 =	sadd.s32 s11, s3  }
0x206: {  	[hbm4b:s3+s5] =	stream.linear.scatter [tilespmem:s12], [sflag:$0x4], $0xFA0, $0x38;
	[tilespmem:$0x15880] =	vst v63  }
0x207: {  	s3 =	sadd.s32 s13, s26  }
0x208: {  	s3 =	sshrl.u32 s3, $0x3  }
0x209: {  	s21 =	simm.s32 $0x1000;
	s4 =	sadd.s32 s6, s3  }
0x20a: {  	[tilespmem:s21], [sflag:$0x2] =	stream.linear.gather [hbm4b:s4+s5], $0xFA0, $0x38;
	[tilespmem:$0x15880] =	vst v63  }
0x20b: {  	s23 =	simm.s32 $0x3000;
	s22 =	sadd.s32 s7, s3  }
0x20c: {  	[tilespmem:s23], [sflag:$0x2] =	stream.linear.gather [hbm4b:s22+s5], $0xFA0, $0x38;
	[tilespmem:$0x15880] =	vst v63  }
.Ltmp6:
0x20d: {  	_ = 	snop;
	(pc) =	sbr.rel .LBB2_4-.Ltmp6, $4  }
0x20e: {  	s30 =	simm.s32 $0x5000;
	s29 =	sadd.s32 s1, s3  }
0x20f: {  	[tilespmem:s30], [sflag:$0x2] =	stream.linear.gather [hbm4b:s29+s5], $0xFA0, $0x38;
	[tilespmem:$0x15880] =	vst v63  }
0x210: {  	s31 =	simm.s32 $0x7000;
	s19 =	sadd.s32 $0x1, s19;
	s3 =	sadd.s32 s2, s3  }
0x211: {  	[tilespmem:s31], [sflag:$0x2] =	stream.linear.gather [hbm4b:s3+s5], $0xFA0, $0x38;
	[tilespmem:$0x15880] =	vst v63  }
.LBB2_14:
0x212: {  	s3 =	simm.s32 $0x3  }
0x213: {  	_ =	swait.ge [sflag:s3], $0xFA0  }
0x214: {  	[sflag:s3] =	ssyncset.done $0x0  }
0x215: {  	[sflag:s3] =	ssyncadd.s32 $0xFFFFF060  }
0x216: {  	_ =	swait.ge [sflag:s3], $0xFA0  }
0x217: {  	[sflag:s3] =	ssyncset.done $0x0  }
0x218: {  	[sflag:s3] =	ssyncadd.s32 $0xFFFFF060  }
0x219: {  	_ =	swait.ge [sflag:s3], $0xFA0  }
0x21a: {  	[sflag:s3] =	ssyncset.done $0x0  }
0x21b: {  	[sflag:s3] =	ssyncadd.s32 $0xFFFFF060  }
0x21c: {  	_ =	swait.ge [sflag:s14], $0xFA0  }
0x21d: {  	[sflag:s14] =	ssyncset.done $0x0  }
0x21e: {  	[sflag:s14] =	ssyncadd.s32 $0xFFFFF060  }
0x21f: {  	_ =	swait.ge [sflag:s14], $0xFA0  }
0x220: {  	[sflag:s14] =	ssyncset.done $0x0  }
0x221: {  	[sflag:s14] =	ssyncadd.s32 $0xFFFFF060  }
0x222: {  	_ =	swait.ge [sflag:s14], $0xFA0  }
0x223: {  	s4 =	simm.s32 $0x80;
	[sflag:s14] =	ssyncset.done $0x0  }
0x224: {  	s13 =	simm.s32 $0x400;
	s18 =	rddreg [dreg:$0xb];
	[sflag:s14] =	ssyncadd.s32 $0xFFFFF060  }
0x225: {  	[spmem:s18] =	stream.strided.scatter [tilespmem:s28], [sflag:$0x5], $0x2800, s13, s4, $0x38;
	[tilespmem:$0x15880] =	vst v63  }
0x226: {  	_ =	swait.ge [sflag:s17], $0x2800  }
0x227: {  	[sflag:s17] =	ssyncset.done $0x0  }
0x228: {  	[sflag:s17] =	ssyncadd.s32 $0xFFFFD800  }
0x229: {  	[bflag:$0x0] =	sbarrier.arrive $0xFFFF  }
0x22a: {  	s19 =	rddreg [dreg:$0xd]  }
0x22b: {  	s20 =	simm.s32 $0x10800;
	s21 =	sld [smem:$0x7BE]  }
0x22c: {  	[tilespmem:s20], [sflag:$0x5] =	stream.linear.gather [spmem:s19], $0x80, $0x38;
	[tilespmem:$0x15880] =	vst v63  }
0x22d: {  	s22 =	simm.s32 $0x10C00;
	s23 =	sld [smem:$0x7BF]  }
0x22e: {  	[tilespmem:s22], [sflag:$0x5] =	stream.linear.gather [spmem:s21], $0x80, $0x38;
	[tilespmem:$0x15880] =	vst v63  }
0x22f: {  	s29 =	simm.s32 $0x11000;
	s30 =	sld [smem:$0x7C0]  }
0x230: {  	[tilespmem:s29], [sflag:$0x5] =	stream.linear.gather [spmem:s23], $0x80, $0x38;
	[tilespmem:$0x15880] =	vst v63  }
0x231: {  	s31 =	simm.s32 $0x11400;
	s4 =	sld [smem:$0x7C1]  }
0x232: {  	[tilespmem:s31], [sflag:$0x5] =	stream.linear.gather [spmem:s30], $0x80, $0x38;
	[tilespmem:$0x15880] =	vst v63  }
0x233: {  	s13 =	simm.s32 $0x11800  }
0x234: {  	[tilespmem:s13], [sflag:$0x5] =	stream.linear.gather [spmem:s4], $0x80, $0x38;
	[tilespmem:$0x15880] =	vst v63  }
0x235: {  	_ =	swait.ge [sflag:s17], $0x280  }
0x236: {  	[sflag:s17] =	ssyncset.done $0x0;
	s15 =	rddreg [dreg:$0x13]  }
0x237: {  	s18 =	simm.s32 $0x10880;
	s19 =	sld [smem:$0x7C2];
	[sflag:s17] =	ssyncadd.s32 $0xFFFFFD80  }
0x238: {  	[tilespmem:s18], [sflag:$0x5] =	stream.linear.gather [spmem:s15], $0x80, $0x38;
	[tilespmem:$0x15880] =	vst v63  }
0x239: {  	s20 =	simm.s32 $0x10C80;
	s21 =	sld [smem:$0x7C3]  }
0x23a: {  	[tilespmem:s20], [sflag:$0x5] =	stream.linear.gather [spmem:s19], $0x80, $0x38;
	[tilespmem:$0x15880] =	vst v63  }
0x23b: {  	s22 =	simm.s32 $0x11080;
	s23 =	sld [smem:$0x7C4]  }
0x23c: {  	[tilespmem:s22], [sflag:$0x5] =	stream.linear.gather [spmem:s21], $0x80, $0x38;
	[tilespmem:$0x15880] =	vst v63  }
0x23d: {  	s29 =	simm.s32 $0x11480;
	s30 =	sld [smem:$0x7C5]  }
0x23e: {  	[tilespmem:s29], [sflag:$0x5] =	stream.linear.gather [spmem:s23], $0x80, $0x38;
	[tilespmem:$0x15880] =	vst v63  }
0x23f: {  	s31 =	simm.s32 $0x11880  }
0x240: {  	[tilespmem:s31], [sflag:$0x5] =	stream.linear.gather [spmem:s30], $0x80, $0x38;
	[tilespmem:$0x15880] =	vst v63  }
0x241: {  	_ =	swait.ge [sflag:s17], $0x280  }
0x242: {  	[sflag:s17] =	ssyncset.done $0x0;
	s4 =	rddreg [dreg:$0x14]  }
0x243: {  	s13 =	simm.s32 $0x10900;
	s15 =	sld [smem:$0x7C6];
	[sflag:s17] =	ssyncadd.s32 $0xFFFFFD80  }
0x244: {  	[tilespmem:s13], [sflag:$0x5] =	stream.linear.gather [spmem:s4], $0x80, $0x38;
	[tilespmem:$0x15880] =	vst v63  }
0x245: {  	s18 =	simm.s32 $0x10D00;
	s19 =	sld [smem:$0x7C7]  }
0x246: {  	[tilespmem:s18], [sflag:$0x5] =	stream.linear.gather [spmem:s15], $0x80, $0x38;
	[tilespmem:$0x15880] =	vst v63  }
0x247: {  	s20 =	simm.s32 $0x11100;
	s21 =	sld [smem:$0x7C8]  }
0x248: {  	[tilespmem:s20], [sflag:$0x5] =	stream.linear.gather [spmem:s19], $0x80, $0x38;
	[tilespmem:$0x15880] =	vst v63  }
0x249: {  	s22 =	simm.s32 $0x11500;
	s23 =	sld [smem:$0x7C9]  }
0x24a: {  	[tilespmem:s22], [sflag:$0x5] =	stream.linear.gather [spmem:s21], $0x80, $0x38;
	[tilespmem:$0x15880] =	vst v63  }
0x24b: {  	s29 =	simm.s32 $0x11900  }
0x24c: {  	[tilespmem:s29], [sflag:$0x5] =	stream.linear.gather [spmem:s23], $0x80, $0x38;
	[tilespmem:$0x15880] =	vst v63  }
0x24d: {  	_ =	swait.ge [sflag:s17], $0x280  }
0x24e: {  	[sflag:s17] =	ssyncset.done $0x0;
	s30 =	rddreg [dreg:$0x15]  }
0x24f: {  	s31 =	simm.s32 $0x10980;
	s4 =	sld [smem:$0x7CA];
	[sflag:s17] =	ssyncadd.s32 $0xFFFFFD80  }
0x250: {  	[tilespmem:s31], [sflag:$0x5] =	stream.linear.gather [spmem:s30], $0x80, $0x38;
	[tilespmem:$0x15880] =	vst v63  }
0x251: {  	s13 =	simm.s32 $0x10D80;
	s15 =	sld [smem:$0x7CB]  }
0x252: {  	[tilespmem:s13], [sflag:$0x5] =	stream.linear.gather [spmem:s4], $0x80, $0x38;
	[tilespmem:$0x15880] =	vst v63  }
0x253: {  	s18 =	simm.s32 $0x11180;
	s19 =	sld [smem:$0x7CC]  }
0x254: {  	[tilespmem:s18], [sflag:$0x5] =	stream.linear.gather [spmem:s15], $0x80, $0x38;
	[tilespmem:$0x15880] =	vst v63  }
0x255: {  	s20 =	simm.s32 $0x11580;
	s21 =	sld [smem:$0x7CD]  }
0x256: {  	[tilespmem:s20], [sflag:$0x5] =	stream.linear.gather [spmem:s19], $0x80, $0x38;
	[tilespmem:$0x15880] =	vst v63  }
0x257: {  	s22 =	simm.s32 $0x11980  }
0x258: {  	[tilespmem:s22], [sflag:$0x5] =	stream.linear.gather [spmem:s21], $0x80, $0x38;
	[tilespmem:$0x15880] =	vst v63  }
0x259: {  	_ =	swait.ge [sflag:s17], $0x280  }
0x25a: {  	[sflag:s17] =	ssyncset.done $0x0;
	s23 =	rddreg [dreg:$0x16]  }
0x25b: {  	s29 =	simm.s32 $0x10A00;
	s30 =	sld [smem:$0x7CE];
	[sflag:s17] =	ssyncadd.s32 $0xFFFFFD80  }
0x25c: {  	[tilespmem:s29], [sflag:$0x5] =	stream.linear.gather [spmem:s23], $0x80, $0x38;
	[tilespmem:$0x15880] =	vst v63  }
0x25d: {  	s31 =	simm.s32 $0x10E00;
	s4 =	sld [smem:$0x7CF]  }
0x25e: {  	[tilespmem:s31], [sflag:$0x5] =	stream.linear.gather [spmem:s30], $0x80, $0x38;
	[tilespmem:$0x15880] =	vst v63  }
0x25f: {  	s13 =	simm.s32 $0x11200;
	s15 =	sld [smem:$0x7D0]  }
0x260: {  	[tilespmem:s13], [sflag:$0x5] =	stream.linear.gather [spmem:s4], $0x80, $0x38;
	[tilespmem:$0x15880] =	vst v63  }
0x261: {  	s18 =	simm.s32 $0x11600;
	s19 =	sld [smem:$0x7D1]  }
0x262: {  	[tilespmem:s18], [sflag:$0x5] =	stream.linear.gather [spmem:s15], $0x80, $0x38;
	[tilespmem:$0x15880] =	vst v63  }
0x263: {  	s20 =	simm.s32 $0x11A00  }
0x264: {  	[tilespmem:s20], [sflag:$0x5] =	stream.linear.gather [spmem:s19], $0x80, $0x38;
	[tilespmem:$0x15880] =	vst v63  }
0x265: {  	_ =	swait.ge [sflag:s17], $0x280  }
0x266: {  	[sflag:s17] =	ssyncset.done $0x0;
	s21 =	rddreg [dreg:$0x17]  }
0x267: {  	s22 =	simm.s32 $0x10A80;
	s23 =	sld [smem:$0x7D2];
	[sflag:s17] =	ssyncadd.s32 $0xFFFFFD80  }
0x268: {  	[tilespmem:s22], [sflag:$0x5] =	stream.linear.gather [spmem:s21], $0x80, $0x38;
	[tilespmem:$0x15880] =	vst v63  }
0x269: {  	s29 =	simm.s32 $0x10E80;
	s30 =	sld [smem:$0x7D3]  }
0x26a: {  	[tilespmem:s29], [sflag:$0x5] =	stream.linear.gather [spmem:s23], $0x80, $0x38;
	[tilespmem:$0x15880] =	vst v63  }
0x26b: {  	s31 =	simm.s32 $0x11280;
	s4 =	sld [smem:$0x7D4]  }
0x26c: {  	[tilespmem:s31], [sflag:$0x5] =	stream.linear.gather [spmem:s30], $0x80, $0x38;
	[tilespmem:$0x15880] =	vst v63  }
0x26d: {  	s13 =	simm.s32 $0x11680;
	s15 =	sld [smem:$0x7D5]  }
0x26e: {  	[tilespmem:s13], [sflag:$0x5] =	stream.linear.gather [spmem:s4], $0x80, $0x38;
	[tilespmem:$0x15880] =	vst v63  }
0x26f: {  	s18 =	simm.s32 $0x11A80  }
0x270: {  	[tilespmem:s18], [sflag:$0x5] =	stream.linear.gather [spmem:s15], $0x80, $0x38;
	[tilespmem:$0x15880] =	vst v63  }
0x271: {  	_ =	swait.ge [sflag:s17], $0x280  }
0x272: {  	[sflag:s17] =	ssyncset.done $0x0;
	s19 =	rddreg [dreg:$0x18]  }
0x273: {  	s20 =	simm.s32 $0x10B00;
	s21 =	sld [smem:$0x7D6];
	[sflag:s17] =	ssyncadd.s32 $0xFFFFFD80  }
0x274: {  	[tilespmem:s20], [sflag:$0x5] =	stream.linear.gather [spmem:s19], $0x80, $0x38;
	[tilespmem:$0x15880] =	vst v63  }
0x275: {  	s22 =	simm.s32 $0x10F00;
	s23 =	sld [smem:$0x7D7]  }
0x276: {  	[tilespmem:s22], [sflag:$0x5] =	stream.linear.gather [spmem:s21], $0x80, $0x38;
	[tilespmem:$0x15880] =	vst v63  }
0x277: {  	s29 =	simm.s32 $0x11300;
	s30 =	sld [smem:$0x7D8]  }
0x278: {  	[tilespmem:s29], [sflag:$0x5] =	stream.linear.gather [spmem:s23], $0x80, $0x38;
	[tilespmem:$0x15880] =	vst v63  }
0x279: {  	s31 =	simm.s32 $0x11700;
	s4 =	sld [smem:$0x7D9]  }
0x27a: {  	[tilespmem:s31], [sflag:$0x5] =	stream.linear.gather [spmem:s30], $0x80, $0x38;
	[tilespmem:$0x15880] =	vst v63  }
0x27b: {  	s13 =	simm.s32 $0x11B00  }
0x27c: {  	[tilespmem:s13], [sflag:$0x5] =	stream.linear.gather [spmem:s4], $0x80, $0x38;
	[tilespmem:$0x15880] =	vst v63  }
0x27d: {  	_ =	swait.ge [sflag:s17], $0x280  }
0x27e: {  	[sflag:s17] =	ssyncset.done $0x0;
	s15 =	rddreg [dreg:$0x19]  }
0x27f: {  	s18 =	simm.s32 $0x10B80;
	s19 =	sld [smem:$0x7DA];
	[sflag:s17] =	ssyncadd.s32 $0xFFFFFD80  }
0x280: {  	[tilespmem:s18], [sflag:$0x5] =	stream.linear.gather [spmem:s15], $0x80, $0x38;
	[tilespmem:$0x15880] =	vst v63  }
0x281: {  	s20 =	simm.s32 $0x10F80;
	s21 =	sld [smem:$0x7DB]  }
0x282: {  	[tilespmem:s20], [sflag:$0x5] =	stream.linear.gather [spmem:s19], $0x80, $0x38;
	[tilespmem:$0x15880] =	vst v63  }
0x283: {  	s22 =	simm.s32 $0x11380;
	s23 =	sld [smem:$0x7DC]  }
0x284: {  	[tilespmem:s22], [sflag:$0x5] =	stream.linear.gather [spmem:s21], $0x80, $0x38;
	[tilespmem:$0x15880] =	vst v63  }
0x285: {  	s29 =	simm.s32 $0x11780;
	s30 =	sld [smem:$0x7DD]  }
0x286: {  	[tilespmem:s29], [sflag:$0x5] =	stream.linear.gather [spmem:s23], $0x80, $0x38;
	[tilespmem:$0x15880] =	vst v63  }
0x287: {  	s31 =	simm.s32 $0x11B80  }
0x288: {  	[tilespmem:s31], [sflag:$0x5] =	stream.linear.gather [spmem:s30], $0x80, $0x38;
	[tilespmem:$0x15880] =	vst v63  }
0x289: {  	_ =	swait.ge [sflag:s17], $0x280  }
0x28a: {  	[sflag:s17] =	ssyncset.done $0x0;
	s4 =	rddreg [dreg:$0x1a]  }
0x28b: {  	s13 =	simm.s32 $0x11C00;
	s15 =	sld [smem:$0x7DE];
	[sflag:s17] =	ssyncadd.s32 $0xFFFFFD80  }
0x28c: {  	[tilespmem:s13], [sflag:$0x5] =	stream.linear.gather [spmem:s4], $0x80, $0x38;
	[tilespmem:$0x15880] =	vst v63  }
0x28d: {  	s18 =	simm.s32 $0x12000;
	s19 =	sld [smem:$0x7DF]  }
0x28e: {  	[tilespmem:s18], [sflag:$0x5] =	stream.linear.gather [spmem:s15], $0x80, $0x38;
	[tilespmem:$0x15880] =	vst v63  }
0x28f: {  	s20 =	simm.s32 $0x12400;
	s21 =	sld [smem:$0x7E0]  }
0x290: {  	[tilespmem:s20], [sflag:$0x5] =	stream.linear.gather [spmem:s19], $0x80, $0x38;
	[tilespmem:$0x15880] =	vst v63  }
0x291: {  	s22 =	simm.s32 $0x12800;
	s23 =	sld [smem:$0x7E1]  }
0x292: {  	[tilespmem:s22], [sflag:$0x5] =	stream.linear.gather [spmem:s21], $0x80, $0x38;
	[tilespmem:$0x15880] =	vst v63  }
0x293: {  	s29 =	simm.s32 $0x12C00  }
0x294: {  	[tilespmem:s29], [sflag:$0x5] =	stream.linear.gather [spmem:s23], $0x80, $0x38;
	[tilespmem:$0x15880] =	vst v63  }
0x295: {  	_ =	swait.ge [sflag:s17], $0x280  }
0x296: {  	[sflag:s17] =	ssyncset.done $0x0;
	s30 =	rddreg [dreg:$0x1b]  }
0x297: {  	s31 =	simm.s32 $0x11C80;
	s4 =	sld [smem:$0x7E2];
	[sflag:s17] =	ssyncadd.s32 $0xFFFFFD80  }
0x298: {  	[tilespmem:s31], [sflag:$0x5] =	stream.linear.gather [spmem:s30], $0x80, $0x38;
	[tilespmem:$0x15880] =	vst v63  }
0x299: {  	s13 =	simm.s32 $0x12080;
	s15 =	sld [smem:$0x7E3]  }
0x29a: {  	[tilespmem:s13], [sflag:$0x5] =	stream.linear.gather [spmem:s4], $0x80, $0x38;
	[tilespmem:$0x15880] =	vst v63  }
0x29b: {  	s18 =	simm.s32 $0x12480;
	s19 =	sld [smem:$0x7E4]  }
0x29c: {  	[tilespmem:s18], [sflag:$0x5] =	stream.linear.gather [spmem:s15], $0x80, $0x38;
	[tilespmem:$0x15880] =	vst v63  }
0x29d: {  	s20 =	simm.s32 $0x12880;
	s21 =	sld [smem:$0x7E5]  }
0x29e: {  	[tilespmem:s20], [sflag:$0x5] =	stream.linear.gather [spmem:s19], $0x80, $0x38;
	[tilespmem:$0x15880] =	vst v63  }
0x29f: {  	s22 =	simm.s32 $0x12C80  }
0x2a0: {  	[tilespmem:s22], [sflag:$0x5] =	stream.linear.gather [spmem:s21], $0x80, $0x38;
	[tilespmem:$0x15880] =	vst v63  }
0x2a1: {  	_ =	swait.ge [sflag:s17], $0x280  }
0x2a2: {  	[sflag:s17] =	ssyncset.done $0x0;
	s23 =	rddreg [dreg:$0x1c]  }
0x2a3: {  	s29 =	simm.s32 $0x11D00;
	s30 =	sld [smem:$0x7E6];
	[sflag:s17] =	ssyncadd.s32 $0xFFFFFD80  }
0x2a4: {  	[tilespmem:s29], [sflag:$0x5] =	stream.linear.gather [spmem:s23], $0x80, $0x38;
	[tilespmem:$0x15880] =	vst v63  }
0x2a5: {  	s31 =	simm.s32 $0x12100;
	s4 =	sld [smem:$0x7E7]  }
0x2a6: {  	[tilespmem:s31], [sflag:$0x5] =	stream.linear.gather [spmem:s30], $0x80, $0x38;
	[tilespmem:$0x15880] =	vst v63  }
0x2a7: {  	s13 =	simm.s32 $0x12500;
	s15 =	sld [smem:$0x7E8]  }
0x2a8: {  	[tilespmem:s13], [sflag:$0x5] =	stream.linear.gather [spmem:s4], $0x80, $0x38;
	[tilespmem:$0x15880] =	vst v63  }
0x2a9: {  	s18 =	simm.s32 $0x12900;
	s19 =	sld [smem:$0x7E9]  }
0x2aa: {  	[tilespmem:s18], [sflag:$0x5] =	stream.linear.gather [spmem:s15], $0x80, $0x38;
	[tilespmem:$0x15880] =	vst v63  }
0x2ab: {  	s20 =	simm.s32 $0x12D00  }
0x2ac: {  	[tilespmem:s20], [sflag:$0x5] =	stream.linear.gather [spmem:s19], $0x80, $0x38;
	[tilespmem:$0x15880] =	vst v63  }
0x2ad: {  	_ =	swait.ge [sflag:s17], $0x280  }
0x2ae: {  	[sflag:s17] =	ssyncset.done $0x0;
	s21 =	rddreg [dreg:$0x1d]  }
0x2af: {  	s22 =	simm.s32 $0x11D80;
	s23 =	sld [smem:$0x7EA];
	[sflag:s17] =	ssyncadd.s32 $0xFFFFFD80  }
0x2b0: {  	[tilespmem:s22], [sflag:$0x5] =	stream.linear.gather [spmem:s21], $0x80, $0x38;
	[tilespmem:$0x15880] =	vst v63  }
0x2b1: {  	s29 =	simm.s32 $0x12180;
	s30 =	sld [smem:$0x7EB]  }
0x2b2: {  	[tilespmem:s29], [sflag:$0x5] =	stream.linear.gather [spmem:s23], $0x80, $0x38;
	[tilespmem:$0x15880] =	vst v63  }
0x2b3: {  	s31 =	simm.s32 $0x12580;
	s4 =	sld [smem:$0x7EC]  }
0x2b4: {  	[tilespmem:s31], [sflag:$0x5] =	stream.linear.gather [spmem:s30], $0x80, $0x38;
	[tilespmem:$0x15880] =	vst v63  }
0x2b5: {  	s13 =	simm.s32 $0x12980;
	s15 =	sld [smem:$0x7ED]  }
0x2b6: {  	[tilespmem:s13], [sflag:$0x5] =	stream.linear.gather [spmem:s4], $0x80, $0x38;
	[tilespmem:$0x15880] =	vst v63  }
0x2b7: {  	s18 =	simm.s32 $0x12D80  }
0x2b8: {  	[tilespmem:s18], [sflag:$0x5] =	stream.linear.gather [spmem:s15], $0x80, $0x38;
	[tilespmem:$0x15880] =	vst v63  }
0x2b9: {  	_ =	swait.ge [sflag:s17], $0x280  }
0x2ba: {  	[sflag:s17] =	ssyncset.done $0x0;
	s19 =	rddreg [dreg:$0x1e]  }
0x2bb: {  	s20 =	simm.s32 $0x11E00;
	s21 =	sld [smem:$0x7EE];
	[sflag:s17] =	ssyncadd.s32 $0xFFFFFD80  }
0x2bc: {  	[tilespmem:s20], [sflag:$0x5] =	stream.linear.gather [spmem:s19], $0x80, $0x38;
	[tilespmem:$0x15880] =	vst v63  }
0x2bd: {  	s22 =	simm.s32 $0x12200;
	s23 =	sld [smem:$0x7EF]  }
0x2be: {  	[tilespmem:s22], [sflag:$0x5] =	stream.linear.gather [spmem:s21], $0x80, $0x38;
	[tilespmem:$0x15880] =	vst v63  }
0x2bf: {  	s29 =	simm.s32 $0x12600;
	s30 =	sld [smem:$0x7F0]  }
0x2c0: {  	[tilespmem:s29], [sflag:$0x5] =	stream.linear.gather [spmem:s23], $0x80, $0x38;
	[tilespmem:$0x15880] =	vst v63  }
0x2c1: {  	s31 =	simm.s32 $0x12A00;
	s4 =	sld [smem:$0x7F1]  }
0x2c2: {  	[tilespmem:s31], [sflag:$0x5] =	stream.linear.gather [spmem:s30], $0x80, $0x38;
	[tilespmem:$0x15880] =	vst v63  }
0x2c3: {  	s13 =	simm.s32 $0x12E00  }
0x2c4: {  	[tilespmem:s13], [sflag:$0x5] =	stream.linear.gather [spmem:s4], $0x80, $0x38;
	[tilespmem:$0x15880] =	vst v63  }
0x2c5: {  	_ =	swait.ge [sflag:s17], $0x280  }
0x2c6: {  	[sflag:s17] =	ssyncset.done $0x0;
	s15 =	rddreg [dreg:$0x1f]  }
0x2c7: {  	s18 =	simm.s32 $0x11E80;
	s19 =	sld [smem:$0x7F2];
	[sflag:s17] =	ssyncadd.s32 $0xFFFFFD80  }
0x2c8: {  	[tilespmem:s18], [sflag:$0x5] =	stream.linear.gather [spmem:s15], $0x80, $0x38;
	[tilespmem:$0x15880] =	vst v63  }
0x2c9: {  	s20 =	simm.s32 $0x12280;
	s21 =	sld [smem:$0x7F3]  }
0x2ca: {  	[tilespmem:s20], [sflag:$0x5] =	stream.linear.gather [spmem:s19], $0x80, $0x38;
	[tilespmem:$0x15880] =	vst v63  }
0x2cb: {  	s22 =	simm.s32 $0x12680;
	s23 =	sld [smem:$0x7F4]  }
0x2cc: {  	[tilespmem:s22], [sflag:$0x5] =	stream.linear.gather [spmem:s21], $0x80, $0x38;
	[tilespmem:$0x15880] =	vst v63  }
0x2cd: {  	s29 =	simm.s32 $0x12A80;
	s30 =	sld [smem:$0x7F5]  }
0x2ce: {  	[tilespmem:s29], [sflag:$0x5] =	stream.linear.gather [spmem:s23], $0x80, $0x38;
	[tilespmem:$0x15880] =	vst v63  }
0x2cf: {  	s31 =	simm.s32 $0x12E80  }
0x2d0: {  	[tilespmem:s31], [sflag:$0x5] =	stream.linear.gather [spmem:s30], $0x80, $0x38;
	[tilespmem:$0x15880] =	vst v63  }
0x2d1: {  	_ =	swait.ge [sflag:s17], $0x280  }
0x2d2: {  	s4 =	sld [smem:$0x7BC]  }
0x2d3: {  	[sflag:s17] =	ssyncset.done $0x0  }
0x2d4: {  	s13 =	simm.s32 $0x11F00;
	s15 =	sld [smem:$0x7F6];
	[sflag:s17] =	ssyncadd.s32 $0xFFFFFD80  }
0x2d5: {  	[tilespmem:s13], [sflag:$0x5] =	stream.linear.gather [spmem:s4], $0x80, $0x38;
	[tilespmem:$0x15880] =	vst v63  }
0x2d6: {  	s18 =	simm.s32 $0x12300;
	s19 =	sld [smem:$0x7F7]  }
0x2d7: {  	[tilespmem:s18], [sflag:$0x5] =	stream.linear.gather [spmem:s15], $0x80, $0x38;
	[tilespmem:$0x15880] =	vst v63  }
0x2d8: {  	s20 =	simm.s32 $0x12700;
	s21 =	sld [smem:$0x7F8]  }
0x2d9: {  	[tilespmem:s20], [sflag:$0x5] =	stream.linear.gather [spmem:s19], $0x80, $0x38;
	[tilespmem:$0x15880] =	vst v63  }
0x2da: {  	s22 =	simm.s32 $0x12B00;
	s23 =	sld [smem:$0x7F9]  }
0x2db: {  	[tilespmem:s22], [sflag:$0x5] =	stream.linear.gather [spmem:s21], $0x80, $0x38;
	[tilespmem:$0x15880] =	vst v63  }
0x2dc: {  	s29 =	simm.s32 $0x12F00  }
0x2dd: {  	[tilespmem:s29], [sflag:$0x5] =	stream.linear.gather [spmem:s23], $0x80, $0x38;
	[tilespmem:$0x15880] =	vst v63  }
0x2de: {  	_ =	swait.ge [sflag:s17], $0x280  }
0x2df: {  	s30 =	sld [smem:$0x7BD]  }
0x2e0: {  	[sflag:s17] =	ssyncset.done $0x0  }
0x2e1: {  	s31 =	simm.s32 $0x11F80;
	s13 =	sld [smem:$0x7FA];
	[sflag:s17] =	ssyncadd.s32 $0xFFFFFD80  }
0x2e2: {  	[tilespmem:s31], [sflag:$0x5] =	stream.linear.gather [spmem:s30], $0x80, $0x38;
	[tilespmem:$0x15880] =	vst v63  }
0x2e3: {  	s15 =	simm.s32 $0x12380;
	s18 =	sld [smem:$0x7FB]  }
0x2e4: {  	[tilespmem:s15], [sflag:$0x5] =	stream.linear.gather [spmem:s13], $0x80, $0x38;
	[tilespmem:$0x15880] =	vst v63  }
0x2e5: {  	s19 =	simm.s32 $0x12780;
	s20 =	sld [smem:$0x7FC]  }
0x2e6: {  	[tilespmem:s19], [sflag:$0x5] =	stream.linear.gather [spmem:s18], $0x80, $0x38;
	[tilespmem:$0x15880] =	vst v63  }
0x2e7: {  	s21 =	simm.s32 $0x12B80;
	s22 =	sld [smem:$0x7FD]  }
0x2e8: {  	[tilespmem:s21], [sflag:$0x5] =	stream.linear.gather [spmem:s20], $0x80, $0x38;
	[tilespmem:$0x15880] =	vst v63  }
0x2e9: {  	s23 =	simm.s32 $0x12F80;
	s29 =	simm.s32 $0x0  }
0x2ea: {  	[tilespmem:s23], [sflag:$0x5] =	stream.linear.gather [spmem:s22], $0x80, $0x38;
	[tilespmem:$0x15880] =	vst v63  }
0x2eb: {  	s30 =	sand.u32 $0x70, s29;
	s31 =	sand.u32 $0x1C00, s29;
	_ =	swait.ge [sflag:s17], $0x280  }
0x2ec: {  	s3 =	sor.u32 s30, s31;
	[sflag:s17] =	ssyncset.done $0x0  }
0x2ed: {  	s13 =	sadd.s32 $0x10800, s3;
	[sflag:s17] =	ssyncadd.s32 $0xFFFFFD80  }
0x2ee: {  	v5 =	vld [tilespmem:s13+$0x80]  }
0x2ef: {  	v6 =	vld [tilespmem:s3+$0x10800];
	_ =	sdelay $0x1  }
0x2f0: {  	v7 =	vld [tilespmem:s13+$0x100];
	_ =	sdelay $0x1  }
0x2f1: {  	v8 =	vld [tilespmem:s13+$0x180]  }
0x2f2: {  	v5 =	vadd.f32 v5, v6  }
0x2f3: {  	v6 =	vld [tilespmem:s13+$0x200]  }
0x2f4: {  	v5 =	vadd.f32 v7, v5  }
0x2f5: {  	v7 =	vld [tilespmem:s13+$0x280]  }
0x2f6: {  	v5 =	vadd.f32 v8, v5  }
0x2f7: {  	s4 =	sor.u32 s29, s29;
	v60 =	vld [tilespmem:s13+$0x300]  }
0x2f8: {  	s4 =	sor.u32 $0x380, s4;
	v5 =	vadd.f32 v6, v5  }
0x2f9: {  	v6 =	vld [tilespmem:s4+$0x10800]  }
0x2fa: {  	v5 =	vadd.f32 v7, v5  }
0x2fb: {  	v7 =	vld [tilespmem:s3+$0x11C00]  }
0x2fc: {  	v5 =	vadd.f32 v60, v5  }
0x2fd: {  	v61 =	vld [tilespmem:s3+$0x11C80]  }
0x2fe: {  	v5 =	vadd.f32 v6, v5  }
0x2ff: {  	v6 =	vld [tilespmem:s3+$0x11D00]  }
0x300: {  	v5 =	vadd.f32 v7, v5  }
0x301: {  	v7 =	vld [tilespmem:s3+$0x11D80]  }
0x302: {  	v5 =	vadd.f32 v61, v5  }
0x303: {  	v62 =	vld [tilespmem:s3+$0x11E00]  }
0x304: {  	v5 =	vadd.f32 v6, v5  }
0x305: {  	v6 =	vld [tilespmem:s3+$0x11E80]  }
0x306: {  	v5 =	vadd.f32 v7, v5  }
0x307: {  	v7 =	vld [tilespmem:s3+$0x11F00]  }
0x308: {  	v5 =	vadd.f32 v62, v5  }
0x309: {  	v63 =	vld [tilespmem:s3+$0x11F80]  }
0x30a: {  	v5 =	vadd.f32 v6, v5;
	_ =	sdelay $0x1  }
0x30b: {  	s13 =	simm.s32 $0x80;
	s4 =	simm.s32 $0x10;
	v5 =	vadd.f32 v7, v5  }
0x30c: {  	s18 =	sand.u32 $0x1C00, s13;
	s15 =	sand.u32 $0x70, s4  }
0x30d: {  	s18 =	sor.u32 s15, s18;
	s15 =	simm.s32 $0x20;
	v5 =	vadd.f32 v63, v5  }
.LBB2_15:
0x30e: {  	p0 =	sne.s32 s15, $0x270;
	s19 =	sadd.s32 $0x10800, s18  }
0x30f: {  	v6 =	vld [tilespmem:s19+$0x80];
	[tilespmem:s3+$0x10800] =	vst v5;
	s3 =	smov.u32 s18  }
0x310: {  	v5 =	vld [tilespmem:s3+$0x10800];
	_ =	sdelay $0x1  }
0x311: {  	v7 =	vld [tilespmem:s19+$0x100];
	_ =	sdelay $0x1  }
0x312: {  	v8 =	vld [tilespmem:s19+$0x180]  }
0x313: {  	v5 =	vadd.f32 v6, v5  }
0x314: {  	v6 =	vld [tilespmem:s19+$0x200]  }
0x315: {  	v5 =	vadd.f32 v7, v5  }
0x316: {  	v7 =	vld [tilespmem:s19+$0x280]  }
0x317: {  	v5 =	vadd.f32 v8, v5  }
0x318: {  	s18 =	sor.u32 s13, s4;
	s4 =	smov.u32 s15;
	v8 =	vld [tilespmem:s19+$0x300]  }
0x319: {  	s18 =	sor.u32 $0x380, s18;
	v5 =	vadd.f32 v6, v5  }
0x31a: {  	v6 =	vld [tilespmem:s18+$0x10800]  }
0x31b: {  	v5 =	vadd.f32 v7, v5  }
0x31c: {  	v7 =	vld [tilespmem:s3+$0x11C00]  }
0x31d: {  	v5 =	vadd.f32 v8, v5  }
0x31e: {  	v8 =	vld [tilespmem:s3+$0x11C80]  }
0x31f: {  	v5 =	vadd.f32 v6, v5  }
0x320: {  	v6 =	vld [tilespmem:s3+$0x11D00]  }
0x321: {  	v5 =	vadd.f32 v7, v5  }
0x322: {  	v7 =	vld [tilespmem:s3+$0x11D80]  }
0x323: {  	v5 =	vadd.f32 v8, v5  }
0x324: {  	v8 =	vld [tilespmem:s3+$0x11E00]  }
0x325: {  	v5 =	vadd.f32 v6, v5  }
0x326: {  	v6 =	vld [tilespmem:s3+$0x11E80]  }
0x327: {  	v5 =	vadd.f32 v7, v5  }
0x328: {  	v7 =	vld [tilespmem:s3+$0x11F00]  }
0x329: {  	v5 =	vadd.f32 v8, v5  }
0x32a: {  	v8 =	vld [tilespmem:s3+$0x11F80]  }
.Ltmp7:
0x32b: {  	v5 =	vadd.f32 v6, v5;
	(pc) =	sbr.rel @p0 .LBB2_15-.Ltmp7, $4  }
0x32c: {  	_ = 	snop  }
0x32d: {  	s13 =	sadd.s32 $0x80, s13;
	v5 =	vadd.f32 v7, v5  }
0x32e: {  	s19 =	sand.u32 $0x1C00, s13;
	s18 =	sand.u32 $0x70, s15  }
0x32f: {  	s15 =	sadd.s32 $0x10, s15;
	s18 =	sor.u32 s18, s19;
	v5 =	vadd.f32 v8, v5  }
0x330: {  	s15 =	sadd.s32 $0x10800, s18  }
0x331: {  	v6 =	vld [tilespmem:s15+$0x80];
	[tilespmem:s3+$0x10800] =	vst v5  }
0x332: {  	v5 =	vld [tilespmem:s18+$0x10800];
	_ =	sdelay $0x1  }
0x333: {  	v7 =	vld [tilespmem:s15+$0x100];
	_ =	sdelay $0x1  }
0x334: {  	v8 =	vld [tilespmem:s15+$0x180]  }
0x335: {  	v5 =	vadd.f32 v6, v5  }
0x336: {  	v6 =	vld [tilespmem:s15+$0x200]  }
0x337: {  	v5 =	vadd.f32 v7, v5  }
0x338: {  	v7 =	vld [tilespmem:s15+$0x280]  }
0x339: {  	v5 =	vadd.f32 v8, v5  }
0x33a: {  	s30 =	sor.u32 s13, s4;
	v60 =	vld [tilespmem:s15+$0x300]  }
0x33b: {  	s3 =	sor.u32 $0x380, s30;
	v5 =	vadd.f32 v6, v5  }
0x33c: {  	v6 =	vld [tilespmem:s3+$0x10800]  }
0x33d: {  	v5 =	vadd.f32 v7, v5  }
0x33e: {  	v7 =	vld [tilespmem:s18+$0x11C00]  }
0x33f: {  	v5 =	vadd.f32 v60, v5  }
0x340: {  	v61 =	vld [tilespmem:s18+$0x11C80]  }
0x341: {  	v5 =	vadd.f32 v6, v5  }
0x342: {  	v6 =	vld [tilespmem:s18+$0x11D00]  }
0x343: {  	v5 =	vadd.f32 v7, v5  }
0x344: {  	v7 =	vld [tilespmem:s18+$0x11D80]  }
0x345: {  	v5 =	vadd.f32 v61, v5  }
0x346: {  	v62 =	vld [tilespmem:s18+$0x11E00]  }
0x347: {  	v5 =	vadd.f32 v6, v5  }
0x348: {  	v6 =	vld [tilespmem:s18+$0x11E80]  }
0x349: {  	v5 =	vadd.f32 v7, v5  }
0x34a: {  	v7 =	vld [tilespmem:s18+$0x11F00]  }
0x34b: {  	v5 =	vadd.f32 v62, v5  }
0x34c: {  	v63 =	vld [tilespmem:s18+$0x11F80]  }
0x34d: {  	v5 =	vadd.f32 v6, v5;
	_ =	sdelay $0x1  }
0x34e: {  	v5 =	vadd.f32 v7, v5;
	_ =	sdelay $0x1  }
0x34f: {  	v5 =	vadd.f32 v63, v5;
	_ =	sdelay $0x1  }
0x350: {  	s31 =	rddreg [dreg:$0x11];
	s13 =	simm.s32 $0x10800;
	[tilespmem:s18+$0x10800] =	vst v5  }
0x351: {  	[hbm4b:s31+s5] =	stream.linear.scatter [tilespmem:s13], [sflag:$0x5], $0x80, $0x38;
	[tilespmem:$0x15880] =	vst v63  }
0x352: {  	s15 =	sadd.s32 $0x20, s31;
	s18 =	simm.s32 $0x10C00  }
0x353: {  	[hbm4b:s15+s5] =	stream.linear.scatter [tilespmem:s18], [sflag:$0x5], $0x80, $0x38;
	[tilespmem:$0x15880] =	vst v63  }
0x354: {  	s20 =	simm.s32 $0x11000;
	s19 =	sadd.s32 $0x40, s31  }
0x355: {  	[hbm4b:s19+s5] =	stream.linear.scatter [tilespmem:s20], [sflag:$0x5], $0x80, $0x38;
	[tilespmem:$0x15880] =	vst v63  }
0x356: {  	s22 =	simm.s32 $0x11400;
	s21 =	sadd.s32 $0x60, s31  }
0x357: {  	[hbm4b:s21+s5] =	stream.linear.scatter [tilespmem:s22], [sflag:$0x5], $0x80, $0x38;
	[tilespmem:$0x15880] =	vst v63  }
0x358: {  	s29 =	simm.s32 $0x11800;
	s23 =	sadd.s32 $0x80, s31  }
0x359: {  	[hbm4b:s23+s5] =	stream.linear.scatter [tilespmem:s29], [sflag:$0x5], $0x80, $0x38;
	[tilespmem:$0x15880] =	vst v63  }
0x35a: {  	_ =	swait.ge [sflag:s17], $0x280  }
0x35b: {  	s30 =	sld [smem:$0x7BB];
	_ =	sdelay $0x2  }
0x35c: {  	s31 =	rddreg [dreg:$0x12];
	s4 =	sadd.s32 $0x1, s30  }
0x35d: {  	p0 =	sne.s32 s4, s31  }
.Ltmp8:
0x35e: {  	_ = 	snop;
	(pc) =	sbr.rel @p0 .LBB2_1-.Ltmp8, $3  }
0x35f: {  	_ =	sdelay $0x1  }
0x360: {  	[sflag:s17] =	ssyncset.done $0x0  }
0x361: {  	[sflag:s17] =	ssyncadd.s32 $0xFFFFFD80  }
0x362: {  	_ =	sfence.sel $0x180000  }
0x363: {  	[bflag:$0x0] =	sbarrier.arrive $0xFFFF  }
0x364: {  	_ =	strace $0x90000047  }
0x365: {  	s0 =	stileid.u32;
	[bflag:$0x2] =	sbarrier.arrive $0xFFFF  }
0x366: {  	p0 =	sne.s32 s0, $0x0;
	s0 =	rddreg [dreg:$0x6]  }
0x367: {  	s0 =	sadd.s32 @!p0 $0x100000, s0  }
0x368: {  	[sflag:s0] =	ssyncadd.tile.s32 @!p0 $0x1;
	_ =	shalt  }
.Lfunc_end2:
_tile_overlayer_lowered:
.L_overlay_start_2:
0x369: {  	(tag) =	ssettag $0x2  }
0x36a: {  	s0 =	rddreg [dreg:$0x0];
	s2 =	stileid.u32  }
0x36b: {  	s1 =	rddreg [dreg:$0x1];
	p0 =	sne.s32 s2, $0x0  }
0x36c: {  	s3 =	rddreg [dreg:$0x2];
	[bflag:$0x3] =	sbarrier.arrive $0xFFFF;
	s2 =	simm.s32 @!p0 $0x1C05  }
0x36d: {  	[timem:s3], [sflag:s2] =	dma.local @!p0 [hbm:s0], s1  }
0x36e: {  	s0 =	simm.s32 @!p0 $0x5  }
0x36f: {  	_ =	swait.ge @!p0 [sflag:s0], s1  }
0x370: {  	s1 =	ssub.s32 @!p0 $0x0, s1;
	[sflag:s0] =	ssyncset.done @!p0 $0x0  }
0x371: {  	[sflag:s0] =	ssyncadd.s32 @!p0 s1  }
0x372: {  	[bflag:$0x3] =	sbarrier.arrive $0xFFFF  }
0x373: {  	_ =	shalt  }

</sc_bundles>
